<compile_context>
chip_gen: v7x
topology: tpu7x:2x2x1
jax: 0.10.2.dev20260603
libtpu: 0.0.44.dev20260713+nightly
codegen_flags: <defaults>
</compile_context>

<pallas_src>
import functools

import jax
import jax.numpy as jnp
from jax import lax
from jax.experimental import pallas as pl
from jax.experimental.pallas import tpu as pltpu
from jax.experimental.pallas import tpu_sc as plsc

N = 10000
E = 320000
D_IN, H1, H2 = 128, 64, 32

NC, NS = 2, 16
NW = NC * NS

NP = 10240
RPT = NP // NS
IW = 500
CHUNK = 500
KSUB = CHUNK // IW
NCHUNK = E // CHUNK
CPW = NCHUNK // NW
RPWMAX = CPW * KSUB

_MESH = plsc.VectorSubcoreMesh(core_axis_name="c", subcore_axis_name="s",
                               num_cores=NC, num_subcores=NS)
_SC_PARAMS = pltpu.CompilerParams(use_tc_tiling_on_sc=False)


DRPW = NCHUNK // NW

@functools.partial(
    pl.kernel,
    out_type=jax.ShapeDtypeStruct((NC, NP), jnp.float32),
    mesh=_MESH,
    scratch_types=[
        pltpu.VMEM((DRPW, IW), jnp.int32),
        pltpu.VMEM((512,), jnp.float32),
        pltpu.VMEM((RPT,), jnp.float32),
        pltpu.VMEM_SHARED((NP,), jnp.float32),
    ],
    compiler_params=_SC_PARAMS,
)
def _deg_kernel(dst_hbm, out_hbm, didx, ones, zbuf, acc):
    cid = lax.axis_index("c")
    sid = lax.axis_index("s")
    wid = cid * NS + sid
    zero16 = jnp.zeros((16,), jnp.float32)
    one16 = jnp.ones((16,), jnp.float32)

    def _zero(i, _):
        zbuf[pl.ds(i * 16, 16)] = zero16
        return 0

    lax.fori_loop(0, RPT // 16, _zero, 0)
    for i in range(512 // 16):
        ones[pl.ds(i * 16, 16)] = one16
    pltpu.sync_copy(zbuf, acc.at[pl.ds(sid * RPT, RPT)])
    plsc.subcore_barrier()

    pltpu.sync_copy(dst_hbm.at[pl.ds(wid * DRPW, DRPW)], didx)

    def _body(k, _):
        pltpu.sync_copy(ones.at[pl.ds(0, IW)], acc.at[didx.at[k]], add=True)
        return 0

    lax.fori_loop(0, DRPW, _body, 0)
    plsc.subcore_barrier()
    pltpu.sync_copy(acc.at[pl.ds(sid * RPT, RPT)],
                    out_hbm.at[cid, pl.ds(sid * RPT, RPT)])


def _make_agg(H):
    @functools.partial(
        pl.kernel,
        out_type=jax.ShapeDtypeStruct((NC, NP, H), jnp.float32),
        mesh=_MESH,
        scratch_types=[
            pltpu.VMEM((RPWMAX, IW), jnp.int32),
            pltpu.VMEM((RPWMAX, IW), jnp.int32),
            pltpu.VMEM((2, CHUNK, H), jnp.float32),
            pltpu.VMEM((32, H), jnp.float32),
            pltpu.VMEM_SHARED((NP, H), jnp.float32),
            pltpu.SemaphoreType.DMA,
            pltpu.SemaphoreType.DMA,
            pltpu.SemaphoreType.DMA,
            pltpu.SemaphoreType.DMA,
        ],
        compiler_params=_SC_PARAMS,
    )
    def _agg(hs_hbm, src_hbm, dst_hbm, out_hbm, sidx, didx, rows, zbuf, acc,
             g0, g1, s0, s1):
        cid = lax.axis_index("c")
        sid = lax.axis_index("s")
        zero16 = jnp.zeros((16,), jnp.float32)
        hh = H // 16

        def _zero(i, _):
            zbuf[i // hh, pl.ds((i % hh) * 16, 16)] = zero16
            return 0

        lax.fori_loop(0, 32 * hh, _zero, 0)

        def _init(t, _):
            pltpu.sync_copy(zbuf, acc.at[pl.ds(sid * RPT + t * 32, 32)])
            return 0

        lax.fori_loop(0, RPT // 32, _init, 0)
        plsc.subcore_barrier()

        wid = cid * NS + sid
        ib = wid * RPWMAX
        pltpu.sync_copy(src_hbm.at[pl.ds(ib, RPWMAX)], sidx)
        pltpu.sync_copy(dst_hbm.at[pl.ds(ib, RPWMAX)], didx)

        rb = (rows.at[0], rows.at[1])
        gs = (g0, g1)
        ss = (s0, s1)

        def fire_g(k, b):
            pltpu.async_copy(hs_hbm.at[sidx.at[k]], rb[b], gs[b])

        def wait_g(b):
            pltpu.make_async_copy(hs_hbm.at[pl.ds(0, CHUNK)], rb[b],
                                  gs[b]).wait()

        def fire_s(k, b):
            pltpu.async_copy(rb[b], acc.at[didx.at[k]], ss[b], add=True)

        def wait_s(k, b):
            pltpu.make_async_copy(rb[b], acc.at[didx.at[k]], ss[b]).wait()

        fire_g(0, 0)
        fire_g(1, 1)
        wait_g(0)
        fire_s(0, 0)

        def _body(i, _):
            k1 = 2 * i + 1
            wait_g(1)
            fire_s(k1, 1)
            wait_s(k1 - 1, 0)
            fire_g(k1 + 1, 0)
            k2 = 2 * i + 2
            wait_g(0)
            fire_s(k2, 0)
            wait_s(k1, 1)
            fire_g(k2 + 1, 1)
            return 0

        lax.fori_loop(0, (CPW - 2) // 2, _body, 0)
        klast = CPW - 1
        wait_g(1)
        fire_s(klast, 1)
        wait_s(klast - 1, 0)
        wait_s(klast, 1)
        plsc.subcore_barrier()
        for t in range(RPT // 128):
            r0 = sid * RPT + t * 128
            pltpu.sync_copy(acc.at[pl.ds(r0, 128)],
                            out_hbm.at[cid, pl.ds(r0, 128)])

    return _agg


_agg_h1 = _make_agg(H1)
_agg_h2 = _make_agg(H2)


RB = 1000

def _dinv_from(deg_blk):
    d = deg_blk[:, 0:1] + deg_blk[:, 1:2] + 1.0
    return lax.rsqrt(d)


def _tc_a_body(deg_ref, x_ref, w1_ref, hs_ref):
    dinv = _dinv_from(deg_ref[...])
    h = jnp.dot(x_ref[...], w1_ref[...], preferred_element_type=jnp.float32)
    hs_ref[...] = h * dinv


def _tc_b_body(deg_ref, agg_ref, hs1_ref, w2_ref, b1_ref, hs2_ref):
    dinv = _dinv_from(deg_ref[...])
    agg = agg_ref[0] + agg_ref[1]
    z = jnp.maximum(dinv * (agg + hs1_ref[...]) + b1_ref[...], 0.0)
    h2 = jnp.dot(z, w2_ref[...], preferred_element_type=jnp.float32)
    hs2_ref[...] = h2 * dinv


def _tc_c_body(deg_ref, agg_ref, hs2_ref, wfc_ref, b2_ref, bfc_ref, out_ref):
    dinv = _dinv_from(deg_ref[...])
    agg = agg_ref[0] + agg_ref[1]
    z = jnp.maximum(dinv * (agg + hs2_ref[...]) + b2_ref[...], 0.0)
    o = jnp.dot(z, wfc_ref[...], preferred_element_type=jnp.float32)
    out_ref[...] = 1.0 / (1.0 + jnp.exp(-(o + bfc_ref[...])))


_G = N // RB

_tc_a = pl.pallas_call(
    _tc_a_body,
    grid=(_G,),
    in_specs=[
        pl.BlockSpec((RB, 2), lambda i: (i, 0)),
        pl.BlockSpec((RB, D_IN), lambda i: (i, 0)),
        pl.BlockSpec((D_IN, H1), lambda i: (0, 0)),
    ],
    out_specs=pl.BlockSpec((RB, H1), lambda i: (i, 0)),
    out_shape=jax.ShapeDtypeStruct((N, H1), jnp.float32),
)

_tc_b = pl.pallas_call(
    _tc_b_body,
    grid=(_G,),
    in_specs=[
        pl.BlockSpec((RB, 2), lambda i: (i, 0)),
        pl.BlockSpec((NC, RB, H1), lambda i: (0, i, 0)),
        pl.BlockSpec((RB, H1), lambda i: (i, 0)),
        pl.BlockSpec((H1, H2), lambda i: (0, 0)),
        pl.BlockSpec((1, H1), lambda i: (0, 0)),
    ],
    out_specs=pl.BlockSpec((RB, H2), lambda i: (i, 0)),
    out_shape=jax.ShapeDtypeStruct((N, H2), jnp.float32),
)

_tc_c = pl.pallas_call(
    _tc_c_body,
    grid=(_G,),
    in_specs=[
        pl.BlockSpec((RB, 2), lambda i: (i, 0)),
        pl.BlockSpec((NC, RB, H2), lambda i: (0, i, 0)),
        pl.BlockSpec((RB, H2), lambda i: (i, 0)),
        pl.BlockSpec((H2, 1), lambda i: (0, 0)),
        pl.BlockSpec((1, H2), lambda i: (0, 0)),
        pl.BlockSpec((1, 1), lambda i: (0, 0)),
    ],
    out_specs=pl.BlockSpec((RB, 1), lambda i: (i, 0)),
    out_shape=jax.ShapeDtypeStruct((N, 1), jnp.float32),
)


def kernel(x, edge_index, W1, b1, W2, b2, Wfc, bfc):
    src2d = edge_index[0].reshape(NCHUNK, IW)
    dst2d = edge_index[1].reshape(NCHUNK, IW)

    degp = _deg_kernel(dst2d)
    degT = degp.T

    hs1 = _tc_a(degT, x, W1)
    agg1 = _agg_h1(hs1, src2d, dst2d)
    hs2 = _tc_b(degT, agg1, hs1, W2, b1.reshape(1, H1))
    agg2 = _agg_h2(hs2, src2d, dst2d)
    out = _tc_c(degT, agg2, hs2, Wfc, b2.reshape(1, H2), bfc.reshape(1, 1))
    return out

# --- scband reference (transcript-rebuilt; emitter-appended) ---
"""Pipeline reference for scband-gnnmodel-62569083568519 (READ-ONLY COPY).

The authoritative reference and input builder live on the scoring server;
editing this copy changes nothing except your own understanding.
"""

import jax, jax.numpy as jnp
import numpy as np

N = 10000
E = 320000
D_IN = 128
H1 = 64
H2 = 32


def setup_inputs(seed: int = 0) -> dict:
    key = jax.random.key(seed)
    ks = jax.random.split(key, 9)
    x = jax.random.normal(ks[0], (N, D_IN), dtype=jnp.float32)
    edge_index = jax.random.randint(ks[1], (2, E), 0, N, dtype=jnp.int32)
    W1 = jax.random.normal(ks[2], (D_IN, H1), dtype=jnp.float32) * (1.0 / np.sqrt(D_IN))
    b1 = jnp.zeros((H1,), dtype=jnp.float32)
    W2 = jax.random.normal(ks[3], (H1, H2), dtype=jnp.float32) * (1.0 / np.sqrt(H1))
    b2 = jnp.zeros((H2,), dtype=jnp.float32)
    Wfc = jax.random.normal(ks[4], (H2, 1), dtype=jnp.float32) * (1.0 / np.sqrt(H2))
    bfc = jnp.zeros((1,), dtype=jnp.float32)
    return {"x": x, "edge_index": edge_index, "W1": W1, "b1": b1, "W2": W2, "b2": b2, "Wfc": Wfc, "bfc": bfc}


def _gcn_conv(x, edge_index, W, b):
    # Faithful GCNConv: add self-loops, symmetric normalization D^-1/2 (A+I) D^-1/2
    n = x.shape[0]
    loop = jnp.arange(n, dtype=edge_index.dtype)
    src = jnp.concatenate([edge_index[0], loop])
    dst = jnp.concatenate([edge_index[1], loop])
    deg = jnp.zeros((n,), dtype=x.dtype).at[dst].add(1.0)
    dinv = jnp.where(deg > 0, jax.lax.rsqrt(deg), 0.0)
    norm = dinv[src] * dinv[dst]
    h = x @ W
    msg = h[src] * norm[:, None]
    out = jnp.zeros((n, h.shape[1]), dtype=h.dtype).at[dst].add(msg)
    return out + b


def reference(x, edge_index, W1, b1, W2, b2, Wfc, bfc):
    h = jax.nn.relu(_gcn_conv(x, edge_index, W1, b1))
    # dropout(p=0.3) is identity in eval mode
    h = jax.nn.relu(_gcn_conv(h, edge_index, W2, b2))
    out = jax.nn.sigmoid(h @ Wfc + bfc)
    return out

if __name__ == "__main__":
    import jax
    _d = setup_inputs()
    print(jax.jit(kernel)(*tuple(_d.values())))

</pallas_src>

<mosaic_0001>
#map = affine_map<(d0, d1) -> (0, 0)>
#map1 = affine_map<(d0, d1) -> (0, 0, 0)>
module attributes {stable_mosaic.version = 14 : i64} {
  func.func @_agg(%arg0: i32, %arg1: i32, %arg2: memref<10000x32xf32, #tpu.memory_space<hbm>>, %arg3: memref<640x500xi32, #tpu.memory_space<hbm>>, %arg4: memref<640x500xi32, #tpu.memory_space<hbm>>, %arg5: memref<2x10240x32xf32, #tpu.memory_space<hbm>>, %arg6: memref<20x500xi32, #tpu.memory_space<vmem>>, %arg7: memref<20x500xi32, #tpu.memory_space<vmem>>, %arg8: memref<2x500x32xf32, #tpu.memory_space<vmem>>, %arg9: memref<32x32xf32, #tpu.memory_space<vmem>>, %arg10: memref<10240x32xf32, #tpu.memory_space<vmem_shared>>, %arg11: memref<!tpu.dma_semaphore, #tpu.memory_space<semaphore_mem>>, %arg12: memref<!tpu.dma_semaphore, #tpu.memory_space<semaphore_mem>>, %arg13: memref<!tpu.dma_semaphore, #tpu.memory_space<semaphore_mem>>, %arg14: memref<!tpu.dma_semaphore, #tpu.memory_space<semaphore_mem>>) attributes {dimension_semantics = [#tpu.dimension_semantics<core_parallel>, #tpu.dimension_semantics<subcore_parallel>], iteration_bounds = array<i64: 2, 16>, scalar_prefetch = 0 : i64, scratch_operands = 9 : i64, tpu.core_type = #tpu.core_type<sc_vector_subcore>, window_params = [{transform_indices = #map}, {transform_indices = #map}, {transform_indices = #map}, {transform_indices = #map1}]} {
    %broadcast_in_dim3A = arith.constant 0.000000e+00 : f32
    %broadcast_in_dim3A_0 = vector.broadcast %broadcast_in_dim3A : f32 to vector<16xf32>
    %scan3A = arith.constant 0 : i32
    %scan3A_1 = arith.constant 0 : i32
    %scan3A_2 = arith.constant 64 : i32
    %scan3A_3 = arith.addi %scan3A_1, %scan3A_2 : i32
    %scan3A_4 = arith.constant 1 : i32
    %scan3A_5 = scf.for %scan3A_147 = %scan3A_1 to %scan3A_3 step %scan3A_4 iter_args(%scan3A_148 = %scan3A) -> (i32)  : i32 {
      %jit3A = arith.constant 2 : i32
      %div3A = arith.divsi %scan3A_147, %jit3A : i32
      %sign3A = arith.constant 0 : i32
      %sign3A_149 = arith.cmpi sgt, %scan3A_147, %sign3A : i32
      %sign3A_150 = arith.extui %sign3A_149 : i1 to i32
      %sign3A_151 = arith.constant 0 : i32
      %sign3A_152 = arith.cmpi slt, %scan3A_147, %sign3A_151 : i32
      %sign3A_153 = arith.extui %sign3A_152 : i1 to i32
      %sign3A_154 = arith.subi %sign3A_150, %sign3A_153 : i32
      %sign3A_155 = arith.constant 0 : i32
      %sign3A_156 = arith.cmpi sgt, %jit3A, %sign3A_155 : i32
      %sign3A_157 = arith.extui %sign3A_156 : i1 to i32
      %sign3A_158 = arith.constant 0 : i32
      %sign3A_159 = arith.cmpi slt, %jit3A, %sign3A_158 : i32
      %sign3A_160 = arith.extui %sign3A_159 : i1 to i32
      %sign3A_161 = arith.subi %sign3A_157, %sign3A_160 : i32
      %ne3A = arith.cmpi ne, %sign3A_154, %sign3A_161 : i32
      %rem3A = arith.remsi %scan3A_147, %jit3A : i32
      %ne3A_162 = arith.constant 0 : i32
      %ne3A_163 = arith.cmpi ne, %rem3A, %ne3A_162 : i32
      %and3A = arith.andi %ne3A, %ne3A_163 : i1
      %sub3A = arith.constant 1 : i32
      %sub3A_164 = arith.subi %div3A, %sub3A : i32
      %select_n3A = arith.select %and3A, %sub3A_164, %div3A : i32
      %jit3A_165 = arith.constant 2 : i32
      %eq3A = arith.constant 0 : i32
      %eq3A_166 = arith.cmpi eq, %jit3A_165, %eq3A : i32
      %jit3A_167 = arith.constant 1 : i32
      %select_n3A_168 = arith.select %eq3A_166, %jit3A_167, %jit3A_165 : i32
      %rem3A_169 = arith.remsi %scan3A_147, %select_n3A_168 : i32
      %ne3A_170 = arith.constant 0 : i32
      %ne3A_171 = arith.cmpi ne, %rem3A_169, %ne3A_170 : i32
      %lt3A = arith.constant 0 : i32
      %lt3A_172 = arith.cmpi slt, %rem3A_169, %lt3A : i32
      %lt3A_173 = arith.constant 0 : i32
      %lt3A_174 = arith.cmpi slt, %select_n3A_168, %lt3A_173 : i32
      %ne3A_175 = arith.xori %lt3A_172, %lt3A_174 : i1
      %and3A_176 = arith.andi %ne3A_175, %ne3A_171 : i1
      %add3A_177 = arith.addi %rem3A_169, %select_n3A_168 : i32
      %select_n3A_178 = arith.select %and3A_176, %add3A_177, %rem3A_169 : i32
      %mul3A_179 = arith.constant 16 : i32
      %mul3A_180 = arith.muli %select_n3A_178, %mul3A_179 : i32
      %swap3A = arith.index_cast %select_n3A : i32 to index
      %swap3A_181 = arith.index_cast %mul3A_180 : i32 to index
      %swap3A_182 = tpu.vector_load %arg9[%swap3A, %swap3A_181] {strides = array<i32>} : memref<32x32xf32, #tpu.memory_space<vmem>>, vector<1x16xf32>,
      %swap3A_183 = vector.shape_cast %swap3A_182 : vector<1x16xf32> to vector<16xf32>
      %swap3A_184 = vector.shape_cast %broadcast_in_dim3A_0 : vector<16xf32> to vector<1x16xf32>
      tpu.vector_store %arg9[%swap3A, %swap3A_181], %swap3A_184 {strides = array<i32>} : memref<32x32xf32, #tpu.memory_space<vmem>>, vector<1x16xf32>,
      %scan3A_185 = arith.constant 0 : i32
      scf.yield %scan3A_185 : i32
    }
    %scan3A_6 = arith.constant 64 : i32
    %scan3A_7 = arith.constant 0 : i32
    %scan3A_8 = arith.constant 0 : i32
    %scan3A_9 = arith.constant 20 : i32
    %scan3A_10 = arith.addi %scan3A_8, %scan3A_9 : i32
    %scan3A_11 = arith.constant 1 : i32
    %scan3A_12 = scf.for %scan3A_147 = %scan3A_8 to %scan3A_10 step %scan3A_11 iter_args(%scan3A_148 = %scan3A_7) -> (i32)  : i32 {
      %mul3A_149 = arith.constant 640 : i32
      %mul3A_150 = arith.muli %arg1, %mul3A_149 : i32
      %mul3A_151 = arith.constant 32 : i32
      %mul3A_152 = arith.muli %scan3A_147, %mul3A_151 : i32
      %add3A_153 = arith.addi %mul3A_150, %mul3A_152 : i32
      "tpu.region"() ({
        %run_scoped3A = tpu.sem_alloc : memref<!tpu.dma_semaphore, #tpu.memory_space<semaphore_mem>>
        %dma_start3A_155 = arith.constant 0 : i32
        %dma_start3A_156 = tpu.memref_slice %arg10[%add3A_153, %dma_start3A_155] : memref<10240x32xf32, #tpu.memory_space<vmem_shared>> -> memref<32x32xf32, #tpu.memory_space<vmem_shared>>
        %dma_start3A_157 = arith.constant 0 : i32
        %dma_start3A_158 = tpu.memref_slice %arg10[%add3A_153, %dma_start3A_157] : memref<10240x32xf32, #tpu.memory_space<vmem_shared>> -> memref<32x32xf32, #tpu.memory_space<vmem_shared>>
        tpu.enqueue_dma source(%arg9 : memref<32x32xf32, #tpu.memory_space<vmem>>) target(%dma_start3A_158 : memref<32x32xf32, #tpu.memory_space<vmem_shared>>) target_semaphore(%run_scoped3A : memref<!tpu.dma_semaphore, #tpu.memory_space<semaphore_mem>>)
        %dma_wait3A_159 = arith.constant 0 : i32
        %dma_wait3A_160 = tpu.memref_slice %arg10[%add3A_153, %dma_wait3A_159] : memref<10240x32xf32, #tpu.memory_space<vmem_shared>> -> memref<32x32xf32, #tpu.memory_space<vmem_shared>>
        %dma_wait3A_161 = arith.constant 0 : i32
        %dma_wait3A_162 = tpu.memref_slice %arg10[%add3A_153, %dma_wait3A_161] : memref<10240x32xf32, #tpu.memory_space<vmem_shared>> -> memref<32x32xf32, #tpu.memory_space<vmem_shared>>
        tpu.wait_dma2 semaphore(%run_scoped3A : memref<!tpu.dma_semaphore, #tpu.memory_space<semaphore_mem>>) src(%arg9 : memref<32x32xf32, #tpu.memory_space<vmem>>) dst(%dma_wait3A_162 : memref<32x32xf32, #tpu.memory_space<vmem_shared>>)
        tpu.yield
      }) : () -> ()
      %scan3A_154 = arith.constant 0 : i32
      scf.yield %scan3A_154 : i32
    }
    %scan3A_13 = arith.constant 20 : i32
    %barrier3A = arith.constant 0 : index
    tpu.barrier barrier_id(%barrier3A)
    %mul3A = arith.constant 16 : i32
    %mul3A_14 = arith.muli %arg0, %mul3A : i32
    %add3A = arith.addi %mul3A_14, %arg1 : i32
    %mul3A_15 = arith.constant 20 : i32
    %mul3A_16 = arith.muli %add3A, %mul3A_15 : i32
    "tpu.region"() ({
      %run_scoped3A = tpu.sem_alloc : memref<!tpu.dma_semaphore, #tpu.memory_space<semaphore_mem>>
      %dma_start3A_147 = arith.constant 0 : i32
      %dma_start3A_148 = tpu.memref_slice %arg3[%mul3A_16, %dma_start3A_147] : memref<640x500xi32, #tpu.memory_space<hbm>> -> memref<20x500xi32, #tpu.memory_space<hbm>>
      %dma_start3A_149 = arith.constant 0 : i32
      %dma_start3A_150 = tpu.memref_slice %arg3[%mul3A_16, %dma_start3A_149] : memref<640x500xi32, #tpu.memory_space<hbm>> -> memref<20x500xi32, #tpu.memory_space<hbm>>
      tpu.enqueue_dma source(%dma_start3A_150 : memref<20x500xi32, #tpu.memory_space<hbm>>) target(%arg6 : memref<20x500xi32, #tpu.memory_space<vmem>>) target_semaphore(%run_scoped3A : memref<!tpu.dma_semaphore, #tpu.memory_space<semaphore_mem>>)
      %dma_wait3A_151 = arith.constant 0 : i32
      %dma_wait3A_152 = tpu.memref_slice %arg3[%mul3A_16, %dma_wait3A_151] : memref<640x500xi32, #tpu.memory_space<hbm>> -> memref<20x500xi32, #tpu.memory_space<hbm>>
      %dma_wait3A_153 = arith.constant 0 : i32
      %dma_wait3A_154 = tpu.memref_slice %arg3[%mul3A_16, %dma_wait3A_153] : memref<640x500xi32, #tpu.memory_space<hbm>> -> memref<20x500xi32, #tpu.memory_space<hbm>>
      tpu.wait_dma2 semaphore(%run_scoped3A : memref<!tpu.dma_semaphore, #tpu.memory_space<semaphore_mem>>) src(%dma_wait3A_154 : memref<20x500xi32, #tpu.memory_space<hbm>>) dst(%arg6 : memref<20x500xi32, #tpu.memory_space<vmem>>)
      tpu.yield
    }) : () -> ()
    "tpu.region"() ({
      %run_scoped3A = tpu.sem_alloc : memref<!tpu.dma_semaphore, #tpu.memory_space<semaphore_mem>>
      %dma_start3A_147 = arith.constant 0 : i32
      %dma_start3A_148 = tpu.memref_slice %arg4[%mul3A_16, %dma_start3A_147] : memref<640x500xi32, #tpu.memory_space<hbm>> -> memref<20x500xi32, #tpu.memory_space<hbm>>
      %dma_start3A_149 = arith.constant 0 : i32
      %dma_start3A_150 = tpu.memref_slice %arg4[%mul3A_16, %dma_start3A_149] : memref<640x500xi32, #tpu.memory_space<hbm>> -> memref<20x500xi32, #tpu.memory_space<hbm>>
      tpu.enqueue_dma source(%dma_start3A_150 : memref<20x500xi32, #tpu.memory_space<hbm>>) target(%arg7 : memref<20x500xi32, #tpu.memory_space<vmem>>) target_semaphore(%run_scoped3A : memref<!tpu.dma_semaphore, #tpu.memory_space<semaphore_mem>>)
      %dma_wait3A_151 = arith.constant 0 : i32
      %dma_wait3A_152 = tpu.memref_slice %arg4[%mul3A_16, %dma_wait3A_151] : memref<640x500xi32, #tpu.memory_space<hbm>> -> memref<20x500xi32, #tpu.memory_space<hbm>>
      %dma_wait3A_153 = arith.constant 0 : i32
      %dma_wait3A_154 = tpu.memref_slice %arg4[%mul3A_16, %dma_wait3A_153] : memref<640x500xi32, #tpu.memory_space<hbm>> -> memref<20x500xi32, #tpu.memory_space<hbm>>
      tpu.wait_dma2 semaphore(%run_scoped3A : memref<!tpu.dma_semaphore, #tpu.memory_space<semaphore_mem>>) src(%dma_wait3A_154 : memref<20x500xi32, #tpu.memory_space<hbm>>) dst(%arg7 : memref<20x500xi32, #tpu.memory_space<vmem>>)
      tpu.yield
    }) : () -> ()
    %dma_start3A = arith.constant 0 : i32
    %dma_start3A_17 = arith.constant 0 : i32
    %dma_start3A_18 = arith.constant 0 : i32
    %dma_start3A_19 = arith.constant 0 : i32
    %dma_start3A_20 = tpu.memref_slice %arg8[%dma_start3A_17, %dma_start3A_18, %dma_start3A_19] : memref<2x500x32xf32, #tpu.memory_space<vmem>> -> memref<1x500x32xf32, #tpu.memory_space<vmem>>
    %dma_start3A_21 = tpu.memref_squeeze %dma_start3A_20 : memref<1x500x32xf32, #tpu.memory_space<vmem>> -> memref<500x32xf32, #tpu.memory_space<vmem>>
    %dma_start3A_22 = arith.constant 0 : i32
    %dma_start3A_23 = tpu.memref_slice %arg6[%dma_start3A, %dma_start3A_22] : memref<20x500xi32, #tpu.memory_space<vmem>> -> memref<1x500xi32, #tpu.memory_space<vmem>>
    %dma_start3A_24 = tpu.memref_squeeze %dma_start3A_23 : memref<1x500xi32, #tpu.memory_space<vmem>> -> memref<500xi32, #tpu.memory_space<vmem>>
    %dma_start3A_25 = arith.constant 0 : i32
    %dma_start3A_26 = arith.constant 0 : i32
    %dma_start3A_27 = tpu.memref_slice %arg2[%dma_start3A_25, %dma_start3A_26] : memref<10000x32xf32, #tpu.memory_space<hbm>> -> memref<10000x32xf32, #tpu.memory_space<hbm>>
    tpu.enqueue_indirect_dma source(%dma_start3A_27 : memref<10000x32xf32, #tpu.memory_space<hbm>>) target(%dma_start3A_21 : memref<500x32xf32, #tpu.memory_space<vmem>>) offsets(%dma_start3A_24 : memref<500xi32, #tpu.memory_space<vmem>>) semaphore(%arg11 : memref<!tpu.dma_semaphore, #tpu.memory_space<semaphore_mem>>)
    %dma_start3A_28 = arith.constant 1 : i32
    %dma_start3A_29 = arith.constant 1 : i32
    %dma_start3A_30 = arith.constant 0 : i32
    %dma_start3A_31 = arith.constant 0 : i32
    %dma_start3A_32 = tpu.memref_slice %arg8[%dma_start3A_29, %dma_start3A_30, %dma_start3A_31] : memref<2x500x32xf32, #tpu.memory_space<vmem>> -> memref<1x500x32xf32, #tpu.memory_space<vmem>>
    %dma_start3A_33 = tpu.memref_squeeze %dma_start3A_32 : memref<1x500x32xf32, #tpu.memory_space<vmem>> -> memref<500x32xf32, #tpu.memory_space<vmem>>
    %dma_start3A_34 = arith.constant 0 : i32
    %dma_start3A_35 = tpu.memref_slice %arg6[%dma_start3A_28, %dma_start3A_34] : memref<20x500xi32, #tpu.memory_space<vmem>> -> memref<1x500xi32, #tpu.memory_space<vmem>>
    %dma_start3A_36 = tpu.memref_squeeze %dma_start3A_35 : memref<1x500xi32, #tpu.memory_space<vmem>> -> memref<500xi32, #tpu.memory_space<vmem>>
    %dma_start3A_37 = arith.constant 0 : i32
    %dma_start3A_38 = arith.constant 0 : i32
    %dma_start3A_39 = tpu.memref_slice %arg2[%dma_start3A_37, %dma_start3A_38] : memref<10000x32xf32, #tpu.memory_space<hbm>> -> memref<10000x32xf32, #tpu.memory_space<hbm>>
    tpu.enqueue_indirect_dma source(%dma_start3A_39 : memref<10000x32xf32, #tpu.memory_space<hbm>>) target(%dma_start3A_33 : memref<500x32xf32, #tpu.memory_space<vmem>>) offsets(%dma_start3A_36 : memref<500xi32, #tpu.memory_space<vmem>>) semaphore(%arg12 : memref<!tpu.dma_semaphore, #tpu.memory_space<semaphore_mem>>)
    %dma_wait3A = arith.constant 0 : i32
    %dma_wait3A_40 = arith.constant 0 : i32
    %dma_wait3A_41 = arith.constant 0 : i32
    %dma_wait3A_42 = tpu.memref_slice %arg8[%dma_wait3A, %dma_wait3A_40, %dma_wait3A_41] : memref<2x500x32xf32, #tpu.memory_space<vmem>> -> memref<1x500x32xf32, #tpu.memory_space<vmem>>
    %dma_wait3A_43 = tpu.memref_squeeze %dma_wait3A_42 : memref<1x500x32xf32, #tpu.memory_space<vmem>> -> memref<500x32xf32, #tpu.memory_space<vmem>>
    %dma_wait3A_44 = arith.constant 0 : i32
    %dma_wait3A_45 = arith.constant 0 : i32
    %dma_wait3A_46 = tpu.memref_slice %arg2[%dma_wait3A_44, %dma_wait3A_45] : memref<10000x32xf32, #tpu.memory_space<hbm>> -> memref<500x32xf32, #tpu.memory_space<hbm>>
    %dma_wait3A_47 = arith.constant 0 : i32
    %dma_wait3A_48 = arith.constant 0 : i32
    %dma_wait3A_49 = tpu.memref_slice %arg8[%dma_wait3A, %dma_wait3A_47, %dma_wait3A_48] : memref<2x500x32xf32, #tpu.memory_space<vmem>> -> memref<1x500x32xf32, #tpu.memory_space<vmem>>
    %dma_wait3A_50 = tpu.memref_squeeze %dma_wait3A_49 : memref<1x500x32xf32, #tpu.memory_space<vmem>> -> memref<500x32xf32, #tpu.memory_space<vmem>>
    %dma_wait3A_51 = arith.constant 0 : i32
    %dma_wait3A_52 = arith.constant 0 : i32
    %dma_wait3A_53 = tpu.memref_slice %arg2[%dma_wait3A_51, %dma_wait3A_52] : memref<10000x32xf32, #tpu.memory_space<hbm>> -> memref<500x32xf32, #tpu.memory_space<hbm>>
    tpu.wait_dma2 semaphore(%arg11 : memref<!tpu.dma_semaphore, #tpu.memory_space<semaphore_mem>>) src(%dma_wait3A_53 : memref<500x32xf32, #tpu.memory_space<hbm>>) dst(%dma_wait3A_50 : memref<500x32xf32, #tpu.memory_space<vmem>>)
    %dma_start3A_54 = arith.constant 0 : i32
    %dma_start3A_55 = arith.constant 0 : i32
    %dma_start3A_56 = arith.constant 0 : i32
    %dma_start3A_57 = arith.constant 0 : i32
    %dma_start3A_58 = tpu.memref_slice %arg8[%dma_start3A_54, %dma_start3A_56, %dma_start3A_57] : memref<2x500x32xf32, #tpu.memory_space<vmem>> -> memref<1x500x32xf32, #tpu.memory_space<vmem>>
    %dma_start3A_59 = tpu.memref_squeeze %dma_start3A_58 : memref<1x500x32xf32, #tpu.memory_space<vmem>> -> memref<500x32xf32, #tpu.memory_space<vmem>>
    %dma_start3A_60 = arith.constant 0 : i32
    %dma_start3A_61 = tpu.memref_slice %arg7[%dma_start3A_55, %dma_start3A_60] : memref<20x500xi32, #tpu.memory_space<vmem>> -> memref<1x500xi32, #tpu.memory_space<vmem>>
    %dma_start3A_62 = tpu.memref_squeeze %dma_start3A_61 : memref<1x500xi32, #tpu.memory_space<vmem>> -> memref<500xi32, #tpu.memory_space<vmem>>
    %dma_start3A_63 = arith.constant 0 : i32
    %dma_start3A_64 = arith.constant 0 : i32
    %dma_start3A_65 = tpu.memref_slice %arg10[%dma_start3A_63, %dma_start3A_64] : memref<10240x32xf32, #tpu.memory_space<vmem_shared>> -> memref<10240x32xf32, #tpu.memory_space<vmem_shared>>
    tpu.enqueue_indirect_dma source(%dma_start3A_59 : memref<500x32xf32, #tpu.memory_space<vmem>>) target(%dma_start3A_65 : memref<10240x32xf32, #tpu.memory_space<vmem_shared>>) offsets(%dma_start3A_62 : memref<500xi32, #tpu.memory_space<vmem>>) semaphore(%arg13 : memref<!tpu.dma_semaphore, #tpu.memory_space<semaphore_mem>>) {add = true}
    %scan3A_66 = arith.constant 1 : i32
    %scan3A_67 = arith.constant 0 : i32
    %scan3A_68 = arith.constant 0 : i32
    %scan3A_69 = arith.constant 0 : i32
    %scan3A_70 = arith.constant 9 : i32
    %scan3A_71 = arith.addi %scan3A_69, %scan3A_70 : i32
    %scan3A_72 = arith.constant 1 : i32
    %scan3A_73 = scf.for %scan3A_147 = %scan3A_69 to %scan3A_71 step %scan3A_72 iter_args(%scan3A_148 = %scan3A_68) -> (i32)  : i32 {
      %mul3A_149 = arith.constant 2 : i32
      %mul3A_150 = arith.muli %mul3A_149, %scan3A_147 : i32
      %add3A_151 = arith.constant 1 : i32
      %add3A_152 = arith.addi %mul3A_150, %add3A_151 : i32
      %dma_wait3A_153 = arith.constant 0 : i32
      %dma_wait3A_154 = arith.constant 0 : i32
      %dma_wait3A_155 = tpu.memref_slice %arg8[%scan3A_66, %dma_wait3A_153, %dma_wait3A_154] : memref<2x500x32xf32, #tpu.memory_space<vmem>> -> memref<1x500x32xf32, #tpu.memory_space<vmem>>
      %dma_wait3A_156 = tpu.memref_squeeze %dma_wait3A_155 : memref<1x500x32xf32, #tpu.memory_space<vmem>> -> memref<500x32xf32, #tpu.memory_space<vmem>>
      %dma_wait3A_157 = arith.constant 0 : i32
      %dma_wait3A_158 = arith.constant 0 : i32
      %dma_wait3A_159 = tpu.memref_slice %arg2[%dma_wait3A_157, %dma_wait3A_158] : memref<10000x32xf32, #tpu.memory_space<hbm>> -> memref<500x32xf32, #tpu.memory_space<hbm>>
      %dma_wait3A_160 = arith.constant 0 : i32
      %dma_wait3A_161 = arith.constant 0 : i32
      %dma_wait3A_162 = tpu.memref_slice %arg8[%scan3A_66, %dma_wait3A_160, %dma_wait3A_161] : memref<2x500x32xf32, #tpu.memory_space<vmem>> -> memref<1x500x32xf32, #tpu.memory_space<vmem>>
      %dma_wait3A_163 = tpu.memref_squeeze %dma_wait3A_162 : memref<1x500x32xf32, #tpu.memory_space<vmem>> -> memref<500x32xf32, #tpu.memory_space<vmem>>
      %dma_wait3A_164 = arith.constant 0 : i32
      %dma_wait3A_165 = arith.constant 0 : i32
      %dma_wait3A_166 = tpu.memref_slice %arg2[%dma_wait3A_164, %dma_wait3A_165] : memref<10000x32xf32, #tpu.memory_space<hbm>> -> memref<500x32xf32, #tpu.memory_space<hbm>>
      tpu.wait_dma2 semaphore(%arg12 : memref<!tpu.dma_semaphore, #tpu.memory_space<semaphore_mem>>) src(%dma_wait3A_166 : memref<500x32xf32, #tpu.memory_space<hbm>>) dst(%dma_wait3A_163 : memref<500x32xf32, #tpu.memory_space<vmem>>)
      %dma_start3A_167 = arith.constant 0 : i32
      %dma_start3A_168 = arith.constant 0 : i32
      %dma_start3A_169 = tpu.memref_slice %arg8[%scan3A_66, %dma_start3A_167, %dma_start3A_168] : memref<2x500x32xf32, #tpu.memory_space<vmem>> -> memref<1x500x32xf32, #tpu.memory_space<vmem>>
      %dma_start3A_170 = tpu.memref_squeeze %dma_start3A_169 : memref<1x500x32xf32, #tpu.memory_space<vmem>> -> memref<500x32xf32, #tpu.memory_space<vmem>>
      %dma_start3A_171 = arith.constant 0 : i32
      %dma_start3A_172 = tpu.memref_slice %arg7[%add3A_152, %dma_start3A_171] : memref<20x500xi32, #tpu.memory_space<vmem>> -> memref<1x500xi32, #tpu.memory_space<vmem>>
      %dma_start3A_173 = tpu.memref_squeeze %dma_start3A_172 : memref<1x500xi32, #tpu.memory_space<vmem>> -> memref<500xi32, #tpu.memory_space<vmem>>
      %dma_start3A_174 = arith.constant 0 : i32
      %dma_start3A_175 = arith.constant 0 : i32
      %dma_start3A_176 = tpu.memref_slice %arg10[%dma_start3A_174, %dma_start3A_175] : memref<10240x32xf32, #tpu.memory_space<vmem_shared>> -> memref<10240x32xf32, #tpu.memory_space<vmem_shared>>
      tpu.enqueue_indirect_dma source(%dma_start3A_170 : memref<500x32xf32, #tpu.memory_space<vmem>>) target(%dma_start3A_176 : memref<10240x32xf32, #tpu.memory_space<vmem_shared>>) offsets(%dma_start3A_173 : memref<500xi32, #tpu.memory_space<vmem>>) semaphore(%arg14 : memref<!tpu.dma_semaphore, #tpu.memory_space<semaphore_mem>>) {add = true}
      %sub3A = arith.constant 1 : i32
      %sub3A_177 = arith.subi %add3A_152, %sub3A : i32
      %dma_wait3A_178 = arith.constant 0 : i32
      %dma_wait3A_179 = arith.constant 0 : i32
      %dma_wait3A_180 = tpu.memref_slice %arg8[%scan3A_67, %dma_wait3A_178, %dma_wait3A_179] : memref<2x500x32xf32, #tpu.memory_space<vmem>> -> memref<1x500x32xf32, #tpu.memory_space<vmem>>
      %dma_wait3A_181 = tpu.memref_squeeze %dma_wait3A_180 : memref<1x500x32xf32, #tpu.memory_space<vmem>> -> memref<500x32xf32, #tpu.memory_space<vmem>>
      %dma_wait3A_182 = arith.constant 0 : i32
      %dma_wait3A_183 = tpu.memref_slice %arg7[%sub3A_177, %dma_wait3A_182] : memref<20x500xi32, #tpu.memory_space<vmem>> -> memref<1x500xi32, #tpu.memory_space<vmem>>
      %dma_wait3A_184 = tpu.memref_squeeze %dma_wait3A_183 : memref<1x500xi32, #tpu.memory_space<vmem>> -> memref<500xi32, #tpu.memory_space<vmem>>
      %dma_wait3A_185 = arith.constant 0 : i32
      %dma_wait3A_186 = arith.constant 0 : i32
      %dma_wait3A_187 = tpu.memref_slice %arg10[%dma_wait3A_185, %dma_wait3A_186] : memref<10240x32xf32, #tpu.memory_space<vmem_shared>> -> memref<10240x32xf32, #tpu.memory_space<vmem_shared>>
      tpu.wait_indirect_dma semaphore(%arg13 : memref<!tpu.dma_semaphore, #tpu.memory_space<semaphore_mem>>) src(%dma_wait3A_181 : memref<500x32xf32, #tpu.memory_space<vmem>>) dst(%dma_wait3A_187 : memref<10240x32xf32, #tpu.memory_space<vmem_shared>>)
      %add3A_188 = arith.constant 1 : i32
      %add3A_189 = arith.addi %add3A_152, %add3A_188 : i32
      %dma_start3A_190 = arith.constant 0 : i32
      %dma_start3A_191 = arith.constant 0 : i32
      %dma_start3A_192 = tpu.memref_slice %arg8[%scan3A_67, %dma_start3A_190, %dma_start3A_191] : memref<2x500x32xf32, #tpu.memory_space<vmem>> -> memref<1x500x32xf32, #tpu.memory_space<vmem>>
      %dma_start3A_193 = tpu.memref_squeeze %dma_start3A_192 : memref<1x500x32xf32, #tpu.memory_space<vmem>> -> memref<500x32xf32, #tpu.memory_space<vmem>>
      %dma_start3A_194 = arith.constant 0 : i32
      %dma_start3A_195 = tpu.memref_slice %arg6[%add3A_189, %dma_start3A_194] : memref<20x500xi32, #tpu.memory_space<vmem>> -> memref<1x500xi32, #tpu.memory_space<vmem>>
      %dma_start3A_196 = tpu.memref_squeeze %dma_start3A_195 : memref<1x500xi32, #tpu.memory_space<vmem>> -> memref<500xi32, #tpu.memory_space<vmem>>
      %dma_start3A_197 = arith.constant 0 : i32
      %dma_start3A_198 = arith.constant 0 : i32
      %dma_start3A_199 = tpu.memref_slice %arg2[%dma_start3A_197, %dma_start3A_198] : memref<10000x32xf32, #tpu.memory_space<hbm>> -> memref<10000x32xf32, #tpu.memory_space<hbm>>
      tpu.enqueue_indirect_dma source(%dma_start3A_199 : memref<10000x32xf32, #tpu.memory_space<hbm>>) target(%dma_start3A_193 : memref<500x32xf32, #tpu.memory_space<vmem>>) offsets(%dma_start3A_196 : memref<500xi32, #tpu.memory_space<vmem>>) semaphore(%arg11 : memref<!tpu.dma_semaphore, #tpu.memory_space<semaphore_mem>>)
      %mul3A_200 = arith.constant 2 : i32
      %mul3A_201 = arith.muli %mul3A_200, %scan3A_147 : i32
      %add3A_202 = arith.constant 2 : i32
      %add3A_203 = arith.addi %mul3A_201, %add3A_202 : i32
      %dma_wait3A_204 = arith.constant 0 : i32
      %dma_wait3A_205 = arith.constant 0 : i32
      %dma_wait3A_206 = tpu.memref_slice %arg8[%scan3A_67, %dma_wait3A_204, %dma_wait3A_205] : memref<2x500x32xf32, #tpu.memory_space<vmem>> -> memref<1x500x32xf32, #tpu.memory_space<vmem>>
      %dma_wait3A_207 = tpu.memref_squeeze %dma_wait3A_206 : memref<1x500x32xf32, #tpu.memory_space<vmem>> -> memref<500x32xf32, #tpu.memory_space<vmem>>
      %dma_wait3A_208 = arith.constant 0 : i32
      %dma_wait3A_209 = arith.constant 0 : i32
      %dma_wait3A_210 = tpu.memref_slice %arg2[%dma_wait3A_208, %dma_wait3A_209] : memref<10000x32xf32, #tpu.memory_space<hbm>> -> memref<500x32xf32, #tpu.memory_space<hbm>>
      %dma_wait3A_211 = arith.constant 0 : i32
      %dma_wait3A_212 = arith.constant 0 : i32
      %dma_wait3A_213 = tpu.memref_slice %arg8[%scan3A_67, %dma_wait3A_211, %dma_wait3A_212] : memref<2x500x32xf32, #tpu.memory_space<vmem>> -> memref<1x500x32xf32, #tpu.memory_space<vmem>>
      %dma_wait3A_214 = tpu.memref_squeeze %dma_wait3A_213 : memref<1x500x32xf32, #tpu.memory_space<vmem>> -> memref<500x32xf32, #tpu.memory_space<vmem>>
      %dma_wait3A_215 = arith.constant 0 : i32
      %dma_wait3A_216 = arith.constant 0 : i32
      %dma_wait3A_217 = tpu.memref_slice %arg2[%dma_wait3A_215, %dma_wait3A_216] : memref<10000x32xf32, #tpu.memory_space<hbm>> -> memref<500x32xf32, #tpu.memory_space<hbm>>
      tpu.wait_dma2 semaphore(%arg11 : memref<!tpu.dma_semaphore, #tpu.memory_space<semaphore_mem>>) src(%dma_wait3A_217 : memref<500x32xf32, #tpu.memory_space<hbm>>) dst(%dma_wait3A_214 : memref<500x32xf32, #tpu.memory_space<vmem>>)
      %dma_start3A_218 = arith.constant 0 : i32
      %dma_start3A_219 = arith.constant 0 : i32
      %dma_start3A_220 = tpu.memref_slice %arg8[%scan3A_67, %dma_start3A_218, %dma_start3A_219] : memref<2x500x32xf32, #tpu.memory_space<vmem>> -> memref<1x500x32xf32, #tpu.memory_space<vmem>>
      %dma_start3A_221 = tpu.memref_squeeze %dma_start3A_220 : memref<1x500x32xf32, #tpu.memory_space<vmem>> -> memref<500x32xf32, #tpu.memory_space<vmem>>
      %dma_start3A_222 = arith.constant 0 : i32
      %dma_start3A_223 = tpu.memref_slice %arg7[%add3A_203, %dma_start3A_222] : memref<20x500xi32, #tpu.memory_space<vmem>> -> memref<1x500xi32, #tpu.memory_space<vmem>>
      %dma_start3A_224 = tpu.memref_squeeze %dma_start3A_223 : memref<1x500xi32, #tpu.memory_space<vmem>> -> memref<500xi32, #tpu.memory_space<vmem>>
      %dma_start3A_225 = arith.constant 0 : i32
      %dma_start3A_226 = arith.constant 0 : i32
      %dma_start3A_227 = tpu.memref_slice %arg10[%dma_start3A_225, %dma_start3A_226] : memref<10240x32xf32, #tpu.memory_space<vmem_shared>> -> memref<10240x32xf32, #tpu.memory_space<vmem_shared>>
      tpu.enqueue_indirect_dma source(%dma_start3A_221 : memref<500x32xf32, #tpu.memory_space<vmem>>) target(%dma_start3A_227 : memref<10240x32xf32, #tpu.memory_space<vmem_shared>>) offsets(%dma_start3A_224 : memref<500xi32, #tpu.memory_space<vmem>>) semaphore(%arg13 : memref<!tpu.dma_semaphore, #tpu.memory_space<semaphore_mem>>) {add = true}
      %dma_wait3A_228 = arith.constant 0 : i32
      %dma_wait3A_229 = arith.constant 0 : i32
      %dma_wait3A_230 = tpu.memref_slice %arg8[%scan3A_66, %dma_wait3A_228, %dma_wait3A_229] : memref<2x500x32xf32, #tpu.memory_space<vmem>> -> memref<1x500x32xf32, #tpu.memory_space<vmem>>
      %dma_wait3A_231 = tpu.memref_squeeze %dma_wait3A_230 : memref<1x500x32xf32, #tpu.memory_space<vmem>> -> memref<500x32xf32, #tpu.memory_space<vmem>>
      %dma_wait3A_232 = arith.constant 0 : i32
      %dma_wait3A_233 = tpu.memref_slice %arg7[%add3A_152, %dma_wait3A_232] : memref<20x500xi32, #tpu.memory_space<vmem>> -> memref<1x500xi32, #tpu.memory_space<vmem>>
      %dma_wait3A_234 = tpu.memref_squeeze %dma_wait3A_233 : memref<1x500xi32, #tpu.memory_space<vmem>> -> memref<500xi32, #tpu.memory_space<vmem>>
      %dma_wait3A_235 = arith.constant 0 : i32
      %dma_wait3A_236 = arith.constant 0 : i32
      %dma_wait3A_237 = tpu.memref_slice %arg10[%dma_wait3A_235, %dma_wait3A_236] : memref<10240x32xf32, #tpu.memory_space<vmem_shared>> -> memref<10240x32xf32, #tpu.memory_space<vmem_shared>>
      tpu.wait_indirect_dma semaphore(%arg14 : memref<!tpu.dma_semaphore, #tpu.memory_space<semaphore_mem>>) src(%dma_wait3A_231 : memref<500x32xf32, #tpu.memory_space<vmem>>) dst(%dma_wait3A_237 : memref<10240x32xf32, #tpu.memory_space<vmem_shared>>)
      %add3A_238 = arith.constant 1 : i32
      %add3A_239 = arith.addi %add3A_203, %add3A_238 : i32
      %dma_start3A_240 = arith.constant 0 : i32
      %dma_start3A_241 = arith.constant 0 : i32
      %dma_start3A_242 = tpu.memref_slice %arg8[%scan3A_66, %dma_start3A_240, %dma_start3A_241] : memref<2x500x32xf32, #tpu.memory_space<vmem>> -> memref<1x500x32xf32, #tpu.memory_space<vmem>>
      %dma_start3A_243 = tpu.memref_squeeze %dma_start3A_242 : memref<1x500x32xf32, #tpu.memory_space<vmem>> -> memref<500x32xf32, #tpu.memory_space<vmem>>
      %dma_start3A_244 = arith.constant 0 : i32
      %dma_start3A_245 = tpu.memref_slice %arg6[%add3A_239, %dma_start3A_244] : memref<20x500xi32, #tpu.memory_space<vmem>> -> memref<1x500xi32, #tpu.memory_space<vmem>>
      %dma_start3A_246 = tpu.memref_squeeze %dma_start3A_245 : memref<1x500xi32, #tpu.memory_space<vmem>> -> memref<500xi32, #tpu.memory_space<vmem>>
      %dma_start3A_247 = arith.constant 0 : i32
      %dma_start3A_248 = arith.constant 0 : i32
      %dma_start3A_249 = tpu.memref_slice %arg2[%dma_start3A_247, %dma_start3A_248] : memref<10000x32xf32, #tpu.memory_space<hbm>> -> memref<10000x32xf32, #tpu.memory_space<hbm>>
      tpu.enqueue_indirect_dma source(%dma_start3A_249 : memref<10000x32xf32, #tpu.memory_space<hbm>>) target(%dma_start3A_243 : memref<500x32xf32, #tpu.memory_space<vmem>>) offsets(%dma_start3A_246 : memref<500xi32, #tpu.memory_space<vmem>>) semaphore(%arg12 : memref<!tpu.dma_semaphore, #tpu.memory_space<semaphore_mem>>)
      %scan3A_250 = arith.constant 0 : i32
      scf.yield %scan3A_250 : i32
    }
    %scan3A_74 = arith.constant 9 : i32
    %dma_wait3A_75 = arith.constant 1 : i32
    %dma_wait3A_76 = arith.constant 0 : i32
    %dma_wait3A_77 = arith.constant 0 : i32
    %dma_wait3A_78 = tpu.memref_slice %arg8[%dma_wait3A_75, %dma_wait3A_76, %dma_wait3A_77] : memref<2x500x32xf32, #tpu.memory_space<vmem>> -> memref<1x500x32xf32, #tpu.memory_space<vmem>>
    %dma_wait3A_79 = tpu.memref_squeeze %dma_wait3A_78 : memref<1x500x32xf32, #tpu.memory_space<vmem>> -> memref<500x32xf32, #tpu.memory_space<vmem>>
    %dma_wait3A_80 = arith.constant 0 : i32
    %dma_wait3A_81 = arith.constant 0 : i32
    %dma_wait3A_82 = tpu.memref_slice %arg2[%dma_wait3A_80, %dma_wait3A_81] : memref<10000x32xf32, #tpu.memory_space<hbm>> -> memref<500x32xf32, #tpu.memory_space<hbm>>
    %dma_wait3A_83 = arith.constant 0 : i32
    %dma_wait3A_84 = arith.constant 0 : i32
    %dma_wait3A_85 = tpu.memref_slice %arg8[%dma_wait3A_75, %dma_wait3A_83, %dma_wait3A_84] : memref<2x500x32xf32, #tpu.memory_space<vmem>> -> memref<1x500x32xf32, #tpu.memory_space<vmem>>
    %dma_wait3A_86 = tpu.memref_squeeze %dma_wait3A_85 : memref<1x500x32xf32, #tpu.memory_space<vmem>> -> memref<500x32xf32, #tpu.memory_space<vmem>>
    %dma_wait3A_87 = arith.constant 0 : i32
    %dma_wait3A_88 = arith.constant 0 : i32
    %dma_wait3A_89 = tpu.memref_slice %arg2[%dma_wait3A_87, %dma_wait3A_88] : memref<10000x32xf32, #tpu.memory_space<hbm>> -> memref<500x32xf32, #tpu.memory_space<hbm>>
    tpu.wait_dma2 semaphore(%arg12 : memref<!tpu.dma_semaphore, #tpu.memory_space<semaphore_mem>>) src(%dma_wait3A_89 : memref<500x32xf32, #tpu.memory_space<hbm>>) dst(%dma_wait3A_86 : memref<500x32xf32, #tpu.memory_space<vmem>>)
    %dma_start3A_90 = arith.constant 1 : i32
    %dma_start3A_91 = arith.constant 19 : i32
    %dma_start3A_92 = arith.constant 0 : i32
    %dma_start3A_93 = arith.constant 0 : i32
    %dma_start3A_94 = tpu.memref_slice %arg8[%dma_start3A_90, %dma_start3A_92, %dma_start3A_93] : memref<2x500x32xf32, #tpu.memory_space<vmem>> -> memref<1x500x32xf32, #tpu.memory_space<vmem>>
    %dma_start3A_95 = tpu.memref_squeeze %dma_start3A_94 : memref<1x500x32xf32, #tpu.memory_space<vmem>> -> memref<500x32xf32, #tpu.memory_space<vmem>>
    %dma_start3A_96 = arith.constant 0 : i32
    %dma_start3A_97 = tpu.memref_slice %arg7[%dma_start3A_91, %dma_start3A_96] : memref<20x500xi32, #tpu.memory_space<vmem>> -> memref<1x500xi32, #tpu.memory_space<vmem>>
    %dma_start3A_98 = tpu.memref_squeeze %dma_start3A_97 : memref<1x500xi32, #tpu.memory_space<vmem>> -> memref<500xi32, #tpu.memory_space<vmem>>
    %dma_start3A_99 = arith.constant 0 : i32
    %dma_start3A_100 = arith.constant 0 : i32
    %dma_start3A_101 = tpu.memref_slice %arg10[%dma_start3A_99, %dma_start3A_100] : memref<10240x32xf32, #tpu.memory_space<vmem_shared>> -> memref<10240x32xf32, #tpu.memory_space<vmem_shared>>
    tpu.enqueue_indirect_dma source(%dma_start3A_95 : memref<500x32xf32, #tpu.memory_space<vmem>>) target(%dma_start3A_101 : memref<10240x32xf32, #tpu.memory_space<vmem_shared>>) offsets(%dma_start3A_98 : memref<500xi32, #tpu.memory_space<vmem>>) semaphore(%arg14 : memref<!tpu.dma_semaphore, #tpu.memory_space<semaphore_mem>>) {add = true}
    %dma_wait3A_102 = arith.constant 0 : i32
    %dma_wait3A_103 = arith.constant 18 : i32
    %dma_wait3A_104 = arith.constant 0 : i32
    %dma_wait3A_105 = arith.constant 0 : i32
    %dma_wait3A_106 = tpu.memref_slice %arg8[%dma_wait3A_102, %dma_wait3A_104, %dma_wait3A_105] : memref<2x500x32xf32, #tpu.memory_space<vmem>> -> memref<1x500x32xf32, #tpu.memory_space<vmem>>
    %dma_wait3A_107 = tpu.memref_squeeze %dma_wait3A_106 : memref<1x500x32xf32, #tpu.memory_space<vmem>> -> memref<500x32xf32, #tpu.memory_space<vmem>>
    %dma_wait3A_108 = arith.constant 0 : i32
    %dma_wait3A_109 = tpu.memref_slice %arg7[%dma_wait3A_103, %dma_wait3A_108] : memref<20x500xi32, #tpu.memory_space<vmem>> -> memref<1x500xi32, #tpu.memory_space<vmem>>
    %dma_wait3A_110 = tpu.memref_squeeze %dma_wait3A_109 : memref<1x500xi32, #tpu.memory_space<vmem>> -> memref<500xi32, #tpu.memory_space<vmem>>
    %dma_wait3A_111 = arith.constant 0 : i32
    %dma_wait3A_112 = arith.constant 0 : i32
    %dma_wait3A_113 = tpu.memref_slice %arg10[%dma_wait3A_111, %dma_wait3A_112] : memref<10240x32xf32, #tpu.memory_space<vmem_shared>> -> memref<10240x32xf32, #tpu.memory_space<vmem_shared>>
    tpu.wait_indirect_dma semaphore(%arg13 : memref<!tpu.dma_semaphore, #tpu.memory_space<semaphore_mem>>) src(%dma_wait3A_107 : memref<500x32xf32, #tpu.memory_space<vmem>>) dst(%dma_wait3A_113 : memref<10240x32xf32, #tpu.memory_space<vmem_shared>>)
    %dma_wait3A_114 = arith.constant 1 : i32
    %dma_wait3A_115 = arith.constant 19 : i32
    %dma_wait3A_116 = arith.constant 0 : i32
    %dma_wait3A_117 = arith.constant 0 : i32
    %dma_wait3A_118 = tpu.memref_slice %arg8[%dma_wait3A_114, %dma_wait3A_116, %dma_wait3A_117] : memref<2x500x32xf32, #tpu.memory_space<vmem>> -> memref<1x500x32xf32, #tpu.memory_space<vmem>>
    %dma_wait3A_119 = tpu.memref_squeeze %dma_wait3A_118 : memref<1x500x32xf32, #tpu.memory_space<vmem>> -> memref<500x32xf32, #tpu.memory_space<vmem>>
    %dma_wait3A_120 = arith.constant 0 : i32
    %dma_wait3A_121 = tpu.memref_slice %arg7[%dma_wait3A_115, %dma_wait3A_120] : memref<20x500xi32, #tpu.memory_space<vmem>> -> memref<1x500xi32, #tpu.memory_space<vmem>>
    %dma_wait3A_122 = tpu.memref_squeeze %dma_wait3A_121 : memref<1x500xi32, #tpu.memory_space<vmem>> -> memref<500xi32, #tpu.memory_space<vmem>>
    %dma_wait3A_123 = arith.constant 0 : i32
    %dma_wait3A_124 = arith.constant 0 : i32
    %dma_wait3A_125 = tpu.memref_slice %arg10[%dma_wait3A_123, %dma_wait3A_124] : memref<10240x32xf32, #tpu.memory_space<vmem_shared>> -> memref<10240x32xf32, #tpu.memory_space<vmem_shared>>
    tpu.wait_indirect_dma semaphore(%arg14 : memref<!tpu.dma_semaphore, #tpu.memory_space<semaphore_mem>>) src(%dma_wait3A_119 : memref<500x32xf32, #tpu.memory_space<vmem>>) dst(%dma_wait3A_125 : memref<10240x32xf32, #tpu.memory_space<vmem_shared>>)
    %barrier3A_126 = arith.constant 0 : index
    tpu.barrier barrier_id(%barrier3A_126)
    %mul3A_127 = arith.constant 640 : i32
    %mul3A_128 = arith.muli %arg1, %mul3A_127 : i32
    %add3A_129 = arith.constant 0 : i32
    %add3A_130 = arith.addi %mul3A_128, %add3A_129 : i32
    "tpu.region"() ({
      %run_scoped3A = tpu.sem_alloc : memref<!tpu.dma_semaphore, #tpu.memory_space<semaphore_mem>>
      %dma_start3A_147 = arith.constant 0 : i32
      %dma_start3A_148 = tpu.memref_slice %arg5[%arg0, %add3A_130, %dma_start3A_147] : memref<2x10240x32xf32, #tpu.memory_space<hbm>> -> memref<1x128x32xf32, #tpu.memory_space<hbm>>
      %dma_start3A_149 = tpu.memref_squeeze %dma_start3A_148 : memref<1x128x32xf32, #tpu.memory_space<hbm>> -> memref<128x32xf32, #tpu.memory_space<hbm>>
      %dma_start3A_150 = arith.constant 0 : i32
      %dma_start3A_151 = tpu.memref_slice %arg10[%add3A_130, %dma_start3A_150] : memref<10240x32xf32, #tpu.memory_space<vmem_shared>> -> memref<128x32xf32, #tpu.memory_space<vmem_shared>>
      tpu.enqueue_dma source(%dma_start3A_151 : memref<128x32xf32, #tpu.memory_space<vmem_shared>>) target(%dma_start3A_149 : memref<128x32xf32, #tpu.memory_space<hbm>>) target_semaphore(%run_scoped3A : memref<!tpu.dma_semaphore, #tpu.memory_space<semaphore_mem>>)
      %dma_wait3A_152 = arith.constant 0 : i32
      %dma_wait3A_153 = tpu.memref_slice %arg5[%arg0, %add3A_130, %dma_wait3A_152] : memref<2x10240x32xf32, #tpu.memory_space<hbm>> -> memref<1x128x32xf32, #tpu.memory_space<hbm>>
      %dma_wait3A_154 = tpu.memref_squeeze %dma_wait3A_153 : memref<1x128x32xf32, #tpu.memory_space<hbm>> -> memref<128x32xf32, #tpu.memory_space<hbm>>
      %dma_wait3A_155 = arith.constant 0 : i32
      %dma_wait3A_156 = tpu.memref_slice %arg10[%add3A_130, %dma_wait3A_155] : memref<10240x32xf32, #tpu.memory_space<vmem_shared>> -> memref<128x32xf32, #tpu.memory_space<vmem_shared>>
      tpu.wait_dma2 semaphore(%run_scoped3A : memref<!tpu.dma_semaphore, #tpu.memory_space<semaphore_mem>>) src(%dma_wait3A_156 : memref<128x32xf32, #tpu.memory_space<vmem_shared>>) dst(%dma_wait3A_154 : memref<128x32xf32, #tpu.memory_space<hbm>>)
      tpu.yield
    }) : () -> ()
    %mul3A_131 = arith.constant 640 : i32
    %mul3A_132 = arith.muli %arg1, %mul3A_131 : i32
    %add3A_133 = arith.constant 128 : i32
    %add3A_134 = arith.addi %mul3A_132, %add3A_133 : i32
    "tpu.region"() ({
      %run_scoped3A = tpu.sem_alloc : memref<!tpu.dma_semaphore, #tpu.memory_space<semaphore_mem>>
      %dma_start3A_147 = arith.constant 0 : i32
      %dma_start3A_148 = tpu.memref_slice %arg5[%arg0, %add3A_134, %dma_start3A_147] : memref<2x10240x32xf32, #tpu.memory_space<hbm>> -> memref<1x128x32xf32, #tpu.memory_space<hbm>>
      %dma_start3A_149 = tpu.memref_squeeze %dma_start3A_148 : memref<1x128x32xf32, #tpu.memory_space<hbm>> -> memref<128x32xf32, #tpu.memory_space<hbm>>
      %dma_start3A_150 = arith.constant 0 : i32
      %dma_start3A_151 = tpu.memref_slice %arg10[%add3A_134, %dma_start3A_150] : memref<10240x32xf32, #tpu.memory_space<vmem_shared>> -> memref<128x32xf32, #tpu.memory_space<vmem_shared>>
      tpu.enqueue_dma source(%dma_start3A_151 : memref<128x32xf32, #tpu.memory_space<vmem_shared>>) target(%dma_start3A_149 : memref<128x32xf32, #tpu.memory_space<hbm>>) target_semaphore(%run_scoped3A : memref<!tpu.dma_semaphore, #tpu.memory_space<semaphore_mem>>)
      %dma_wait3A_152 = arith.constant 0 : i32
      %dma_wait3A_153 = tpu.memref_slice %arg5[%arg0, %add3A_134, %dma_wait3A_152] : memref<2x10240x32xf32, #tpu.memory_space<hbm>> -> memref<1x128x32xf32, #tpu.memory_space<hbm>>
      %dma_wait3A_154 = tpu.memref_squeeze %dma_wait3A_153 : memref<1x128x32xf32, #tpu.memory_space<hbm>> -> memref<128x32xf32, #tpu.memory_space<hbm>>
      %dma_wait3A_155 = arith.constant 0 : i32
      %dma_wait3A_156 = tpu.memref_slice %arg10[%add3A_134, %dma_wait3A_155] : memref<10240x32xf32, #tpu.memory_space<vmem_shared>> -> memref<128x32xf32, #tpu.memory_space<vmem_shared>>
      tpu.wait_dma2 semaphore(%run_scoped3A : memref<!tpu.dma_semaphore, #tpu.memory_space<semaphore_mem>>) src(%dma_wait3A_156 : memref<128x32xf32, #tpu.memory_space<vmem_shared>>) dst(%dma_wait3A_154 : memref<128x32xf32, #tpu.memory_space<hbm>>)
      tpu.yield
    }) : () -> ()
    %mul3A_135 = arith.constant 640 : i32
    %mul3A_136 = arith.muli %arg1, %mul3A_135 : i32
    %add3A_137 = arith.constant 256 : i32
    %add3A_138 = arith.addi %mul3A_136, %add3A_137 : i32
    "tpu.region"() ({
      %run_scoped3A = tpu.sem_alloc : memref<!tpu.dma_semaphore, #tpu.memory_space<semaphore_mem>>
      %dma_start3A_147 = arith.constant 0 : i32
      %dma_start3A_148 = tpu.memref_slice %arg5[%arg0, %add3A_138, %dma_start3A_147] : memref<2x10240x32xf32, #tpu.memory_space<hbm>> -> memref<1x128x32xf32, #tpu.memory_space<hbm>>
      %dma_start3A_149 = tpu.memref_squeeze %dma_start3A_148 : memref<1x128x32xf32, #tpu.memory_space<hbm>> -> memref<128x32xf32, #tpu.memory_space<hbm>>
      %dma_start3A_150 = arith.constant 0 : i32
      %dma_start3A_151 = tpu.memref_slice %arg10[%add3A_138, %dma_start3A_150] : memref<10240x32xf32, #tpu.memory_space<vmem_shared>> -> memref<128x32xf32, #tpu.memory_space<vmem_shared>>
      tpu.enqueue_dma source(%dma_start3A_151 : memref<128x32xf32, #tpu.memory_space<vmem_shared>>) target(%dma_start3A_149 : memref<128x32xf32, #tpu.memory_space<hbm>>) target_semaphore(%run_scoped3A : memref<!tpu.dma_semaphore, #tpu.memory_space<semaphore_mem>>)
      %dma_wait3A_152 = arith.constant 0 : i32
      %dma_wait3A_153 = tpu.memref_slice %arg5[%arg0, %add3A_138, %dma_wait3A_152] : memref<2x10240x32xf32, #tpu.memory_space<hbm>> -> memref<1x128x32xf32, #tpu.memory_space<hbm>>
      %dma_wait3A_154 = tpu.memref_squeeze %dma_wait3A_153 : memref<1x128x32xf32, #tpu.memory_space<hbm>> -> memref<128x32xf32, #tpu.memory_space<hbm>>
      %dma_wait3A_155 = arith.constant 0 : i32
      %dma_wait3A_156 = tpu.memref_slice %arg10[%add3A_138, %dma_wait3A_155] : memref<10240x32xf32, #tpu.memory_space<vmem_shared>> -> memref<128x32xf32, #tpu.memory_space<vmem_shared>>
      tpu.wait_dma2 semaphore(%run_scoped3A : memref<!tpu.dma_semaphore, #tpu.memory_space<semaphore_mem>>) src(%dma_wait3A_156 : memref<128x32xf32, #tpu.memory_space<vmem_shared>>) dst(%dma_wait3A_154 : memref<128x32xf32, #tpu.memory_space<hbm>>)
      tpu.yield
    }) : () -> ()
    %mul3A_139 = arith.constant 640 : i32
    %mul3A_140 = arith.muli %arg1, %mul3A_139 : i32
    %add3A_141 = arith.constant 384 : i32
    %add3A_142 = arith.addi %mul3A_140, %add3A_141 : i32
    "tpu.region"() ({
      %run_scoped3A = tpu.sem_alloc : memref<!tpu.dma_semaphore, #tpu.memory_space<semaphore_mem>>
      %dma_start3A_147 = arith.constant 0 : i32
      %dma_start3A_148 = tpu.memref_slice %arg5[%arg0, %add3A_142, %dma_start3A_147] : memref<2x10240x32xf32, #tpu.memory_space<hbm>> -> memref<1x128x32xf32, #tpu.memory_space<hbm>>
      %dma_start3A_149 = tpu.memref_squeeze %dma_start3A_148 : memref<1x128x32xf32, #tpu.memory_space<hbm>> -> memref<128x32xf32, #tpu.memory_space<hbm>>
      %dma_start3A_150 = arith.constant 0 : i32
      %dma_start3A_151 = tpu.memref_slice %arg10[%add3A_142, %dma_start3A_150] : memref<10240x32xf32, #tpu.memory_space<vmem_shared>> -> memref<128x32xf32, #tpu.memory_space<vmem_shared>>
      tpu.enqueue_dma source(%dma_start3A_151 : memref<128x32xf32, #tpu.memory_space<vmem_shared>>) target(%dma_start3A_149 : memref<128x32xf32, #tpu.memory_space<hbm>>) target_semaphore(%run_scoped3A : memref<!tpu.dma_semaphore, #tpu.memory_space<semaphore_mem>>)
      %dma_wait3A_152 = arith.constant 0 : i32
      %dma_wait3A_153 = tpu.memref_slice %arg5[%arg0, %add3A_142, %dma_wait3A_152] : memref<2x10240x32xf32, #tpu.memory_space<hbm>> -> memref<1x128x32xf32, #tpu.memory_space<hbm>>
      %dma_wait3A_154 = tpu.memref_squeeze %dma_wait3A_153 : memref<1x128x32xf32, #tpu.memory_space<hbm>> -> memref<128x32xf32, #tpu.memory_space<hbm>>
      %dma_wait3A_155 = arith.constant 0 : i32
      %dma_wait3A_156 = tpu.memref_slice %arg10[%add3A_142, %dma_wait3A_155] : memref<10240x32xf32, #tpu.memory_space<vmem_shared>> -> memref<128x32xf32, #tpu.memory_space<vmem_shared>>
      tpu.wait_dma2 semaphore(%run_scoped3A : memref<!tpu.dma_semaphore, #tpu.memory_space<semaphore_mem>>) src(%dma_wait3A_156 : memref<128x32xf32, #tpu.memory_space<vmem_shared>>) dst(%dma_wait3A_154 : memref<128x32xf32, #tpu.memory_space<hbm>>)
      tpu.yield
    }) : () -> ()
    %mul3A_143 = arith.constant 640 : i32
    %mul3A_144 = arith.muli %arg1, %mul3A_143 : i32
    %add3A_145 = arith.constant 512 : i32
    %add3A_146 = arith.addi %mul3A_144, %add3A_145 : i32
    "tpu.region"() ({
      %run_scoped3A = tpu.sem_alloc : memref<!tpu.dma_semaphore, #tpu.memory_space<semaphore_mem>>
      %dma_start3A_147 = arith.constant 0 : i32
      %dma_start3A_148 = tpu.memref_slice %arg5[%arg0, %add3A_146, %dma_start3A_147] : memref<2x10240x32xf32, #tpu.memory_space<hbm>> -> memref<1x128x32xf32, #tpu.memory_space<hbm>>
      %dma_start3A_149 = tpu.memref_squeeze %dma_start3A_148 : memref<1x128x32xf32, #tpu.memory_space<hbm>> -> memref<128x32xf32, #tpu.memory_space<hbm>>
      %dma_start3A_150 = arith.constant 0 : i32
      %dma_start3A_151 = tpu.memref_slice %arg10[%add3A_146, %dma_start3A_150] : memref<10240x32xf32, #tpu.memory_space<vmem_shared>> -> memref<128x32xf32, #tpu.memory_space<vmem_shared>>
      tpu.enqueue_dma source(%dma_start3A_151 : memref<128x32xf32, #tpu.memory_space<vmem_shared>>) target(%dma_start3A_149 : memref<128x32xf32, #tpu.memory_space<hbm>>) target_semaphore(%run_scoped3A : memref<!tpu.dma_semaphore, #tpu.memory_space<semaphore_mem>>)
      %dma_wait3A_152 = arith.constant 0 : i32
      %dma_wait3A_153 = tpu.memref_slice %arg5[%arg0, %add3A_146, %dma_wait3A_152] : memref<2x10240x32xf32, #tpu.memory_space<hbm>> -> memref<1x128x32xf32, #tpu.memory_space<hbm>>
      %dma_wait3A_154 = tpu.memref_squeeze %dma_wait3A_153 : memref<1x128x32xf32, #tpu.memory_space<hbm>> -> memref<128x32xf32, #tpu.memory_space<hbm>>
      %dma_wait3A_155 = arith.constant 0 : i32
      %dma_wait3A_156 = tpu.memref_slice %arg10[%add3A_146, %dma_wait3A_155] : memref<10240x32xf32, #tpu.memory_space<vmem_shared>> -> memref<128x32xf32, #tpu.memory_space<vmem_shared>>
      tpu.wait_dma2 semaphore(%run_scoped3A : memref<!tpu.dma_semaphore, #tpu.memory_space<semaphore_mem>>) src(%dma_wait3A_156 : memref<128x32xf32, #tpu.memory_space<vmem_shared>>) dst(%dma_wait3A_154 : memref<128x32xf32, #tpu.memory_space<hbm>>)
      tpu.yield
    }) : () -> ()
    return
  }
}

#map = affine_map<(d0, d1) -> (0, 0)>
module attributes {stable_mosaic.version = 14 : i64} {
  func.func @_deg_kernel(%arg0: i32, %arg1: i32, %arg2: memref<640x500xi32, #tpu.memory_space<hbm>>, %arg3: memref<2x10240xf32, #tpu.memory_space<hbm>>, %arg4: memref<20x500xi32, #tpu.memory_space<vmem>>, %arg5: memref<512xf32, #tpu.memory_space<vmem>>, %arg6: memref<640xf32, #tpu.memory_space<vmem>>, %arg7: memref<10240xf32, #tpu.memory_space<vmem_shared>>) attributes {dimension_semantics = [#tpu.dimension_semantics<core_parallel>, #tpu.dimension_semantics<subcore_parallel>], iteration_bounds = array<i64: 2, 16>, scalar_prefetch = 0 : i64, scratch_operands = 4 : i64, tpu.core_type = #tpu.core_type<sc_vector_subcore>, window_params = [{transform_indices = #map}, {transform_indices = #map}]} {
    %mul3A = arith.constant 16 : i32
    %mul3A_0 = arith.muli %arg0, %mul3A : i32
    %add3A = arith.addi %mul3A_0, %arg1 : i32
    %broadcast_in_dim3A = arith.constant 0.000000e+00 : f32
    %broadcast_in_dim3A_1 = vector.broadcast %broadcast_in_dim3A : f32 to vector<16xf32>
    %broadcast_in_dim3A_2 = arith.constant 1.000000e+00 : f32
    %broadcast_in_dim3A_3 = vector.broadcast %broadcast_in_dim3A_2 : f32 to vector<16xf32>
    %scan3A = arith.constant 0 : i32
    %scan3A_4 = arith.constant 0 : i32
    %scan3A_5 = arith.constant 40 : i32
    %scan3A_6 = arith.addi %scan3A_4, %scan3A_5 : i32
    %scan3A_7 = arith.constant 1 : i32
    %scan3A_8 = scf.for %scan3A_153 = %scan3A_4 to %scan3A_6 step %scan3A_7 iter_args(%scan3A_154 = %scan3A) -> (i32)  : i32 {
      %mul3A_155 = arith.constant 16 : i32
      %mul3A_156 = arith.muli %scan3A_153, %mul3A_155 : i32
      %swap3A_157 = arith.index_cast %mul3A_156 : i32 to index
      %swap3A_158 = tpu.vector_load %arg6[%swap3A_157] {strides = array<i32>} : memref<640xf32, #tpu.memory_space<vmem>>, vector<16xf32>,
      %swap3A_159 = vector.shape_cast %swap3A_158 : vector<16xf32> to vector<16xf32>
      %swap3A_160 = vector.shape_cast %broadcast_in_dim3A_1 : vector<16xf32> to vector<16xf32>
      tpu.vector_store %arg6[%swap3A_157], %swap3A_160 {strides = array<i32>} : memref<640xf32, #tpu.memory_space<vmem>>, vector<16xf32>,
      %scan3A_161 = arith.constant 0 : i32
      scf.yield %scan3A_161 : i32
    }
    %scan3A_9 = arith.constant 40 : i32
    %swap3A = arith.constant 0 : index
    %swap3A_10 = tpu.vector_load %arg5[%swap3A] {strides = array<i32>} : memref<512xf32, #tpu.memory_space<vmem>>, vector<16xf32>,
    %swap3A_11 = vector.shape_cast %swap3A_10 : vector<16xf32> to vector<16xf32>
    %swap3A_12 = vector.shape_cast %broadcast_in_dim3A_3 : vector<16xf32> to vector<16xf32>
    tpu.vector_store %arg5[%swap3A], %swap3A_12 {strides = array<i32>} : memref<512xf32, #tpu.memory_space<vmem>>, vector<16xf32>,
    %swap3A_13 = arith.constant 16 : index
    %swap3A_14 = tpu.vector_load %arg5[%swap3A_13] {strides = array<i32>} : memref<512xf32, #tpu.memory_space<vmem>>, vector<16xf32>,
    %swap3A_15 = vector.shape_cast %swap3A_14 : vector<16xf32> to vector<16xf32>
    %swap3A_16 = vector.shape_cast %broadcast_in_dim3A_3 : vector<16xf32> to vector<16xf32>
    tpu.vector_store %arg5[%swap3A_13], %swap3A_16 {strides = array<i32>} : memref<512xf32, #tpu.memory_space<vmem>>, vector<16xf32>,
    %swap3A_17 = arith.constant 32 : index
    %swap3A_18 = tpu.vector_load %arg5[%swap3A_17] {strides = array<i32>} : memref<512xf32, #tpu.memory_space<vmem>>, vector<16xf32>,
    %swap3A_19 = vector.shape_cast %swap3A_18 : vector<16xf32> to vector<16xf32>
    %swap3A_20 = vector.shape_cast %broadcast_in_dim3A_3 : vector<16xf32> to vector<16xf32>
    tpu.vector_store %arg5[%swap3A_17], %swap3A_20 {strides = array<i32>} : memref<512xf32, #tpu.memory_space<vmem>>, vector<16xf32>,
    %swap3A_21 = arith.constant 48 : index
    %swap3A_22 = tpu.vector_load %arg5[%swap3A_21] {strides = array<i32>} : memref<512xf32, #tpu.memory_space<vmem>>, vector<16xf32>,
    %swap3A_23 = vector.shape_cast %swap3A_22 : vector<16xf32> to vector<16xf32>
    %swap3A_24 = vector.shape_cast %broadcast_in_dim3A_3 : vector<16xf32> to vector<16xf32>
    tpu.vector_store %arg5[%swap3A_21], %swap3A_24 {strides = array<i32>} : memref<512xf32, #tpu.memory_space<vmem>>, vector<16xf32>,
    %swap3A_25 = arith.constant 64 : index
    %swap3A_26 = tpu.vector_load %arg5[%swap3A_25] {strides = array<i32>} : memref<512xf32, #tpu.memory_space<vmem>>, vector<16xf32>,
    %swap3A_27 = vector.shape_cast %swap3A_26 : vector<16xf32> to vector<16xf32>
    %swap3A_28 = vector.shape_cast %broadcast_in_dim3A_3 : vector<16xf32> to vector<16xf32>
    tpu.vector_store %arg5[%swap3A_25], %swap3A_28 {strides = array<i32>} : memref<512xf32, #tpu.memory_space<vmem>>, vector<16xf32>,
    %swap3A_29 = arith.constant 80 : index
    %swap3A_30 = tpu.vector_load %arg5[%swap3A_29] {strides = array<i32>} : memref<512xf32, #tpu.memory_space<vmem>>, vector<16xf32>,
    %swap3A_31 = vector.shape_cast %swap3A_30 : vector<16xf32> to vector<16xf32>
    %swap3A_32 = vector.shape_cast %broadcast_in_dim3A_3 : vector<16xf32> to vector<16xf32>
    tpu.vector_store %arg5[%swap3A_29], %swap3A_32 {strides = array<i32>} : memref<512xf32, #tpu.memory_space<vmem>>, vector<16xf32>,
    %swap3A_33 = arith.constant 96 : index
    %swap3A_34 = tpu.vector_load %arg5[%swap3A_33] {strides = array<i32>} : memref<512xf32, #tpu.memory_space<vmem>>, vector<16xf32>,
    %swap3A_35 = vector.shape_cast %swap3A_34 : vector<16xf32> to vector<16xf32>
    %swap3A_36 = vector.shape_cast %broadcast_in_dim3A_3 : vector<16xf32> to vector<16xf32>
    tpu.vector_store %arg5[%swap3A_33], %swap3A_36 {strides = array<i32>} : memref<512xf32, #tpu.memory_space<vmem>>, vector<16xf32>,
    %swap3A_37 = arith.constant 112 : index
    %swap3A_38 = tpu.vector_load %arg5[%swap3A_37] {strides = array<i32>} : memref<512xf32, #tpu.memory_space<vmem>>, vector<16xf32>,
    %swap3A_39 = vector.shape_cast %swap3A_38 : vector<16xf32> to vector<16xf32>
    %swap3A_40 = vector.shape_cast %broadcast_in_dim3A_3 : vector<16xf32> to vector<16xf32>
    tpu.vector_store %arg5[%swap3A_37], %swap3A_40 {strides = array<i32>} : memref<512xf32, #tpu.memory_space<vmem>>, vector<16xf32>,
    %swap3A_41 = arith.constant 128 : index
    %swap3A_42 = tpu.vector_load %arg5[%swap3A_41] {strides = array<i32>} : memref<512xf32, #tpu.memory_space<vmem>>, vector<16xf32>,
    %swap3A_43 = vector.shape_cast %swap3A_42 : vector<16xf32> to vector<16xf32>
    %swap3A_44 = vector.shape_cast %broadcast_in_dim3A_3 : vector<16xf32> to vector<16xf32>
    tpu.vector_store %arg5[%swap3A_41], %swap3A_44 {strides = array<i32>} : memref<512xf32, #tpu.memory_space<vmem>>, vector<16xf32>,
    %swap3A_45 = arith.constant 144 : index
    %swap3A_46 = tpu.vector_load %arg5[%swap3A_45] {strides = array<i32>} : memref<512xf32, #tpu.memory_space<vmem>>, vector<16xf32>,
    %swap3A_47 = vector.shape_cast %swap3A_46 : vector<16xf32> to vector<16xf32>
    %swap3A_48 = vector.shape_cast %broadcast_in_dim3A_3 : vector<16xf32> to vector<16xf32>
    tpu.vector_store %arg5[%swap3A_45], %swap3A_48 {strides = array<i32>} : memref<512xf32, #tpu.memory_space<vmem>>, vector<16xf32>,
    %swap3A_49 = arith.constant 160 : index
    %swap3A_50 = tpu.vector_load %arg5[%swap3A_49] {strides = array<i32>} : memref<512xf32, #tpu.memory_space<vmem>>, vector<16xf32>,
    %swap3A_51 = vector.shape_cast %swap3A_50 : vector<16xf32> to vector<16xf32>
    %swap3A_52 = vector.shape_cast %broadcast_in_dim3A_3 : vector<16xf32> to vector<16xf32>
    tpu.vector_store %arg5[%swap3A_49], %swap3A_52 {strides = array<i32>} : memref<512xf32, #tpu.memory_space<vmem>>, vector<16xf32>,
    %swap3A_53 = arith.constant 176 : index
    %swap3A_54 = tpu.vector_load %arg5[%swap3A_53] {strides = array<i32>} : memref<512xf32, #tpu.memory_space<vmem>>, vector<16xf32>,
    %swap3A_55 = vector.shape_cast %swap3A_54 : vector<16xf32> to vector<16xf32>
    %swap3A_56 = vector.shape_cast %broadcast_in_dim3A_3 : vector<16xf32> to vector<16xf32>
    tpu.vector_store %arg5[%swap3A_53], %swap3A_56 {strides = array<i32>} : memref<512xf32, #tpu.memory_space<vmem>>, vector<16xf32>,
    %swap3A_57 = arith.constant 192 : index
    %swap3A_58 = tpu.vector_load %arg5[%swap3A_57] {strides = array<i32>} : memref<512xf32, #tpu.memory_space<vmem>>, vector<16xf32>,
    %swap3A_59 = vector.shape_cast %swap3A_58 : vector<16xf32> to vector<16xf32>
    %swap3A_60 = vector.shape_cast %broadcast_in_dim3A_3 : vector<16xf32> to vector<16xf32>
    tpu.vector_store %arg5[%swap3A_57], %swap3A_60 {strides = array<i32>} : memref<512xf32, #tpu.memory_space<vmem>>, vector<16xf32>,
    %swap3A_61 = arith.constant 208 : index
    %swap3A_62 = tpu.vector_load %arg5[%swap3A_61] {strides = array<i32>} : memref<512xf32, #tpu.memory_space<vmem>>, vector<16xf32>,
    %swap3A_63 = vector.shape_cast %swap3A_62 : vector<16xf32> to vector<16xf32>
    %swap3A_64 = vector.shape_cast %broadcast_in_dim3A_3 : vector<16xf32> to vector<16xf32>
    tpu.vector_store %arg5[%swap3A_61], %swap3A_64 {strides = array<i32>} : memref<512xf32, #tpu.memory_space<vmem>>, vector<16xf32>,
    %swap3A_65 = arith.constant 224 : index
    %swap3A_66 = tpu.vector_load %arg5[%swap3A_65] {strides = array<i32>} : memref<512xf32, #tpu.memory_space<vmem>>, vector<16xf32>,
    %swap3A_67 = vector.shape_cast %swap3A_66 : vector<16xf32> to vector<16xf32>
    %swap3A_68 = vector.shape_cast %broadcast_in_dim3A_3 : vector<16xf32> to vector<16xf32>
    tpu.vector_store %arg5[%swap3A_65], %swap3A_68 {strides = array<i32>} : memref<512xf32, #tpu.memory_space<vmem>>, vector<16xf32>,
    %swap3A_69 = arith.constant 240 : index
    %swap3A_70 = tpu.vector_load %arg5[%swap3A_69] {strides = array<i32>} : memref<512xf32, #tpu.memory_space<vmem>>, vector<16xf32>,
    %swap3A_71 = vector.shape_cast %swap3A_70 : vector<16xf32> to vector<16xf32>
    %swap3A_72 = vector.shape_cast %broadcast_in_dim3A_3 : vector<16xf32> to vector<16xf32>
    tpu.vector_store %arg5[%swap3A_69], %swap3A_72 {strides = array<i32>} : memref<512xf32, #tpu.memory_space<vmem>>, vector<16xf32>,
    %swap3A_73 = arith.constant 256 : index
    %swap3A_74 = tpu.vector_load %arg5[%swap3A_73] {strides = array<i32>} : memref<512xf32, #tpu.memory_space<vmem>>, vector<16xf32>,
    %swap3A_75 = vector.shape_cast %swap3A_74 : vector<16xf32> to vector<16xf32>
    %swap3A_76 = vector.shape_cast %broadcast_in_dim3A_3 : vector<16xf32> to vector<16xf32>
    tpu.vector_store %arg5[%swap3A_73], %swap3A_76 {strides = array<i32>} : memref<512xf32, #tpu.memory_space<vmem>>, vector<16xf32>,
    %swap3A_77 = arith.constant 272 : index
    %swap3A_78 = tpu.vector_load %arg5[%swap3A_77] {strides = array<i32>} : memref<512xf32, #tpu.memory_space<vmem>>, vector<16xf32>,
    %swap3A_79 = vector.shape_cast %swap3A_78 : vector<16xf32> to vector<16xf32>
    %swap3A_80 = vector.shape_cast %broadcast_in_dim3A_3 : vector<16xf32> to vector<16xf32>
    tpu.vector_store %arg5[%swap3A_77], %swap3A_80 {strides = array<i32>} : memref<512xf32, #tpu.memory_space<vmem>>, vector<16xf32>,
    %swap3A_81 = arith.constant 288 : index
    %swap3A_82 = tpu.vector_load %arg5[%swap3A_81] {strides = array<i32>} : memref<512xf32, #tpu.memory_space<vmem>>, vector<16xf32>,
    %swap3A_83 = vector.shape_cast %swap3A_82 : vector<16xf32> to vector<16xf32>
    %swap3A_84 = vector.shape_cast %broadcast_in_dim3A_3 : vector<16xf32> to vector<16xf32>
    tpu.vector_store %arg5[%swap3A_81], %swap3A_84 {strides = array<i32>} : memref<512xf32, #tpu.memory_space<vmem>>, vector<16xf32>,
    %swap3A_85 = arith.constant 304 : index
    %swap3A_86 = tpu.vector_load %arg5[%swap3A_85] {strides = array<i32>} : memref<512xf32, #tpu.memory_space<vmem>>, vector<16xf32>,
    %swap3A_87 = vector.shape_cast %swap3A_86 : vector<16xf32> to vector<16xf32>
    %swap3A_88 = vector.shape_cast %broadcast_in_dim3A_3 : vector<16xf32> to vector<16xf32>
    tpu.vector_store %arg5[%swap3A_85], %swap3A_88 {strides = array<i32>} : memref<512xf32, #tpu.memory_space<vmem>>, vector<16xf32>,
    %swap3A_89 = arith.constant 320 : index
    %swap3A_90 = tpu.vector_load %arg5[%swap3A_89] {strides = array<i32>} : memref<512xf32, #tpu.memory_space<vmem>>, vector<16xf32>,
    %swap3A_91 = vector.shape_cast %swap3A_90 : vector<16xf32> to vector<16xf32>
    %swap3A_92 = vector.shape_cast %broadcast_in_dim3A_3 : vector<16xf32> to vector<16xf32>
    tpu.vector_store %arg5[%swap3A_89], %swap3A_92 {strides = array<i32>} : memref<512xf32, #tpu.memory_space<vmem>>, vector<16xf32>,
    %swap3A_93 = arith.constant 336 : index
    %swap3A_94 = tpu.vector_load %arg5[%swap3A_93] {strides = array<i32>} : memref<512xf32, #tpu.memory_space<vmem>>, vector<16xf32>,
    %swap3A_95 = vector.shape_cast %swap3A_94 : vector<16xf32> to vector<16xf32>
    %swap3A_96 = vector.shape_cast %broadcast_in_dim3A_3 : vector<16xf32> to vector<16xf32>
    tpu.vector_store %arg5[%swap3A_93], %swap3A_96 {strides = array<i32>} : memref<512xf32, #tpu.memory_space<vmem>>, vector<16xf32>,
    %swap3A_97 = arith.constant 352 : index
    %swap3A_98 = tpu.vector_load %arg5[%swap3A_97] {strides = array<i32>} : memref<512xf32, #tpu.memory_space<vmem>>, vector<16xf32>,
    %swap3A_99 = vector.shape_cast %swap3A_98 : vector<16xf32> to vector<16xf32>
    %swap3A_100 = vector.shape_cast %broadcast_in_dim3A_3 : vector<16xf32> to vector<16xf32>
    tpu.vector_store %arg5[%swap3A_97], %swap3A_100 {strides = array<i32>} : memref<512xf32, #tpu.memory_space<vmem>>, vector<16xf32>,
    %swap3A_101 = arith.constant 368 : index
    %swap3A_102 = tpu.vector_load %arg5[%swap3A_101] {strides = array<i32>} : memref<512xf32, #tpu.memory_space<vmem>>, vector<16xf32>,
    %swap3A_103 = vector.shape_cast %swap3A_102 : vector<16xf32> to vector<16xf32>
    %swap3A_104 = vector.shape_cast %broadcast_in_dim3A_3 : vector<16xf32> to vector<16xf32>
    tpu.vector_store %arg5[%swap3A_101], %swap3A_104 {strides = array<i32>} : memref<512xf32, #tpu.memory_space<vmem>>, vector<16xf32>,
    %swap3A_105 = arith.constant 384 : index
    %swap3A_106 = tpu.vector_load %arg5[%swap3A_105] {strides = array<i32>} : memref<512xf32, #tpu.memory_space<vmem>>, vector<16xf32>,
    %swap3A_107 = vector.shape_cast %swap3A_106 : vector<16xf32> to vector<16xf32>
    %swap3A_108 = vector.shape_cast %broadcast_in_dim3A_3 : vector<16xf32> to vector<16xf32>
    tpu.vector_store %arg5[%swap3A_105], %swap3A_108 {strides = array<i32>} : memref<512xf32, #tpu.memory_space<vmem>>, vector<16xf32>,
    %swap3A_109 = arith.constant 400 : index
    %swap3A_110 = tpu.vector_load %arg5[%swap3A_109] {strides = array<i32>} : memref<512xf32, #tpu.memory_space<vmem>>, vector<16xf32>,
    %swap3A_111 = vector.shape_cast %swap3A_110 : vector<16xf32> to vector<16xf32>
    %swap3A_112 = vector.shape_cast %broadcast_in_dim3A_3 : vector<16xf32> to vector<16xf32>
    tpu.vector_store %arg5[%swap3A_109], %swap3A_112 {strides = array<i32>} : memref<512xf32, #tpu.memory_space<vmem>>, vector<16xf32>,
    %swap3A_113 = arith.constant 416 : index
    %swap3A_114 = tpu.vector_load %arg5[%swap3A_113] {strides = array<i32>} : memref<512xf32, #tpu.memory_space<vmem>>, vector<16xf32>,
    %swap3A_115 = vector.shape_cast %swap3A_114 : vector<16xf32> to vector<16xf32>
    %swap3A_116 = vector.shape_cast %broadcast_in_dim3A_3 : vector<16xf32> to vector<16xf32>
    tpu.vector_store %arg5[%swap3A_113], %swap3A_116 {strides = array<i32>} : memref<512xf32, #tpu.memory_space<vmem>>, vector<16xf32>,
    %swap3A_117 = arith.constant 432 : index
    %swap3A_118 = tpu.vector_load %arg5[%swap3A_117] {strides = array<i32>} : memref<512xf32, #tpu.memory_space<vmem>>, vector<16xf32>,
    %swap3A_119 = vector.shape_cast %swap3A_118 : vector<16xf32> to vector<16xf32>
    %swap3A_120 = vector.shape_cast %broadcast_in_dim3A_3 : vector<16xf32> to vector<16xf32>
    tpu.vector_store %arg5[%swap3A_117], %swap3A_120 {strides = array<i32>} : memref<512xf32, #tpu.memory_space<vmem>>, vector<16xf32>,
    %swap3A_121 = arith.constant 448 : index
    %swap3A_122 = tpu.vector_load %arg5[%swap3A_121] {strides = array<i32>} : memref<512xf32, #tpu.memory_space<vmem>>, vector<16xf32>,
    %swap3A_123 = vector.shape_cast %swap3A_122 : vector<16xf32> to vector<16xf32>
    %swap3A_124 = vector.shape_cast %broadcast_in_dim3A_3 : vector<16xf32> to vector<16xf32>
    tpu.vector_store %arg5[%swap3A_121], %swap3A_124 {strides = array<i32>} : memref<512xf32, #tpu.memory_space<vmem>>, vector<16xf32>,
    %swap3A_125 = arith.constant 464 : index
    %swap3A_126 = tpu.vector_load %arg5[%swap3A_125] {strides = array<i32>} : memref<512xf32, #tpu.memory_space<vmem>>, vector<16xf32>,
    %swap3A_127 = vector.shape_cast %swap3A_126 : vector<16xf32> to vector<16xf32>
    %swap3A_128 = vector.shape_cast %broadcast_in_dim3A_3 : vector<16xf32> to vector<16xf32>
    tpu.vector_store %arg5[%swap3A_125], %swap3A_128 {strides = array<i32>} : memref<512xf32, #tpu.memory_space<vmem>>, vector<16xf32>,
    %swap3A_129 = arith.constant 480 : index
    %swap3A_130 = tpu.vector_load %arg5[%swap3A_129] {strides = array<i32>} : memref<512xf32, #tpu.memory_space<vmem>>, vector<16xf32>,
    %swap3A_131 = vector.shape_cast %swap3A_130 : vector<16xf32> to vector<16xf32>
    %swap3A_132 = vector.shape_cast %broadcast_in_dim3A_3 : vector<16xf32> to vector<16xf32>
    tpu.vector_store %arg5[%swap3A_129], %swap3A_132 {strides = array<i32>} : memref<512xf32, #tpu.memory_space<vmem>>, vector<16xf32>,
    %swap3A_133 = arith.constant 496 : index
    %swap3A_134 = tpu.vector_load %arg5[%swap3A_133] {strides = array<i32>} : memref<512xf32, #tpu.memory_space<vmem>>, vector<16xf32>,
    %swap3A_135 = vector.shape_cast %swap3A_134 : vector<16xf32> to vector<16xf32>
    %swap3A_136 = vector.shape_cast %broadcast_in_dim3A_3 : vector<16xf32> to vector<16xf32>
    tpu.vector_store %arg5[%swap3A_133], %swap3A_136 {strides = array<i32>} : memref<512xf32, #tpu.memory_space<vmem>>, vector<16xf32>,
    %mul3A_137 = arith.constant 640 : i32
    %mul3A_138 = arith.muli %arg1, %mul3A_137 : i32
    "tpu.region"() ({
      %run_scoped3A = tpu.sem_alloc : memref<!tpu.dma_semaphore, #tpu.memory_space<semaphore_mem>>
      %dma_start3A = tpu.memref_slice %arg7[%mul3A_138] : memref<10240xf32, #tpu.memory_space<vmem_shared>> -> memref<640xf32, #tpu.memory_space<vmem_shared>>
      %dma_start3A_153 = tpu.memref_slice %arg7[%mul3A_138] : memref<10240xf32, #tpu.memory_space<vmem_shared>> -> memref<640xf32, #tpu.memory_space<vmem_shared>>
      tpu.enqueue_dma source(%arg6 : memref<640xf32, #tpu.memory_space<vmem>>) target(%dma_start3A_153 : memref<640xf32, #tpu.memory_space<vmem_shared>>) target_semaphore(%run_scoped3A : memref<!tpu.dma_semaphore, #tpu.memory_space<semaphore_mem>>)
      %dma_wait3A = tpu.memref_slice %arg7[%mul3A_138] : memref<10240xf32, #tpu.memory_space<vmem_shared>> -> memref<640xf32, #tpu.memory_space<vmem_shared>>
      %dma_wait3A_154 = tpu.memref_slice %arg7[%mul3A_138] : memref<10240xf32, #tpu.memory_space<vmem_shared>> -> memref<640xf32, #tpu.memory_space<vmem_shared>>
      tpu.wait_dma2 semaphore(%run_scoped3A : memref<!tpu.dma_semaphore, #tpu.memory_space<semaphore_mem>>) src(%arg6 : memref<640xf32, #tpu.memory_space<vmem>>) dst(%dma_wait3A_154 : memref<640xf32, #tpu.memory_space<vmem_shared>>)
      tpu.yield
    }) : () -> ()
    %barrier3A = arith.constant 0 : index
    tpu.barrier barrier_id(%barrier3A)
    %mul3A_139 = arith.constant 20 : i32
    %mul3A_140 = arith.muli %add3A, %mul3A_139 : i32
    "tpu.region"() ({
      %run_scoped3A = tpu.sem_alloc : memref<!tpu.dma_semaphore, #tpu.memory_space<semaphore_mem>>
      %dma_start3A = arith.constant 0 : i32
      %dma_start3A_153 = tpu.memref_slice %arg2[%mul3A_140, %dma_start3A] : memref<640x500xi32, #tpu.memory_space<hbm>> -> memref<20x500xi32, #tpu.memory_space<hbm>>
      %dma_start3A_154 = arith.constant 0 : i32
      %dma_start3A_155 = tpu.memref_slice %arg2[%mul3A_140, %dma_start3A_154] : memref<640x500xi32, #tpu.memory_space<hbm>> -> memref<20x500xi32, #tpu.memory_space<hbm>>
      tpu.enqueue_dma source(%dma_start3A_155 : memref<20x500xi32, #tpu.memory_space<hbm>>) target(%arg4 : memref<20x500xi32, #tpu.memory_space<vmem>>) target_semaphore(%run_scoped3A : memref<!tpu.dma_semaphore, #tpu.memory_space<semaphore_mem>>)
      %dma_wait3A = arith.constant 0 : i32
      %dma_wait3A_156 = tpu.memref_slice %arg2[%mul3A_140, %dma_wait3A] : memref<640x500xi32, #tpu.memory_space<hbm>> -> memref<20x500xi32, #tpu.memory_space<hbm>>
      %dma_wait3A_157 = arith.constant 0 : i32
      %dma_wait3A_158 = tpu.memref_slice %arg2[%mul3A_140, %dma_wait3A_157] : memref<640x500xi32, #tpu.memory_space<hbm>> -> memref<20x500xi32, #tpu.memory_space<hbm>>
      tpu.wait_dma2 semaphore(%run_scoped3A : memref<!tpu.dma_semaphore, #tpu.memory_space<semaphore_mem>>) src(%dma_wait3A_158 : memref<20x500xi32, #tpu.memory_space<hbm>>) dst(%arg4 : memref<20x500xi32, #tpu.memory_space<vmem>>)
      tpu.yield
    }) : () -> ()
    %scan3A_141 = arith.constant 0 : i32
    %scan3A_142 = arith.constant 0 : i32
    %scan3A_143 = arith.constant 20 : i32
    %scan3A_144 = arith.addi %scan3A_142, %scan3A_143 : i32
    %scan3A_145 = arith.constant 1 : i32
    %scan3A_146 = scf.for %scan3A_153 = %scan3A_142 to %scan3A_144 step %scan3A_145 iter_args(%scan3A_154 = %scan3A_141) -> (i32)  : i32 {
      "tpu.region"() ({
        %run_scoped3A = tpu.sem_alloc : memref<!tpu.dma_semaphore, #tpu.memory_space<semaphore_mem>>
        %dma_start3A = arith.constant 0 : i32
        %dma_start3A_156 = tpu.memref_slice %arg5[%dma_start3A] : memref<512xf32, #tpu.memory_space<vmem>> -> memref<500xf32, #tpu.memory_space<vmem>>
        %dma_start3A_157 = arith.constant 0 : i32
        %dma_start3A_158 = tpu.memref_slice %arg4[%scan3A_153, %dma_start3A_157] : memref<20x500xi32, #tpu.memory_space<vmem>> -> memref<1x500xi32, #tpu.memory_space<vmem>>
        %dma_start3A_159 = tpu.memref_squeeze %dma_start3A_158 : memref<1x500xi32, #tpu.memory_space<vmem>> -> memref<500xi32, #tpu.memory_space<vmem>>
        %dma_start3A_160 = arith.constant 0 : i32
        %dma_start3A_161 = tpu.memref_slice %arg7[%dma_start3A_160] : memref<10240xf32, #tpu.memory_space<vmem_shared>> -> memref<10240xf32, #tpu.memory_space<vmem_shared>>
        tpu.enqueue_indirect_dma source(%dma_start3A_156 : memref<500xf32, #tpu.memory_space<vmem>>) target(%dma_start3A_161 : memref<10240xf32, #tpu.memory_space<vmem_shared>>) offsets(%dma_start3A_159 : memref<500xi32, #tpu.memory_space<vmem>>) semaphore(%run_scoped3A : memref<!tpu.dma_semaphore, #tpu.memory_space<semaphore_mem>>) {add = true}
        %dma_wait3A = arith.constant 0 : i32
        %dma_wait3A_162 = tpu.memref_slice %arg5[%dma_wait3A] : memref<512xf32, #tpu.memory_space<vmem>> -> memref<500xf32, #tpu.memory_space<vmem>>
        %dma_wait3A_163 = arith.constant 0 : i32
        %dma_wait3A_164 = tpu.memref_slice %arg4[%scan3A_153, %dma_wait3A_163] : memref<20x500xi32, #tpu.memory_space<vmem>> -> memref<1x500xi32, #tpu.memory_space<vmem>>
        %dma_wait3A_165 = tpu.memref_squeeze %dma_wait3A_164 : memref<1x500xi32, #tpu.memory_space<vmem>> -> memref<500xi32, #tpu.memory_space<vmem>>
        %dma_wait3A_166 = arith.constant 0 : i32
        %dma_wait3A_167 = tpu.memref_slice %arg7[%dma_wait3A_166] : memref<10240xf32, #tpu.memory_space<vmem_shared>> -> memref<10240xf32, #tpu.memory_space<vmem_shared>>
        tpu.wait_indirect_dma semaphore(%run_scoped3A : memref<!tpu.dma_semaphore, #tpu.memory_space<semaphore_mem>>) src(%dma_wait3A_162 : memref<500xf32, #tpu.memory_space<vmem>>) dst(%dma_wait3A_167 : memref<10240xf32, #tpu.memory_space<vmem_shared>>)
        tpu.yield
      }) : () -> ()
      %scan3A_155 = arith.constant 0 : i32
      scf.yield %scan3A_155 : i32
    }
    %scan3A_147 = arith.constant 20 : i32
    %barrier3A_148 = arith.constant 0 : index
    tpu.barrier barrier_id(%barrier3A_148)
    %mul3A_149 = arith.constant 640 : i32
    %mul3A_150 = arith.muli %arg1, %mul3A_149 : i32
    %mul3A_151 = arith.constant 640 : i32
    %mul3A_152 = arith.muli %arg1, %mul3A_151 : i32
    "tpu.region"() ({
      %run_scoped3A = tpu.sem_alloc : memref<!tpu.dma_semaphore, #tpu.memory_space<semaphore_mem>>
      %dma_start3A = tpu.memref_slice %arg3[%arg0, %mul3A_152] : memref<2x10240xf32, #tpu.memory_space<hbm>> -> memref<1x640xf32, #tpu.memory_space<hbm>>
      %dma_start3A_153 = tpu.memref_squeeze %dma_start3A : memref<1x640xf32, #tpu.memory_space<hbm>> -> memref<640xf32, #tpu.memory_space<hbm>>
      %dma_start3A_154 = tpu.memref_slice %arg7[%mul3A_150] : memref<10240xf32, #tpu.memory_space<vmem_shared>> -> memref<640xf32, #tpu.memory_space<vmem_shared>>
      tpu.enqueue_dma source(%dma_start3A_154 : memref<640xf32, #tpu.memory_space<vmem_shared>>) target(%dma_start3A_153 : memref<640xf32, #tpu.memory_space<hbm>>) target_semaphore(%run_scoped3A : memref<!tpu.dma_semaphore, #tpu.memory_space<semaphore_mem>>)
      %dma_wait3A = tpu.memref_slice %arg3[%arg0, %mul3A_152] : memref<2x10240xf32, #tpu.memory_space<hbm>> -> memref<1x640xf32, #tpu.memory_space<hbm>>
      %dma_wait3A_155 = tpu.memref_squeeze %dma_wait3A : memref<1x640xf32, #tpu.memory_space<hbm>> -> memref<640xf32, #tpu.memory_space<hbm>>
      %dma_wait3A_156 = tpu.memref_slice %arg7[%mul3A_150] : memref<10240xf32, #tpu.memory_space<vmem_shared>> -> memref<640xf32, #tpu.memory_space<vmem_shared>>
      tpu.wait_dma2 semaphore(%run_scoped3A : memref<!tpu.dma_semaphore, #tpu.memory_space<semaphore_mem>>) src(%dma_wait3A_156 : memref<640xf32, #tpu.memory_space<vmem_shared>>) dst(%dma_wait3A_155 : memref<640xf32, #tpu.memory_space<hbm>>)
      tpu.yield
    }) : () -> ()
    return
  }
}

#map = affine_map<(d0, d1) -> (0, 0)>
#map1 = affine_map<(d0, d1) -> (0, 0, 0)>
module attributes {stable_mosaic.version = 14 : i64} {
  func.func @_agg(%arg0: i32, %arg1: i32, %arg2: memref<10000x64xf32, #tpu.memory_space<hbm>>, %arg3: memref<640x500xi32, #tpu.memory_space<hbm>>, %arg4: memref<640x500xi32, #tpu.memory_space<hbm>>, %arg5: memref<2x10240x64xf32, #tpu.memory_space<hbm>>, %arg6: memref<20x500xi32, #tpu.memory_space<vmem>>, %arg7: memref<20x500xi32, #tpu.memory_space<vmem>>, %arg8: memref<2x500x64xf32, #tpu.memory_space<vmem>>, %arg9: memref<32x64xf32, #tpu.memory_space<vmem>>, %arg10: memref<10240x64xf32, #tpu.memory_space<vmem_shared>>, %arg11: memref<!tpu.dma_semaphore, #tpu.memory_space<semaphore_mem>>, %arg12: memref<!tpu.dma_semaphore, #tpu.memory_space<semaphore_mem>>, %arg13: memref<!tpu.dma_semaphore, #tpu.memory_space<semaphore_mem>>, %arg14: memref<!tpu.dma_semaphore, #tpu.memory_space<semaphore_mem>>) attributes {dimension_semantics = [#tpu.dimension_semantics<core_parallel>, #tpu.dimension_semantics<subcore_parallel>], iteration_bounds = array<i64: 2, 16>, scalar_prefetch = 0 : i64, scratch_operands = 9 : i64, tpu.core_type = #tpu.core_type<sc_vector_subcore>, window_params = [{transform_indices = #map}, {transform_indices = #map}, {transform_indices = #map}, {transform_indices = #map1}]} {
    %broadcast_in_dim3A = arith.constant 0.000000e+00 : f32
    %broadcast_in_dim3A_0 = vector.broadcast %broadcast_in_dim3A : f32 to vector<16xf32>
    %scan3A = arith.constant 0 : i32
    %scan3A_1 = arith.constant 0 : i32
    %scan3A_2 = arith.constant 128 : i32
    %scan3A_3 = arith.addi %scan3A_1, %scan3A_2 : i32
    %scan3A_4 = arith.constant 1 : i32
    %scan3A_5 = scf.for %scan3A_147 = %scan3A_1 to %scan3A_3 step %scan3A_4 iter_args(%scan3A_148 = %scan3A) -> (i32)  : i32 {
      %jit3A = arith.constant 4 : i32
      %div3A = arith.divsi %scan3A_147, %jit3A : i32
      %sign3A = arith.constant 0 : i32
      %sign3A_149 = arith.cmpi sgt, %scan3A_147, %sign3A : i32
      %sign3A_150 = arith.extui %sign3A_149 : i1 to i32
      %sign3A_151 = arith.constant 0 : i32
      %sign3A_152 = arith.cmpi slt, %scan3A_147, %sign3A_151 : i32
      %sign3A_153 = arith.extui %sign3A_152 : i1 to i32
      %sign3A_154 = arith.subi %sign3A_150, %sign3A_153 : i32
      %sign3A_155 = arith.constant 0 : i32
      %sign3A_156 = arith.cmpi sgt, %jit3A, %sign3A_155 : i32
      %sign3A_157 = arith.extui %sign3A_156 : i1 to i32
      %sign3A_158 = arith.constant 0 : i32
      %sign3A_159 = arith.cmpi slt, %jit3A, %sign3A_158 : i32
      %sign3A_160 = arith.extui %sign3A_159 : i1 to i32
      %sign3A_161 = arith.subi %sign3A_157, %sign3A_160 : i32
      %ne3A = arith.cmpi ne, %sign3A_154, %sign3A_161 : i32
      %rem3A = arith.remsi %scan3A_147, %jit3A : i32
      %ne3A_162 = arith.constant 0 : i32
      %ne3A_163 = arith.cmpi ne, %rem3A, %ne3A_162 : i32
      %and3A = arith.andi %ne3A, %ne3A_163 : i1
      %sub3A = arith.constant 1 : i32
      %sub3A_164 = arith.subi %div3A, %sub3A : i32
      %select_n3A = arith.select %and3A, %sub3A_164, %div3A : i32
      %jit3A_165 = arith.constant 4 : i32
      %eq3A = arith.constant 0 : i32
      %eq3A_166 = arith.cmpi eq, %jit3A_165, %eq3A : i32
      %jit3A_167 = arith.constant 1 : i32
      %select_n3A_168 = arith.select %eq3A_166, %jit3A_167, %jit3A_165 : i32
      %rem3A_169 = arith.remsi %scan3A_147, %select_n3A_168 : i32
      %ne3A_170 = arith.constant 0 : i32
      %ne3A_171 = arith.cmpi ne, %rem3A_169, %ne3A_170 : i32
      %lt3A = arith.constant 0 : i32
      %lt3A_172 = arith.cmpi slt, %rem3A_169, %lt3A : i32
      %lt3A_173 = arith.constant 0 : i32
      %lt3A_174 = arith.cmpi slt, %select_n3A_168, %lt3A_173 : i32
      %ne3A_175 = arith.xori %lt3A_172, %lt3A_174 : i1
      %and3A_176 = arith.andi %ne3A_175, %ne3A_171 : i1
      %add3A_177 = arith.addi %rem3A_169, %select_n3A_168 : i32
      %select_n3A_178 = arith.select %and3A_176, %add3A_177, %rem3A_169 : i32
      %mul3A_179 = arith.constant 16 : i32
      %mul3A_180 = arith.muli %select_n3A_178, %mul3A_179 : i32
      %swap3A = arith.index_cast %select_n3A : i32 to index
      %swap3A_181 = arith.index_cast %mul3A_180 : i32 to index
      %swap3A_182 = tpu.vector_load %arg9[%swap3A, %swap3A_181] {strides = array<i32>} : memref<32x64xf32, #tpu.memory_space<vmem>>, vector<1x16xf32>,
      %swap3A_183 = vector.shape_cast %swap3A_182 : vector<1x16xf32> to vector<16xf32>
      %swap3A_184 = vector.shape_cast %broadcast_in_dim3A_0 : vector<16xf32> to vector<1x16xf32>
      tpu.vector_store %arg9[%swap3A, %swap3A_181], %swap3A_184 {strides = array<i32>} : memref<32x64xf32, #tpu.memory_space<vmem>>, vector<1x16xf32>,
      %scan3A_185 = arith.constant 0 : i32
      scf.yield %scan3A_185 : i32
    }
    %scan3A_6 = arith.constant 128 : i32
    %scan3A_7 = arith.constant 0 : i32
    %scan3A_8 = arith.constant 0 : i32
    %scan3A_9 = arith.constant 20 : i32
    %scan3A_10 = arith.addi %scan3A_8, %scan3A_9 : i32
    %scan3A_11 = arith.constant 1 : i32
    %scan3A_12 = scf.for %scan3A_147 = %scan3A_8 to %scan3A_10 step %scan3A_11 iter_args(%scan3A_148 = %scan3A_7) -> (i32)  : i32 {
      %mul3A_149 = arith.constant 640 : i32
      %mul3A_150 = arith.muli %arg1, %mul3A_149 : i32
      %mul3A_151 = arith.constant 32 : i32
      %mul3A_152 = arith.muli %scan3A_147, %mul3A_151 : i32
      %add3A_153 = arith.addi %mul3A_150, %mul3A_152 : i32
      "tpu.region"() ({
        %run_scoped3A = tpu.sem_alloc : memref<!tpu.dma_semaphore, #tpu.memory_space<semaphore_mem>>
        %dma_start3A_155 = arith.constant 0 : i32
        %dma_start3A_156 = tpu.memref_slice %arg10[%add3A_153, %dma_start3A_155] : memref<10240x64xf32, #tpu.memory_space<vmem_shared>> -> memref<32x64xf32, #tpu.memory_space<vmem_shared>>
        %dma_start3A_157 = arith.constant 0 : i32
        %dma_start3A_158 = tpu.memref_slice %arg10[%add3A_153, %dma_start3A_157] : memref<10240x64xf32, #tpu.memory_space<vmem_shared>> -> memref<32x64xf32, #tpu.memory_space<vmem_shared>>
        tpu.enqueue_dma source(%arg9 : memref<32x64xf32, #tpu.memory_space<vmem>>) target(%dma_start3A_158 : memref<32x64xf32, #tpu.memory_space<vmem_shared>>) target_semaphore(%run_scoped3A : memref<!tpu.dma_semaphore, #tpu.memory_space<semaphore_mem>>)
        %dma_wait3A_159 = arith.constant 0 : i32
        %dma_wait3A_160 = tpu.memref_slice %arg10[%add3A_153, %dma_wait3A_159] : memref<10240x64xf32, #tpu.memory_space<vmem_shared>> -> memref<32x64xf32, #tpu.memory_space<vmem_shared>>
        %dma_wait3A_161 = arith.constant 0 : i32
        %dma_wait3A_162 = tpu.memref_slice %arg10[%add3A_153, %dma_wait3A_161] : memref<10240x64xf32, #tpu.memory_space<vmem_shared>> -> memref<32x64xf32, #tpu.memory_space<vmem_shared>>
        tpu.wait_dma2 semaphore(%run_scoped3A : memref<!tpu.dma_semaphore, #tpu.memory_space<semaphore_mem>>) src(%arg9 : memref<32x64xf32, #tpu.memory_space<vmem>>) dst(%dma_wait3A_162 : memref<32x64xf32, #tpu.memory_space<vmem_shared>>)
        tpu.yield
      }) : () -> ()
      %scan3A_154 = arith.constant 0 : i32
      scf.yield %scan3A_154 : i32
    }
    %scan3A_13 = arith.constant 20 : i32
    %barrier3A = arith.constant 0 : index
    tpu.barrier barrier_id(%barrier3A)
    %mul3A = arith.constant 16 : i32
    %mul3A_14 = arith.muli %arg0, %mul3A : i32
    %add3A = arith.addi %mul3A_14, %arg1 : i32
    %mul3A_15 = arith.constant 20 : i32
    %mul3A_16 = arith.muli %add3A, %mul3A_15 : i32
    "tpu.region"() ({
      %run_scoped3A = tpu.sem_alloc : memref<!tpu.dma_semaphore, #tpu.memory_space<semaphore_mem>>
      %dma_start3A_147 = arith.constant 0 : i32
      %dma_start3A_148 = tpu.memref_slice %arg3[%mul3A_16, %dma_start3A_147] : memref<640x500xi32, #tpu.memory_space<hbm>> -> memref<20x500xi32, #tpu.memory_space<hbm>>
      %dma_start3A_149 = arith.constant 0 : i32
      %dma_start3A_150 = tpu.memref_slice %arg3[%mul3A_16, %dma_start3A_149] : memref<640x500xi32, #tpu.memory_space<hbm>> -> memref<20x500xi32, #tpu.memory_space<hbm>>
      tpu.enqueue_dma source(%dma_start3A_150 : memref<20x500xi32, #tpu.memory_space<hbm>>) target(%arg6 : memref<20x500xi32, #tpu.memory_space<vmem>>) target_semaphore(%run_scoped3A : memref<!tpu.dma_semaphore, #tpu.memory_space<semaphore_mem>>)
      %dma_wait3A_151 = arith.constant 0 : i32
      %dma_wait3A_152 = tpu.memref_slice %arg3[%mul3A_16, %dma_wait3A_151] : memref<640x500xi32, #tpu.memory_space<hbm>> -> memref<20x500xi32, #tpu.memory_space<hbm>>
      %dma_wait3A_153 = arith.constant 0 : i32
      %dma_wait3A_154 = tpu.memref_slice %arg3[%mul3A_16, %dma_wait3A_153] : memref<640x500xi32, #tpu.memory_space<hbm>> -> memref<20x500xi32, #tpu.memory_space<hbm>>
      tpu.wait_dma2 semaphore(%run_scoped3A : memref<!tpu.dma_semaphore, #tpu.memory_space<semaphore_mem>>) src(%dma_wait3A_154 : memref<20x500xi32, #tpu.memory_space<hbm>>) dst(%arg6 : memref<20x500xi32, #tpu.memory_space<vmem>>)
      tpu.yield
    }) : () -> ()
    "tpu.region"() ({
      %run_scoped3A = tpu.sem_alloc : memref<!tpu.dma_semaphore, #tpu.memory_space<semaphore_mem>>
      %dma_start3A_147 = arith.constant 0 : i32
      %dma_start3A_148 = tpu.memref_slice %arg4[%mul3A_16, %dma_start3A_147] : memref<640x500xi32, #tpu.memory_space<hbm>> -> memref<20x500xi32, #tpu.memory_space<hbm>>
      %dma_start3A_149 = arith.constant 0 : i32
      %dma_start3A_150 = tpu.memref_slice %arg4[%mul3A_16, %dma_start3A_149] : memref<640x500xi32, #tpu.memory_space<hbm>> -> memref<20x500xi32, #tpu.memory_space<hbm>>
      tpu.enqueue_dma source(%dma_start3A_150 : memref<20x500xi32, #tpu.memory_space<hbm>>) target(%arg7 : memref<20x500xi32, #tpu.memory_space<vmem>>) target_semaphore(%run_scoped3A : memref<!tpu.dma_semaphore, #tpu.memory_space<semaphore_mem>>)
      %dma_wait3A_151 = arith.constant 0 : i32
      %dma_wait3A_152 = tpu.memref_slice %arg4[%mul3A_16, %dma_wait3A_151] : memref<640x500xi32, #tpu.memory_space<hbm>> -> memref<20x500xi32, #tpu.memory_space<hbm>>
      %dma_wait3A_153 = arith.constant 0 : i32
      %dma_wait3A_154 = tpu.memref_slice %arg4[%mul3A_16, %dma_wait3A_153] : memref<640x500xi32, #tpu.memory_space<hbm>> -> memref<20x500xi32, #tpu.memory_space<hbm>>
      tpu.wait_dma2 semaphore(%run_scoped3A : memref<!tpu.dma_semaphore, #tpu.memory_space<semaphore_mem>>) src(%dma_wait3A_154 : memref<20x500xi32, #tpu.memory_space<hbm>>) dst(%arg7 : memref<20x500xi32, #tpu.memory_space<vmem>>)
      tpu.yield
    }) : () -> ()
    %dma_start3A = arith.constant 0 : i32
    %dma_start3A_17 = arith.constant 0 : i32
    %dma_start3A_18 = arith.constant 0 : i32
    %dma_start3A_19 = arith.constant 0 : i32
    %dma_start3A_20 = tpu.memref_slice %arg8[%dma_start3A_17, %dma_start3A_18, %dma_start3A_19] : memref<2x500x64xf32, #tpu.memory_space<vmem>> -> memref<1x500x64xf32, #tpu.memory_space<vmem>>
    %dma_start3A_21 = tpu.memref_squeeze %dma_start3A_20 : memref<1x500x64xf32, #tpu.memory_space<vmem>> -> memref<500x64xf32, #tpu.memory_space<vmem>>
    %dma_start3A_22 = arith.constant 0 : i32
    %dma_start3A_23 = tpu.memref_slice %arg6[%dma_start3A, %dma_start3A_22] : memref<20x500xi32, #tpu.memory_space<vmem>> -> memref<1x500xi32, #tpu.memory_space<vmem>>
    %dma_start3A_24 = tpu.memref_squeeze %dma_start3A_23 : memref<1x500xi32, #tpu.memory_space<vmem>> -> memref<500xi32, #tpu.memory_space<vmem>>
    %dma_start3A_25 = arith.constant 0 : i32
    %dma_start3A_26 = arith.constant 0 : i32
    %dma_start3A_27 = tpu.memref_slice %arg2[%dma_start3A_25, %dma_start3A_26] : memref<10000x64xf32, #tpu.memory_space<hbm>> -> memref<10000x64xf32, #tpu.memory_space<hbm>>
    tpu.enqueue_indirect_dma source(%dma_start3A_27 : memref<10000x64xf32, #tpu.memory_space<hbm>>) target(%dma_start3A_21 : memref<500x64xf32, #tpu.memory_space<vmem>>) offsets(%dma_start3A_24 : memref<500xi32, #tpu.memory_space<vmem>>) semaphore(%arg11 : memref<!tpu.dma_semaphore, #tpu.memory_space<semaphore_mem>>)
    %dma_start3A_28 = arith.constant 1 : i32
    %dma_start3A_29 = arith.constant 1 : i32
    %dma_start3A_30 = arith.constant 0 : i32
    %dma_start3A_31 = arith.constant 0 : i32
    %dma_start3A_32 = tpu.memref_slice %arg8[%dma_start3A_29, %dma_start3A_30, %dma_start3A_31] : memref<2x500x64xf32, #tpu.memory_space<vmem>> -> memref<1x500x64xf32, #tpu.memory_space<vmem>>
    %dma_start3A_33 = tpu.memref_squeeze %dma_start3A_32 : memref<1x500x64xf32, #tpu.memory_space<vmem>> -> memref<500x64xf32, #tpu.memory_space<vmem>>
    %dma_start3A_34 = arith.constant 0 : i32
    %dma_start3A_35 = tpu.memref_slice %arg6[%dma_start3A_28, %dma_start3A_34] : memref<20x500xi32, #tpu.memory_space<vmem>> -> memref<1x500xi32, #tpu.memory_space<vmem>>
    %dma_start3A_36 = tpu.memref_squeeze %dma_start3A_35 : memref<1x500xi32, #tpu.memory_space<vmem>> -> memref<500xi32, #tpu.memory_space<vmem>>
    %dma_start3A_37 = arith.constant 0 : i32
    %dma_start3A_38 = arith.constant 0 : i32
    %dma_start3A_39 = tpu.memref_slice %arg2[%dma_start3A_37, %dma_start3A_38] : memref<10000x64xf32, #tpu.memory_space<hbm>> -> memref<10000x64xf32, #tpu.memory_space<hbm>>
    tpu.enqueue_indirect_dma source(%dma_start3A_39 : memref<10000x64xf32, #tpu.memory_space<hbm>>) target(%dma_start3A_33 : memref<500x64xf32, #tpu.memory_space<vmem>>) offsets(%dma_start3A_36 : memref<500xi32, #tpu.memory_space<vmem>>) semaphore(%arg12 : memref<!tpu.dma_semaphore, #tpu.memory_space<semaphore_mem>>)
    %dma_wait3A = arith.constant 0 : i32
    %dma_wait3A_40 = arith.constant 0 : i32
    %dma_wait3A_41 = arith.constant 0 : i32
    %dma_wait3A_42 = tpu.memref_slice %arg8[%dma_wait3A, %dma_wait3A_40, %dma_wait3A_41] : memref<2x500x64xf32, #tpu.memory_space<vmem>> -> memref<1x500x64xf32, #tpu.memory_space<vmem>>
    %dma_wait3A_43 = tpu.memref_squeeze %dma_wait3A_42 : memref<1x500x64xf32, #tpu.memory_space<vmem>> -> memref<500x64xf32, #tpu.memory_space<vmem>>
    %dma_wait3A_44 = arith.constant 0 : i32
    %dma_wait3A_45 = arith.constant 0 : i32
    %dma_wait3A_46 = tpu.memref_slice %arg2[%dma_wait3A_44, %dma_wait3A_45] : memref<10000x64xf32, #tpu.memory_space<hbm>> -> memref<500x64xf32, #tpu.memory_space<hbm>>
    %dma_wait3A_47 = arith.constant 0 : i32
    %dma_wait3A_48 = arith.constant 0 : i32
    %dma_wait3A_49 = tpu.memref_slice %arg8[%dma_wait3A, %dma_wait3A_47, %dma_wait3A_48] : memref<2x500x64xf32, #tpu.memory_space<vmem>> -> memref<1x500x64xf32, #tpu.memory_space<vmem>>
    %dma_wait3A_50 = tpu.memref_squeeze %dma_wait3A_49 : memref<1x500x64xf32, #tpu.memory_space<vmem>> -> memref<500x64xf32, #tpu.memory_space<vmem>>
    %dma_wait3A_51 = arith.constant 0 : i32
    %dma_wait3A_52 = arith.constant 0 : i32
    %dma_wait3A_53 = tpu.memref_slice %arg2[%dma_wait3A_51, %dma_wait3A_52] : memref<10000x64xf32, #tpu.memory_space<hbm>> -> memref<500x64xf32, #tpu.memory_space<hbm>>
    tpu.wait_dma2 semaphore(%arg11 : memref<!tpu.dma_semaphore, #tpu.memory_space<semaphore_mem>>) src(%dma_wait3A_53 : memref<500x64xf32, #tpu.memory_space<hbm>>) dst(%dma_wait3A_50 : memref<500x64xf32, #tpu.memory_space<vmem>>)
    %dma_start3A_54 = arith.constant 0 : i32
    %dma_start3A_55 = arith.constant 0 : i32
    %dma_start3A_56 = arith.constant 0 : i32
    %dma_start3A_57 = arith.constant 0 : i32
    %dma_start3A_58 = tpu.memref_slice %arg8[%dma_start3A_54, %dma_start3A_56, %dma_start3A_57] : memref<2x500x64xf32, #tpu.memory_space<vmem>> -> memref<1x500x64xf32, #tpu.memory_space<vmem>>
    %dma_start3A_59 = tpu.memref_squeeze %dma_start3A_58 : memref<1x500x64xf32, #tpu.memory_space<vmem>> -> memref<500x64xf32, #tpu.memory_space<vmem>>
    %dma_start3A_60 = arith.constant 0 : i32
    %dma_start3A_61 = tpu.memref_slice %arg7[%dma_start3A_55, %dma_start3A_60] : memref<20x500xi32, #tpu.memory_space<vmem>> -> memref<1x500xi32, #tpu.memory_space<vmem>>
    %dma_start3A_62 = tpu.memref_squeeze %dma_start3A_61 : memref<1x500xi32, #tpu.memory_space<vmem>> -> memref<500xi32, #tpu.memory_space<vmem>>
    %dma_start3A_63 = arith.constant 0 : i32
    %dma_start3A_64 = arith.constant 0 : i32
    %dma_start3A_65 = tpu.memref_slice %arg10[%dma_start3A_63, %dma_start3A_64] : memref<10240x64xf32, #tpu.memory_space<vmem_shared>> -> memref<10240x64xf32, #tpu.memory_space<vmem_shared>>
    tpu.enqueue_indirect_dma source(%dma_start3A_59 : memref<500x64xf32, #tpu.memory_space<vmem>>) target(%dma_start3A_65 : memref<10240x64xf32, #tpu.memory_space<vmem_shared>>) offsets(%dma_start3A_62 : memref<500xi32, #tpu.memory_space<vmem>>) semaphore(%arg13 : memref<!tpu.dma_semaphore, #tpu.memory_space<semaphore_mem>>) {add = true}
    %scan3A_66 = arith.constant 1 : i32
    %scan3A_67 = arith.constant 0 : i32
    %scan3A_68 = arith.constant 0 : i32
    %scan3A_69 = arith.constant 0 : i32
    %scan3A_70 = arith.constant 9 : i32
    %scan3A_71 = arith.addi %scan3A_69, %scan3A_70 : i32
    %scan3A_72 = arith.constant 1 : i32
    %scan3A_73 = scf.for %scan3A_147 = %scan3A_69 to %scan3A_71 step %scan3A_72 iter_args(%scan3A_148 = %scan3A_68) -> (i32)  : i32 {
      %mul3A_149 = arith.constant 2 : i32
      %mul3A_150 = arith.muli %mul3A_149, %scan3A_147 : i32
      %add3A_151 = arith.constant 1 : i32
      %add3A_152 = arith.addi %mul3A_150, %add3A_151 : i32
      %dma_wait3A_153 = arith.constant 0 : i32
      %dma_wait3A_154 = arith.constant 0 : i32
      %dma_wait3A_155 = tpu.memref_slice %arg8[%scan3A_66, %dma_wait3A_153, %dma_wait3A_154] : memref<2x500x64xf32, #tpu.memory_space<vmem>> -> memref<1x500x64xf32, #tpu.memory_space<vmem>>
      %dma_wait3A_156 = tpu.memref_squeeze %dma_wait3A_155 : memref<1x500x64xf32, #tpu.memory_space<vmem>> -> memref<500x64xf32, #tpu.memory_space<vmem>>
      %dma_wait3A_157 = arith.constant 0 : i32
      %dma_wait3A_158 = arith.constant 0 : i32
      %dma_wait3A_159 = tpu.memref_slice %arg2[%dma_wait3A_157, %dma_wait3A_158] : memref<10000x64xf32, #tpu.memory_space<hbm>> -> memref<500x64xf32, #tpu.memory_space<hbm>>
      %dma_wait3A_160 = arith.constant 0 : i32
      %dma_wait3A_161 = arith.constant 0 : i32
      %dma_wait3A_162 = tpu.memref_slice %arg8[%scan3A_66, %dma_wait3A_160, %dma_wait3A_161] : memref<2x500x64xf32, #tpu.memory_space<vmem>> -> memref<1x500x64xf32, #tpu.memory_space<vmem>>
      %dma_wait3A_163 = tpu.memref_squeeze %dma_wait3A_162 : memref<1x500x64xf32, #tpu.memory_space<vmem>> -> memref<500x64xf32, #tpu.memory_space<vmem>>
      %dma_wait3A_164 = arith.constant 0 : i32
      %dma_wait3A_165 = arith.constant 0 : i32
      %dma_wait3A_166 = tpu.memref_slice %arg2[%dma_wait3A_164, %dma_wait3A_165] : memref<10000x64xf32, #tpu.memory_space<hbm>> -> memref<500x64xf32, #tpu.memory_space<hbm>>
      tpu.wait_dma2 semaphore(%arg12 : memref<!tpu.dma_semaphore, #tpu.memory_space<semaphore_mem>>) src(%dma_wait3A_166 : memref<500x64xf32, #tpu.memory_space<hbm>>) dst(%dma_wait3A_163 : memref<500x64xf32, #tpu.memory_space<vmem>>)
      %dma_start3A_167 = arith.constant 0 : i32
      %dma_start3A_168 = arith.constant 0 : i32
      %dma_start3A_169 = tpu.memref_slice %arg8[%scan3A_66, %dma_start3A_167, %dma_start3A_168] : memref<2x500x64xf32, #tpu.memory_space<vmem>> -> memref<1x500x64xf32, #tpu.memory_space<vmem>>
      %dma_start3A_170 = tpu.memref_squeeze %dma_start3A_169 : memref<1x500x64xf32, #tpu.memory_space<vmem>> -> memref<500x64xf32, #tpu.memory_space<vmem>>
      %dma_start3A_171 = arith.constant 0 : i32
      %dma_start3A_172 = tpu.memref_slice %arg7[%add3A_152, %dma_start3A_171] : memref<20x500xi32, #tpu.memory_space<vmem>> -> memref<1x500xi32, #tpu.memory_space<vmem>>
      %dma_start3A_173 = tpu.memref_squeeze %dma_start3A_172 : memref<1x500xi32, #tpu.memory_space<vmem>> -> memref<500xi32, #tpu.memory_space<vmem>>
      %dma_start3A_174 = arith.constant 0 : i32
      %dma_start3A_175 = arith.constant 0 : i32
      %dma_start3A_176 = tpu.memref_slice %arg10[%dma_start3A_174, %dma_start3A_175] : memref<10240x64xf32, #tpu.memory_space<vmem_shared>> -> memref<10240x64xf32, #tpu.memory_space<vmem_shared>>
      tpu.enqueue_indirect_dma source(%dma_start3A_170 : memref<500x64xf32, #tpu.memory_space<vmem>>) target(%dma_start3A_176 : memref<10240x64xf32, #tpu.memory_space<vmem_shared>>) offsets(%dma_start3A_173 : memref<500xi32, #tpu.memory_space<vmem>>) semaphore(%arg14 : memref<!tpu.dma_semaphore, #tpu.memory_space<semaphore_mem>>) {add = true}
      %sub3A = arith.constant 1 : i32
      %sub3A_177 = arith.subi %add3A_152, %sub3A : i32
      %dma_wait3A_178 = arith.constant 0 : i32
      %dma_wait3A_179 = arith.constant 0 : i32
      %dma_wait3A_180 = tpu.memref_slice %arg8[%scan3A_67, %dma_wait3A_178, %dma_wait3A_179] : memref<2x500x64xf32, #tpu.memory_space<vmem>> -> memref<1x500x64xf32, #tpu.memory_space<vmem>>
      %dma_wait3A_181 = tpu.memref_squeeze %dma_wait3A_180 : memref<1x500x64xf32, #tpu.memory_space<vmem>> -> memref<500x64xf32, #tpu.memory_space<vmem>>
      %dma_wait3A_182 = arith.constant 0 : i32
      %dma_wait3A_183 = tpu.memref_slice %arg7[%sub3A_177, %dma_wait3A_182] : memref<20x500xi32, #tpu.memory_space<vmem>> -> memref<1x500xi32, #tpu.memory_space<vmem>>
      %dma_wait3A_184 = tpu.memref_squeeze %dma_wait3A_183 : memref<1x500xi32, #tpu.memory_space<vmem>> -> memref<500xi32, #tpu.memory_space<vmem>>
      %dma_wait3A_185 = arith.constant 0 : i32
      %dma_wait3A_186 = arith.constant 0 : i32
      %dma_wait3A_187 = tpu.memref_slice %arg10[%dma_wait3A_185, %dma_wait3A_186] : memref<10240x64xf32, #tpu.memory_space<vmem_shared>> -> memref<10240x64xf32, #tpu.memory_space<vmem_shared>>
      tpu.wait_indirect_dma semaphore(%arg13 : memref<!tpu.dma_semaphore, #tpu.memory_space<semaphore_mem>>) src(%dma_wait3A_181 : memref<500x64xf32, #tpu.memory_space<vmem>>) dst(%dma_wait3A_187 : memref<10240x64xf32, #tpu.memory_space<vmem_shared>>)
      %add3A_188 = arith.constant 1 : i32
      %add3A_189 = arith.addi %add3A_152, %add3A_188 : i32
      %dma_start3A_190 = arith.constant 0 : i32
      %dma_start3A_191 = arith.constant 0 : i32
      %dma_start3A_192 = tpu.memref_slice %arg8[%scan3A_67, %dma_start3A_190, %dma_start3A_191] : memref<2x500x64xf32, #tpu.memory_space<vmem>> -> memref<1x500x64xf32, #tpu.memory_space<vmem>>
      %dma_start3A_193 = tpu.memref_squeeze %dma_start3A_192 : memref<1x500x64xf32, #tpu.memory_space<vmem>> -> memref<500x64xf32, #tpu.memory_space<vmem>>
      %dma_start3A_194 = arith.constant 0 : i32
      %dma_start3A_195 = tpu.memref_slice %arg6[%add3A_189, %dma_start3A_194] : memref<20x500xi32, #tpu.memory_space<vmem>> -> memref<1x500xi32, #tpu.memory_space<vmem>>
      %dma_start3A_196 = tpu.memref_squeeze %dma_start3A_195 : memref<1x500xi32, #tpu.memory_space<vmem>> -> memref<500xi32, #tpu.memory_space<vmem>>
      %dma_start3A_197 = arith.constant 0 : i32
      %dma_start3A_198 = arith.constant 0 : i32
      %dma_start3A_199 = tpu.memref_slice %arg2[%dma_start3A_197, %dma_start3A_198] : memref<10000x64xf32, #tpu.memory_space<hbm>> -> memref<10000x64xf32, #tpu.memory_space<hbm>>
      tpu.enqueue_indirect_dma source(%dma_start3A_199 : memref<10000x64xf32, #tpu.memory_space<hbm>>) target(%dma_start3A_193 : memref<500x64xf32, #tpu.memory_space<vmem>>) offsets(%dma_start3A_196 : memref<500xi32, #tpu.memory_space<vmem>>) semaphore(%arg11 : memref<!tpu.dma_semaphore, #tpu.memory_space<semaphore_mem>>)
      %mul3A_200 = arith.constant 2 : i32
      %mul3A_201 = arith.muli %mul3A_200, %scan3A_147 : i32
      %add3A_202 = arith.constant 2 : i32
      %add3A_203 = arith.addi %mul3A_201, %add3A_202 : i32
      %dma_wait3A_204 = arith.constant 0 : i32
      %dma_wait3A_205 = arith.constant 0 : i32
      %dma_wait3A_206 = tpu.memref_slice %arg8[%scan3A_67, %dma_wait3A_204, %dma_wait3A_205] : memref<2x500x64xf32, #tpu.memory_space<vmem>> -> memref<1x500x64xf32, #tpu.memory_space<vmem>>
      %dma_wait3A_207 = tpu.memref_squeeze %dma_wait3A_206 : memref<1x500x64xf32, #tpu.memory_space<vmem>> -> memref<500x64xf32, #tpu.memory_space<vmem>>
      %dma_wait3A_208 = arith.constant 0 : i32
      %dma_wait3A_209 = arith.constant 0 : i32
      %dma_wait3A_210 = tpu.memref_slice %arg2[%dma_wait3A_208, %dma_wait3A_209] : memref<10000x64xf32, #tpu.memory_space<hbm>> -> memref<500x64xf32, #tpu.memory_space<hbm>>
      %dma_wait3A_211 = arith.constant 0 : i32
      %dma_wait3A_212 = arith.constant 0 : i32
      %dma_wait3A_213 = tpu.memref_slice %arg8[%scan3A_67, %dma_wait3A_211, %dma_wait3A_212] : memref<2x500x64xf32, #tpu.memory_space<vmem>> -> memref<1x500x64xf32, #tpu.memory_space<vmem>>
      %dma_wait3A_214 = tpu.memref_squeeze %dma_wait3A_213 : memref<1x500x64xf32, #tpu.memory_space<vmem>> -> memref<500x64xf32, #tpu.memory_space<vmem>>
      %dma_wait3A_215 = arith.constant 0 : i32
      %dma_wait3A_216 = arith.constant 0 : i32
      %dma_wait3A_217 = tpu.memref_slice %arg2[%dma_wait3A_215, %dma_wait3A_216] : memref<10000x64xf32, #tpu.memory_space<hbm>> -> memref<500x64xf32, #tpu.memory_space<hbm>>
      tpu.wait_dma2 semaphore(%arg11 : memref<!tpu.dma_semaphore, #tpu.memory_space<semaphore_mem>>) src(%dma_wait3A_217 : memref<500x64xf32, #tpu.memory_space<hbm>>) dst(%dma_wait3A_214 : memref<500x64xf32, #tpu.memory_space<vmem>>)
      %dma_start3A_218 = arith.constant 0 : i32
      %dma_start3A_219 = arith.constant 0 : i32
      %dma_start3A_220 = tpu.memref_slice %arg8[%scan3A_67, %dma_start3A_218, %dma_start3A_219] : memref<2x500x64xf32, #tpu.memory_space<vmem>> -> memref<1x500x64xf32, #tpu.memory_space<vmem>>
      %dma_start3A_221 = tpu.memref_squeeze %dma_start3A_220 : memref<1x500x64xf32, #tpu.memory_space<vmem>> -> memref<500x64xf32, #tpu.memory_space<vmem>>
      %dma_start3A_222 = arith.constant 0 : i32
      %dma_start3A_223 = tpu.memref_slice %arg7[%add3A_203, %dma_start3A_222] : memref<20x500xi32, #tpu.memory_space<vmem>> -> memref<1x500xi32, #tpu.memory_space<vmem>>
      %dma_start3A_224 = tpu.memref_squeeze %dma_start3A_223 : memref<1x500xi32, #tpu.memory_space<vmem>> -> memref<500xi32, #tpu.memory_space<vmem>>
      %dma_start3A_225 = arith.constant 0 : i32
      %dma_start3A_226 = arith.constant 0 : i32
      %dma_start3A_227 = tpu.memref_slice %arg10[%dma_start3A_225, %dma_start3A_226] : memref<10240x64xf32, #tpu.memory_space<vmem_shared>> -> memref<10240x64xf32, #tpu.memory_space<vmem_shared>>
      tpu.enqueue_indirect_dma source(%dma_start3A_221 : memref<500x64xf32, #tpu.memory_space<vmem>>) target(%dma_start3A_227 : memref<10240x64xf32, #tpu.memory_space<vmem_shared>>) offsets(%dma_start3A_224 : memref<500xi32, #tpu.memory_space<vmem>>) semaphore(%arg13 : memref<!tpu.dma_semaphore, #tpu.memory_space<semaphore_mem>>) {add = true}
      %dma_wait3A_228 = arith.constant 0 : i32
      %dma_wait3A_229 = arith.constant 0 : i32
      %dma_wait3A_230 = tpu.memref_slice %arg8[%scan3A_66, %dma_wait3A_228, %dma_wait3A_229] : memref<2x500x64xf32, #tpu.memory_space<vmem>> -> memref<1x500x64xf32, #tpu.memory_space<vmem>>
      %dma_wait3A_231 = tpu.memref_squeeze %dma_wait3A_230 : memref<1x500x64xf32, #tpu.memory_space<vmem>> -> memref<500x64xf32, #tpu.memory_space<vmem>>
      %dma_wait3A_232 = arith.constant 0 : i32
      %dma_wait3A_233 = tpu.memref_slice %arg7[%add3A_152, %dma_wait3A_232] : memref<20x500xi32, #tpu.memory_space<vmem>> -> memref<1x500xi32, #tpu.memory_space<vmem>>
      %dma_wait3A_234 = tpu.memref_squeeze %dma_wait3A_233 : memref<1x500xi32, #tpu.memory_space<vmem>> -> memref<500xi32, #tpu.memory_space<vmem>>
      %dma_wait3A_235 = arith.constant 0 : i32
      %dma_wait3A_236 = arith.constant 0 : i32
      %dma_wait3A_237 = tpu.memref_slice %arg10[%dma_wait3A_235, %dma_wait3A_236] : memref<10240x64xf32, #tpu.memory_space<vmem_shared>> -> memref<10240x64xf32, #tpu.memory_space<vmem_shared>>
      tpu.wait_indirect_dma semaphore(%arg14 : memref<!tpu.dma_semaphore, #tpu.memory_space<semaphore_mem>>) src(%dma_wait3A_231 : memref<500x64xf32, #tpu.memory_space<vmem>>) dst(%dma_wait3A_237 : memref<10240x64xf32, #tpu.memory_space<vmem_shared>>)
      %add3A_238 = arith.constant 1 : i32
      %add3A_239 = arith.addi %add3A_203, %add3A_238 : i32
      %dma_start3A_240 = arith.constant 0 : i32
      %dma_start3A_241 = arith.constant 0 : i32
      %dma_start3A_242 = tpu.memref_slice %arg8[%scan3A_66, %dma_start3A_240, %dma_start3A_241] : memref<2x500x64xf32, #tpu.memory_space<vmem>> -> memref<1x500x64xf32, #tpu.memory_space<vmem>>
      %dma_start3A_243 = tpu.memref_squeeze %dma_start3A_242 : memref<1x500x64xf32, #tpu.memory_space<vmem>> -> memref<500x64xf32, #tpu.memory_space<vmem>>
      %dma_start3A_244 = arith.constant 0 : i32
      %dma_start3A_245 = tpu.memref_slice %arg6[%add3A_239, %dma_start3A_244] : memref<20x500xi32, #tpu.memory_space<vmem>> -> memref<1x500xi32, #tpu.memory_space<vmem>>
      %dma_start3A_246 = tpu.memref_squeeze %dma_start3A_245 : memref<1x500xi32, #tpu.memory_space<vmem>> -> memref<500xi32, #tpu.memory_space<vmem>>
      %dma_start3A_247 = arith.constant 0 : i32
      %dma_start3A_248 = arith.constant 0 : i32
      %dma_start3A_249 = tpu.memref_slice %arg2[%dma_start3A_247, %dma_start3A_248] : memref<10000x64xf32, #tpu.memory_space<hbm>> -> memref<10000x64xf32, #tpu.memory_space<hbm>>
      tpu.enqueue_indirect_dma source(%dma_start3A_249 : memref<10000x64xf32, #tpu.memory_space<hbm>>) target(%dma_start3A_243 : memref<500x64xf32, #tpu.memory_space<vmem>>) offsets(%dma_start3A_246 : memref<500xi32, #tpu.memory_space<vmem>>) semaphore(%arg12 : memref<!tpu.dma_semaphore, #tpu.memory_space<semaphore_mem>>)
      %scan3A_250 = arith.constant 0 : i32
      scf.yield %scan3A_250 : i32
    }
    %scan3A_74 = arith.constant 9 : i32
    %dma_wait3A_75 = arith.constant 1 : i32
    %dma_wait3A_76 = arith.constant 0 : i32
    %dma_wait3A_77 = arith.constant 0 : i32
    %dma_wait3A_78 = tpu.memref_slice %arg8[%dma_wait3A_75, %dma_wait3A_76, %dma_wait3A_77] : memref<2x500x64xf32, #tpu.memory_space<vmem>> -> memref<1x500x64xf32, #tpu.memory_space<vmem>>
    %dma_wait3A_79 = tpu.memref_squeeze %dma_wait3A_78 : memref<1x500x64xf32, #tpu.memory_space<vmem>> -> memref<500x64xf32, #tpu.memory_space<vmem>>
    %dma_wait3A_80 = arith.constant 0 : i32
    %dma_wait3A_81 = arith.constant 0 : i32
    %dma_wait3A_82 = tpu.memref_slice %arg2[%dma_wait3A_80, %dma_wait3A_81] : memref<10000x64xf32, #tpu.memory_space<hbm>> -> memref<500x64xf32, #tpu.memory_space<hbm>>
    %dma_wait3A_83 = arith.constant 0 : i32
    %dma_wait3A_84 = arith.constant 0 : i32
    %dma_wait3A_85 = tpu.memref_slice %arg8[%dma_wait3A_75, %dma_wait3A_83, %dma_wait3A_84] : memref<2x500x64xf32, #tpu.memory_space<vmem>> -> memref<1x500x64xf32, #tpu.memory_space<vmem>>
    %dma_wait3A_86 = tpu.memref_squeeze %dma_wait3A_85 : memref<1x500x64xf32, #tpu.memory_space<vmem>> -> memref<500x64xf32, #tpu.memory_space<vmem>>
    %dma_wait3A_87 = arith.constant 0 : i32
    %dma_wait3A_88 = arith.constant 0 : i32
    %dma_wait3A_89 = tpu.memref_slice %arg2[%dma_wait3A_87, %dma_wait3A_88] : memref<10000x64xf32, #tpu.memory_space<hbm>> -> memref<500x64xf32, #tpu.memory_space<hbm>>
    tpu.wait_dma2 semaphore(%arg12 : memref<!tpu.dma_semaphore, #tpu.memory_space<semaphore_mem>>) src(%dma_wait3A_89 : memref<500x64xf32, #tpu.memory_space<hbm>>) dst(%dma_wait3A_86 : memref<500x64xf32, #tpu.memory_space<vmem>>)
    %dma_start3A_90 = arith.constant 1 : i32
    %dma_start3A_91 = arith.constant 19 : i32
    %dma_start3A_92 = arith.constant 0 : i32
    %dma_start3A_93 = arith.constant 0 : i32
    %dma_start3A_94 = tpu.memref_slice %arg8[%dma_start3A_90, %dma_start3A_92, %dma_start3A_93] : memref<2x500x64xf32, #tpu.memory_space<vmem>> -> memref<1x500x64xf32, #tpu.memory_space<vmem>>
    %dma_start3A_95 = tpu.memref_squeeze %dma_start3A_94 : memref<1x500x64xf32, #tpu.memory_space<vmem>> -> memref<500x64xf32, #tpu.memory_space<vmem>>
    %dma_start3A_96 = arith.constant 0 : i32
    %dma_start3A_97 = tpu.memref_slice %arg7[%dma_start3A_91, %dma_start3A_96] : memref<20x500xi32, #tpu.memory_space<vmem>> -> memref<1x500xi32, #tpu.memory_space<vmem>>
    %dma_start3A_98 = tpu.memref_squeeze %dma_start3A_97 : memref<1x500xi32, #tpu.memory_space<vmem>> -> memref<500xi32, #tpu.memory_space<vmem>>
    %dma_start3A_99 = arith.constant 0 : i32
    %dma_start3A_100 = arith.constant 0 : i32
    %dma_start3A_101 = tpu.memref_slice %arg10[%dma_start3A_99, %dma_start3A_100] : memref<10240x64xf32, #tpu.memory_space<vmem_shared>> -> memref<10240x64xf32, #tpu.memory_space<vmem_shared>>
    tpu.enqueue_indirect_dma source(%dma_start3A_95 : memref<500x64xf32, #tpu.memory_space<vmem>>) target(%dma_start3A_101 : memref<10240x64xf32, #tpu.memory_space<vmem_shared>>) offsets(%dma_start3A_98 : memref<500xi32, #tpu.memory_space<vmem>>) semaphore(%arg14 : memref<!tpu.dma_semaphore, #tpu.memory_space<semaphore_mem>>) {add = true}
    %dma_wait3A_102 = arith.constant 0 : i32
    %dma_wait3A_103 = arith.constant 18 : i32
    %dma_wait3A_104 = arith.constant 0 : i32
    %dma_wait3A_105 = arith.constant 0 : i32
    %dma_wait3A_106 = tpu.memref_slice %arg8[%dma_wait3A_102, %dma_wait3A_104, %dma_wait3A_105] : memref<2x500x64xf32, #tpu.memory_space<vmem>> -> memref<1x500x64xf32, #tpu.memory_space<vmem>>
    %dma_wait3A_107 = tpu.memref_squeeze %dma_wait3A_106 : memref<1x500x64xf32, #tpu.memory_space<vmem>> -> memref<500x64xf32, #tpu.memory_space<vmem>>
    %dma_wait3A_108 = arith.constant 0 : i32
    %dma_wait3A_109 = tpu.memref_slice %arg7[%dma_wait3A_103, %dma_wait3A_108] : memref<20x500xi32, #tpu.memory_space<vmem>> -> memref<1x500xi32, #tpu.memory_space<vmem>>
    %dma_wait3A_110 = tpu.memref_squeeze %dma_wait3A_109 : memref<1x500xi32, #tpu.memory_space<vmem>> -> memref<500xi32, #tpu.memory_space<vmem>>
    %dma_wait3A_111 = arith.constant 0 : i32
    %dma_wait3A_112 = arith.constant 0 : i32
    %dma_wait3A_113 = tpu.memref_slice %arg10[%dma_wait3A_111, %dma_wait3A_112] : memref<10240x64xf32, #tpu.memory_space<vmem_shared>> -> memref<10240x64xf32, #tpu.memory_space<vmem_shared>>
    tpu.wait_indirect_dma semaphore(%arg13 : memref<!tpu.dma_semaphore, #tpu.memory_space<semaphore_mem>>) src(%dma_wait3A_107 : memref<500x64xf32, #tpu.memory_space<vmem>>) dst(%dma_wait3A_113 : memref<10240x64xf32, #tpu.memory_space<vmem_shared>>)
    %dma_wait3A_114 = arith.constant 1 : i32
    %dma_wait3A_115 = arith.constant 19 : i32
    %dma_wait3A_116 = arith.constant 0 : i32
    %dma_wait3A_117 = arith.constant 0 : i32
    %dma_wait3A_118 = tpu.memref_slice %arg8[%dma_wait3A_114, %dma_wait3A_116, %dma_wait3A_117] : memref<2x500x64xf32, #tpu.memory_space<vmem>> -> memref<1x500x64xf32, #tpu.memory_space<vmem>>
    %dma_wait3A_119 = tpu.memref_squeeze %dma_wait3A_118 : memref<1x500x64xf32, #tpu.memory_space<vmem>> -> memref<500x64xf32, #tpu.memory_space<vmem>>
    %dma_wait3A_120 = arith.constant 0 : i32
    %dma_wait3A_121 = tpu.memref_slice %arg7[%dma_wait3A_115, %dma_wait3A_120] : memref<20x500xi32, #tpu.memory_space<vmem>> -> memref<1x500xi32, #tpu.memory_space<vmem>>
    %dma_wait3A_122 = tpu.memref_squeeze %dma_wait3A_121 : memref<1x500xi32, #tpu.memory_space<vmem>> -> memref<500xi32, #tpu.memory_space<vmem>>
    %dma_wait3A_123 = arith.constant 0 : i32
    %dma_wait3A_124 = arith.constant 0 : i32
    %dma_wait3A_125 = tpu.memref_slice %arg10[%dma_wait3A_123, %dma_wait3A_124] : memref<10240x64xf32, #tpu.memory_space<vmem_shared>> -> memref<10240x64xf32, #tpu.memory_space<vmem_shared>>
    tpu.wait_indirect_dma semaphore(%arg14 : memref<!tpu.dma_semaphore, #tpu.memory_space<semaphore_mem>>) src(%dma_wait3A_119 : memref<500x64xf32, #tpu.memory_space<vmem>>) dst(%dma_wait3A_125 : memref<10240x64xf32, #tpu.memory_space<vmem_shared>>)
    %barrier3A_126 = arith.constant 0 : index
    tpu.barrier barrier_id(%barrier3A_126)
    %mul3A_127 = arith.constant 640 : i32
    %mul3A_128 = arith.muli %arg1, %mul3A_127 : i32
    %add3A_129 = arith.constant 0 : i32
    %add3A_130 = arith.addi %mul3A_128, %add3A_129 : i32
    "tpu.region"() ({
      %run_scoped3A = tpu.sem_alloc : memref<!tpu.dma_semaphore, #tpu.memory_space<semaphore_mem>>
      %dma_start3A_147 = arith.constant 0 : i32
      %dma_start3A_148 = tpu.memref_slice %arg5[%arg0, %add3A_130, %dma_start3A_147] : memref<2x10240x64xf32, #tpu.memory_space<hbm>> -> memref<1x128x64xf32, #tpu.memory_space<hbm>>
      %dma_start3A_149 = tpu.memref_squeeze %dma_start3A_148 : memref<1x128x64xf32, #tpu.memory_space<hbm>> -> memref<128x64xf32, #tpu.memory_space<hbm>>
      %dma_start3A_150 = arith.constant 0 : i32
      %dma_start3A_151 = tpu.memref_slice %arg10[%add3A_130, %dma_start3A_150] : memref<10240x64xf32, #tpu.memory_space<vmem_shared>> -> memref<128x64xf32, #tpu.memory_space<vmem_shared>>
      tpu.enqueue_dma source(%dma_start3A_151 : memref<128x64xf32, #tpu.memory_space<vmem_shared>>) target(%dma_start3A_149 : memref<128x64xf32, #tpu.memory_space<hbm>>) target_semaphore(%run_scoped3A : memref<!tpu.dma_semaphore, #tpu.memory_space<semaphore_mem>>)
      %dma_wait3A_152 = arith.constant 0 : i32
      %dma_wait3A_153 = tpu.memref_slice %arg5[%arg0, %add3A_130, %dma_wait3A_152] : memref<2x10240x64xf32, #tpu.memory_space<hbm>> -> memref<1x128x64xf32, #tpu.memory_space<hbm>>
      %dma_wait3A_154 = tpu.memref_squeeze %dma_wait3A_153 : memref<1x128x64xf32, #tpu.memory_space<hbm>> -> memref<128x64xf32, #tpu.memory_space<hbm>>
      %dma_wait3A_155 = arith.constant 0 : i32
      %dma_wait3A_156 = tpu.memref_slice %arg10[%add3A_130, %dma_wait3A_155] : memref<10240x64xf32, #tpu.memory_space<vmem_shared>> -> memref<128x64xf32, #tpu.memory_space<vmem_shared>>
      tpu.wait_dma2 semaphore(%run_scoped3A : memref<!tpu.dma_semaphore, #tpu.memory_space<semaphore_mem>>) src(%dma_wait3A_156 : memref<128x64xf32, #tpu.memory_space<vmem_shared>>) dst(%dma_wait3A_154 : memref<128x64xf32, #tpu.memory_space<hbm>>)
      tpu.yield
    }) : () -> ()
    %mul3A_131 = arith.constant 640 : i32
    %mul3A_132 = arith.muli %arg1, %mul3A_131 : i32
    %add3A_133 = arith.constant 128 : i32
    %add3A_134 = arith.addi %mul3A_132, %add3A_133 : i32
    "tpu.region"() ({
      %run_scoped3A = tpu.sem_alloc : memref<!tpu.dma_semaphore, #tpu.memory_space<semaphore_mem>>
      %dma_start3A_147 = arith.constant 0 : i32
      %dma_start3A_148 = tpu.memref_slice %arg5[%arg0, %add3A_134, %dma_start3A_147] : memref<2x10240x64xf32, #tpu.memory_space<hbm>> -> memref<1x128x64xf32, #tpu.memory_space<hbm>>
      %dma_start3A_149 = tpu.memref_squeeze %dma_start3A_148 : memref<1x128x64xf32, #tpu.memory_space<hbm>> -> memref<128x64xf32, #tpu.memory_space<hbm>>
      %dma_start3A_150 = arith.constant 0 : i32
      %dma_start3A_151 = tpu.memref_slice %arg10[%add3A_134, %dma_start3A_150] : memref<10240x64xf32, #tpu.memory_space<vmem_shared>> -> memref<128x64xf32, #tpu.memory_space<vmem_shared>>
      tpu.enqueue_dma source(%dma_start3A_151 : memref<128x64xf32, #tpu.memory_space<vmem_shared>>) target(%dma_start3A_149 : memref<128x64xf32, #tpu.memory_space<hbm>>) target_semaphore(%run_scoped3A : memref<!tpu.dma_semaphore, #tpu.memory_space<semaphore_mem>>)
      %dma_wait3A_152 = arith.constant 0 : i32
      %dma_wait3A_153 = tpu.memref_slice %arg5[%arg0, %add3A_134, %dma_wait3A_152] : memref<2x10240x64xf32, #tpu.memory_space<hbm>> -> memref<1x128x64xf32, #tpu.memory_space<hbm>>
      %dma_wait3A_154 = tpu.memref_squeeze %dma_wait3A_153 : memref<1x128x64xf32, #tpu.memory_space<hbm>> -> memref<128x64xf32, #tpu.memory_space<hbm>>
      %dma_wait3A_155 = arith.constant 0 : i32
      %dma_wait3A_156 = tpu.memref_slice %arg10[%add3A_134, %dma_wait3A_155] : memref<10240x64xf32, #tpu.memory_space<vmem_shared>> -> memref<128x64xf32, #tpu.memory_space<vmem_shared>>
      tpu.wait_dma2 semaphore(%run_scoped3A : memref<!tpu.dma_semaphore, #tpu.memory_space<semaphore_mem>>) src(%dma_wait3A_156 : memref<128x64xf32, #tpu.memory_space<vmem_shared>>) dst(%dma_wait3A_154 : memref<128x64xf32, #tpu.memory_space<hbm>>)
      tpu.yield
    }) : () -> ()
    %mul3A_135 = arith.constant 640 : i32
    %mul3A_136 = arith.muli %arg1, %mul3A_135 : i32
    %add3A_137 = arith.constant 256 : i32
    %add3A_138 = arith.addi %mul3A_136, %add3A_137 : i32
    "tpu.region"() ({
      %run_scoped3A = tpu.sem_alloc : memref<!tpu.dma_semaphore, #tpu.memory_space<semaphore_mem>>
      %dma_start3A_147 = arith.constant 0 : i32
      %dma_start3A_148 = tpu.memref_slice %arg5[%arg0, %add3A_138, %dma_start3A_147] : memref<2x10240x64xf32, #tpu.memory_space<hbm>> -> memref<1x128x64xf32, #tpu.memory_space<hbm>>
      %dma_start3A_149 = tpu.memref_squeeze %dma_start3A_148 : memref<1x128x64xf32, #tpu.memory_space<hbm>> -> memref<128x64xf32, #tpu.memory_space<hbm>>
      %dma_start3A_150 = arith.constant 0 : i32
      %dma_start3A_151 = tpu.memref_slice %arg10[%add3A_138, %dma_start3A_150] : memref<10240x64xf32, #tpu.memory_space<vmem_shared>> -> memref<128x64xf32, #tpu.memory_space<vmem_shared>>
      tpu.enqueue_dma source(%dma_start3A_151 : memref<128x64xf32, #tpu.memory_space<vmem_shared>>) target(%dma_start3A_149 : memref<128x64xf32, #tpu.memory_space<hbm>>) target_semaphore(%run_scoped3A : memref<!tpu.dma_semaphore, #tpu.memory_space<semaphore_mem>>)
      %dma_wait3A_152 = arith.constant 0 : i32
      %dma_wait3A_153 = tpu.memref_slice %arg5[%arg0, %add3A_138, %dma_wait3A_152] : memref<2x10240x64xf32, #tpu.memory_space<hbm>> -> memref<1x128x64xf32, #tpu.memory_space<hbm>>
      %dma_wait3A_154 = tpu.memref_squeeze %dma_wait3A_153 : memref<1x128x64xf32, #tpu.memory_space<hbm>> -> memref<128x64xf32, #tpu.memory_space<hbm>>
      %dma_wait3A_155 = arith.constant 0 : i32
      %dma_wait3A_156 = tpu.memref_slice %arg10[%add3A_138, %dma_wait3A_155] : memref<10240x64xf32, #tpu.memory_space<vmem_shared>> -> memref<128x64xf32, #tpu.memory_space<vmem_shared>>
      tpu.wait_dma2 semaphore(%run_scoped3A : memref<!tpu.dma_semaphore, #tpu.memory_space<semaphore_mem>>) src(%dma_wait3A_156 : memref<128x64xf32, #tpu.memory_space<vmem_shared>>) dst(%dma_wait3A_154 : memref<128x64xf32, #tpu.memory_space<hbm>>)
      tpu.yield
    }) : () -> ()
    %mul3A_139 = arith.constant 640 : i32
    %mul3A_140 = arith.muli %arg1, %mul3A_139 : i32
    %add3A_141 = arith.constant 384 : i32
    %add3A_142 = arith.addi %mul3A_140, %add3A_141 : i32
    "tpu.region"() ({
      %run_scoped3A = tpu.sem_alloc : memref<!tpu.dma_semaphore, #tpu.memory_space<semaphore_mem>>
      %dma_start3A_147 = arith.constant 0 : i32
      %dma_start3A_148 = tpu.memref_slice %arg5[%arg0, %add3A_142, %dma_start3A_147] : memref<2x10240x64xf32, #tpu.memory_space<hbm>> -> memref<1x128x64xf32, #tpu.memory_space<hbm>>
      %dma_start3A_149 = tpu.memref_squeeze %dma_start3A_148 : memref<1x128x64xf32, #tpu.memory_space<hbm>> -> memref<128x64xf32, #tpu.memory_space<hbm>>
      %dma_start3A_150 = arith.constant 0 : i32
      %dma_start3A_151 = tpu.memref_slice %arg10[%add3A_142, %dma_start3A_150] : memref<10240x64xf32, #tpu.memory_space<vmem_shared>> -> memref<128x64xf32, #tpu.memory_space<vmem_shared>>
      tpu.enqueue_dma source(%dma_start3A_151 : memref<128x64xf32, #tpu.memory_space<vmem_shared>>) target(%dma_start3A_149 : memref<128x64xf32, #tpu.memory_space<hbm>>) target_semaphore(%run_scoped3A : memref<!tpu.dma_semaphore, #tpu.memory_space<semaphore_mem>>)
      %dma_wait3A_152 = arith.constant 0 : i32
      %dma_wait3A_153 = tpu.memref_slice %arg5[%arg0, %add3A_142, %dma_wait3A_152] : memref<2x10240x64xf32, #tpu.memory_space<hbm>> -> memref<1x128x64xf32, #tpu.memory_space<hbm>>
      %dma_wait3A_154 = tpu.memref_squeeze %dma_wait3A_153 : memref<1x128x64xf32, #tpu.memory_space<hbm>> -> memref<128x64xf32, #tpu.memory_space<hbm>>
      %dma_wait3A_155 = arith.constant 0 : i32
      %dma_wait3A_156 = tpu.memref_slice %arg10[%add3A_142, %dma_wait3A_155] : memref<10240x64xf32, #tpu.memory_space<vmem_shared>> -> memref<128x64xf32, #tpu.memory_space<vmem_shared>>
      tpu.wait_dma2 semaphore(%run_scoped3A : memref<!tpu.dma_semaphore, #tpu.memory_space<semaphore_mem>>) src(%dma_wait3A_156 : memref<128x64xf32, #tpu.memory_space<vmem_shared>>) dst(%dma_wait3A_154 : memref<128x64xf32, #tpu.memory_space<hbm>>)
      tpu.yield
    }) : () -> ()
    %mul3A_143 = arith.constant 640 : i32
    %mul3A_144 = arith.muli %arg1, %mul3A_143 : i32
    %add3A_145 = arith.constant 512 : i32
    %add3A_146 = arith.addi %mul3A_144, %add3A_145 : i32
    "tpu.region"() ({
      %run_scoped3A = tpu.sem_alloc : memref<!tpu.dma_semaphore, #tpu.memory_space<semaphore_mem>>
      %dma_start3A_147 = arith.constant 0 : i32
      %dma_start3A_148 = tpu.memref_slice %arg5[%arg0, %add3A_146, %dma_start3A_147] : memref<2x10240x64xf32, #tpu.memory_space<hbm>> -> memref<1x128x64xf32, #tpu.memory_space<hbm>>
      %dma_start3A_149 = tpu.memref_squeeze %dma_start3A_148 : memref<1x128x64xf32, #tpu.memory_space<hbm>> -> memref<128x64xf32, #tpu.memory_space<hbm>>
      %dma_start3A_150 = arith.constant 0 : i32
      %dma_start3A_151 = tpu.memref_slice %arg10[%add3A_146, %dma_start3A_150] : memref<10240x64xf32, #tpu.memory_space<vmem_shared>> -> memref<128x64xf32, #tpu.memory_space<vmem_shared>>
      tpu.enqueue_dma source(%dma_start3A_151 : memref<128x64xf32, #tpu.memory_space<vmem_shared>>) target(%dma_start3A_149 : memref<128x64xf32, #tpu.memory_space<hbm>>) target_semaphore(%run_scoped3A : memref<!tpu.dma_semaphore, #tpu.memory_space<semaphore_mem>>)
      %dma_wait3A_152 = arith.constant 0 : i32
      %dma_wait3A_153 = tpu.memref_slice %arg5[%arg0, %add3A_146, %dma_wait3A_152] : memref<2x10240x64xf32, #tpu.memory_space<hbm>> -> memref<1x128x64xf32, #tpu.memory_space<hbm>>
      %dma_wait3A_154 = tpu.memref_squeeze %dma_wait3A_153 : memref<1x128x64xf32, #tpu.memory_space<hbm>> -> memref<128x64xf32, #tpu.memory_space<hbm>>
      %dma_wait3A_155 = arith.constant 0 : i32
      %dma_wait3A_156 = tpu.memref_slice %arg10[%add3A_146, %dma_wait3A_155] : memref<10240x64xf32, #tpu.memory_space<vmem_shared>> -> memref<128x64xf32, #tpu.memory_space<vmem_shared>>
      tpu.wait_dma2 semaphore(%run_scoped3A : memref<!tpu.dma_semaphore, #tpu.memory_space<semaphore_mem>>) src(%dma_wait3A_156 : memref<128x64xf32, #tpu.memory_space<vmem_shared>>) dst(%dma_wait3A_154 : memref<128x64xf32, #tpu.memory_space<hbm>>)
      tpu.yield
    }) : () -> ()
    return
  }
}

module attributes {stable_mosaic.version = 14 : i64} {
  func.func @_tc_a_body(%arg0: i32, %arg1: memref<1000x2xf32, #tpu.memory_space<vmem>>, %arg2: memref<1000x128xf32, #tpu.memory_space<vmem>>, %arg3: memref<128x64xf32, #tpu.memory_space<vmem>>, %arg4: memref<1000x64xf32, #tpu.memory_space<vmem>>) attributes {dimension_semantics = [#tpu.dimension_semantics<arbitrary>], iteration_bounds = array<i64: 10>, scalar_prefetch = 0 : i64, scratch_operands = 0 : i64, tpu.core_type = #tpu.core_type<tc>, window_params = [{transform_indices = @transform_0, window_bounds = array<i64: 1000, 2>}, {transform_indices = @transform_1, window_bounds = array<i64: 1000, 128>}, {pipeline_mode = #tpu.pipeline_mode<synchronous>, transform_indices = @transform_2, window_bounds = array<i64: 128, 64>}, {transform_indices = @transform_3, window_bounds = array<i64: 1000, 64>}]} {
    %get3A = arith.constant 0 : index
    %get3A_0 = arith.constant 0 : index
    %get3A_1 = vector.load %arg1[%get3A, %get3A_0] : memref<1000x2xf32, #tpu.memory_space<vmem>>, vector<1000x2xf32>
    %slice3A = vector.extract_strided_slice %get3A_1 {offsets = [0, 0], sizes = [1000, 1], strides = [1, 1]} : vector<1000x2xf32> to vector<1000x1xf32>
    %slice3A_2 = vector.extract_strided_slice %get3A_1 {offsets = [0, 1], sizes = [1000, 1], strides = [1, 1]} : vector<1000x2xf32> to vector<1000x1xf32>
    %add3A = arith.addf %slice3A, %slice3A_2 : vector<1000x1xf32>
    %add3A_3 = arith.constant 1.000000e+00 : f32
    %add3A_4 = vector.broadcast %add3A_3 : f32 to vector<1000x1xf32>
    %add3A_5 = arith.addf %add3A, %add3A_4 : vector<1000x1xf32>
    %rsqrt3A = math.rsqrt %add3A_5 : vector<1000x1xf32>
    %get3A_6 = arith.constant 0 : index
    %get3A_7 = arith.constant 0 : index
    %get3A_8 = vector.load %arg2[%get3A_6, %get3A_7] : memref<1000x128xf32, #tpu.memory_space<vmem>>, vector<1000x128xf32>
    %get3A_9 = arith.constant 0 : index
    %get3A_10 = arith.constant 0 : index
    %get3A_11 = vector.load %arg3[%get3A_9, %get3A_10] : memref<128x64xf32, #tpu.memory_space<vmem>>, vector<128x64xf32>
    %dot_general3A = arith.constant dense<0.000000e+00> : vector<1000x64xf32>
    %dot_general3A_12 = tpu.matmul %get3A_8, %get3A_11, %dot_general3A {dimension_numbers = #tpu.dot_dimension_numbers<[1], [0], [0], [1], [0, 0, 1, 1], [], []>, transpose_lhs_hint = false} : vector<1000x128xf32>, vector<128x64xf32>, vector<1000x64xf32> -> vector<1000x64xf32>
    %mul3A = vector.broadcast %rsqrt3A : vector<1000x1xf32> to vector<1000x64xf32>
    %mul3A_13 = arith.mulf %dot_general3A_12, %mul3A : vector<1000x64xf32>
    %swap3A = arith.constant 0 : index
    %swap3A_14 = arith.constant 0 : index
    %swap3A_15 = vector.load %arg4[%swap3A, %swap3A_14] : memref<1000x64xf32, #tpu.memory_space<vmem>>, vector<1000x64xf32>
    tpu.vector_store %arg4[%swap3A, %swap3A_14], %mul3A_13 {strides = array<i32>} : memref<1000x64xf32, #tpu.memory_space<vmem>>, vector<1000x64xf32>,
    return
  }
  func.func @transform_0(%arg0: i32) -> (i32, i32) {
    %c0_i32 = arith.constant 0 : i32
    %c0_i32_0 = arith.constant 0 : i32
    return %arg0, %c0_i32 : i32, i32
  }
  func.func @transform_1(%arg0: i32) -> (i32, i32) {
    %c0_i32 = arith.constant 0 : i32
    %c0_i32_0 = arith.constant 0 : i32
    return %arg0, %c0_i32 : i32, i32
  }
  func.func @transform_2(%arg0: i32) -> (i32, i32) {
    %c0_i32 = arith.constant 0 : i32
    %c0_i32_0 = arith.constant 0 : i32
    %c0_i32_1 = arith.constant 0 : i32
    return %c0_i32, %c0_i32_0 : i32, i32
  }
  func.func @transform_3(%arg0: i32) -> (i32, i32) {
    %c0_i32 = arith.constant 0 : i32
    %c0_i32_0 = arith.constant 0 : i32
    return %arg0, %c0_i32 : i32, i32
  }
}

module attributes {stable_mosaic.version = 14 : i64} {
  func.func @_tc_b_body(%arg0: i32, %arg1: memref<1000x2xf32, #tpu.memory_space<vmem>>, %arg2: memref<2x1000x64xf32, #tpu.memory_space<vmem>>, %arg3: memref<1000x64xf32, #tpu.memory_space<vmem>>, %arg4: memref<64x32xf32, #tpu.memory_space<vmem>>, %arg5: memref<1x64xf32, #tpu.memory_space<vmem>>, %arg6: memref<1000x32xf32, #tpu.memory_space<vmem>>) attributes {dimension_semantics = [#tpu.dimension_semantics<arbitrary>], iteration_bounds = array<i64: 10>, scalar_prefetch = 0 : i64, scratch_operands = 0 : i64, tpu.core_type = #tpu.core_type<tc>, window_params = [{transform_indices = @transform_0, window_bounds = array<i64: 1000, 2>}, {transform_indices = @transform_1, window_bounds = array<i64: 2, 1000, 64>}, {transform_indices = @transform_2, window_bounds = array<i64: 1000, 64>}, {pipeline_mode = #tpu.pipeline_mode<synchronous>, transform_indices = @transform_3, window_bounds = array<i64: 64, 32>}, {pipeline_mode = #tpu.pipeline_mode<synchronous>, transform_indices = @transform_4, window_bounds = array<i64: 1, 64>}, {transform_indices = @transform_5, window_bounds = array<i64: 1000, 32>}]} {
    %get3A = arith.constant 0 : index
    %get3A_0 = arith.constant 0 : index
    %get3A_1 = vector.load %arg1[%get3A, %get3A_0] : memref<1000x2xf32, #tpu.memory_space<vmem>>, vector<1000x2xf32>
    %slice3A = vector.extract_strided_slice %get3A_1 {offsets = [0, 0], sizes = [1000, 1], strides = [1, 1]} : vector<1000x2xf32> to vector<1000x1xf32>
    %slice3A_2 = vector.extract_strided_slice %get3A_1 {offsets = [0, 1], sizes = [1000, 1], strides = [1, 1]} : vector<1000x2xf32> to vector<1000x1xf32>
    %add3A = arith.addf %slice3A, %slice3A_2 : vector<1000x1xf32>
    %add3A_3 = arith.constant 1.000000e+00 : f32
    %add3A_4 = vector.broadcast %add3A_3 : f32 to vector<1000x1xf32>
    %add3A_5 = arith.addf %add3A, %add3A_4 : vector<1000x1xf32>
    %rsqrt3A = math.rsqrt %add3A_5 : vector<1000x1xf32>
    %get3A_6 = arith.constant 0 : index
    %get3A_7 = arith.constant 0 : index
    %get3A_8 = arith.constant 0 : index
    %get3A_9 = vector.load %arg2[%get3A_6, %get3A_7, %get3A_8] : memref<2x1000x64xf32, #tpu.memory_space<vmem>>, vector<1x1000x64xf32>
    %get3A_10 = vector.shape_cast %get3A_9 : vector<1x1000x64xf32> to vector<1000x64xf32>
    %get3A_11 = arith.constant 1 : index
    %get3A_12 = arith.constant 0 : index
    %get3A_13 = arith.constant 0 : index
    %get3A_14 = vector.load %arg2[%get3A_11, %get3A_12, %get3A_13] : memref<2x1000x64xf32, #tpu.memory_space<vmem>>, vector<1x1000x64xf32>
    %get3A_15 = vector.shape_cast %get3A_14 : vector<1x1000x64xf32> to vector<1000x64xf32>
    %add3A_16 = arith.addf %get3A_10, %get3A_15 : vector<1000x64xf32>
    %get3A_17 = arith.constant 0 : index
    %get3A_18 = arith.constant 0 : index
    %get3A_19 = vector.load %arg3[%get3A_17, %get3A_18] : memref<1000x64xf32, #tpu.memory_space<vmem>>, vector<1000x64xf32>
    %add3A_20 = arith.addf %add3A_16, %get3A_19 : vector<1000x64xf32>
    %mul3A = vector.broadcast %rsqrt3A : vector<1000x1xf32> to vector<1000x64xf32>
    %mul3A_21 = arith.mulf %mul3A, %add3A_20 : vector<1000x64xf32>
    %get3A_22 = arith.constant 0 : index
    %get3A_23 = arith.constant 0 : index
    %get3A_24 = vector.load %arg5[%get3A_22, %get3A_23] : memref<1x64xf32, #tpu.memory_space<vmem>>, vector<1x64xf32>
    %add3A_25 = vector.broadcast %get3A_24 : vector<1x64xf32> to vector<1000x64xf32>
    %add3A_26 = arith.addf %mul3A_21, %add3A_25 : vector<1000x64xf32>
    %max3A = arith.constant 0.000000e+00 : f32
    %max3A_27 = vector.broadcast %max3A : f32 to vector<1000x64xf32>
    %max3A_28 = arith.maximumf %add3A_26, %max3A_27 : vector<1000x64xf32>
    %get3A_29 = arith.constant 0 : index
    %get3A_30 = arith.constant 0 : index
    %get3A_31 = vector.load %arg4[%get3A_29, %get3A_30] : memref<64x32xf32, #tpu.memory_space<vmem>>, vector<64x32xf32>
    %dot_general3A = arith.constant dense<0.000000e+00> : vector<1000x32xf32>
    %dot_general3A_32 = tpu.matmul %max3A_28, %get3A_31, %dot_general3A {dimension_numbers = #tpu.dot_dimension_numbers<[1], [0], [0], [1], [0, 0, 1, 1], [], []>, transpose_lhs_hint = false} : vector<1000x64xf32>, vector<64x32xf32>, vector<1000x32xf32> -> vector<1000x32xf32>
    %mul3A_33 = vector.broadcast %rsqrt3A : vector<1000x1xf32> to vector<1000x32xf32>
    %mul3A_34 = arith.mulf %dot_general3A_32, %mul3A_33 : vector<1000x32xf32>
    %swap3A = arith.constant 0 : index
    %swap3A_35 = arith.constant 0 : index
    %swap3A_36 = vector.load %arg6[%swap3A, %swap3A_35] : memref<1000x32xf32, #tpu.memory_space<vmem>>, vector<1000x32xf32>
    tpu.vector_store %arg6[%swap3A, %swap3A_35], %mul3A_34 {strides = array<i32>} : memref<1000x32xf32, #tpu.memory_space<vmem>>, vector<1000x32xf32>,
    return
  }
  func.func @transform_0(%arg0: i32) -> (i32, i32) {
    %c0_i32 = arith.constant 0 : i32
    %c0_i32_0 = arith.constant 0 : i32
    return %arg0, %c0_i32 : i32, i32
  }
  func.func @transform_1(%arg0: i32) -> (i32, i32, i32) {
    %c0_i32 = arith.constant 0 : i32
    %c0_i32_0 = arith.constant 0 : i32
    %c0_i32_1 = arith.constant 0 : i32
    return %c0_i32, %arg0, %c0_i32_0 : i32, i32, i32
  }
  func.func @transform_2(%arg0: i32) -> (i32, i32) {
    %c0_i32 = arith.constant 0 : i32
    %c0_i32_0 = arith.constant 0 : i32
    return %arg0, %c0_i32 : i32, i32
  }
  func.func @transform_3(%arg0: i32) -> (i32, i32) {
    %c0_i32 = arith.constant 0 : i32
    %c0_i32_0 = arith.constant 0 : i32
    %c0_i32_1 = arith.constant 0 : i32
    return %c0_i32, %c0_i32_0 : i32, i32
  }
  func.func @transform_4(%arg0: i32) -> (i32, i32) {
    %c0_i32 = arith.constant 0 : i32
    %c0_i32_0 = arith.constant 0 : i32
    %c0_i32_1 = arith.constant 0 : i32
    return %c0_i32, %c0_i32_0 : i32, i32
  }
  func.func @transform_5(%arg0: i32) -> (i32, i32) {
    %c0_i32 = arith.constant 0 : i32
    %c0_i32_0 = arith.constant 0 : i32
    return %arg0, %c0_i32 : i32, i32
  }
}

module attributes {stable_mosaic.version = 14 : i64} {
  func.func @_tc_c_body(%arg0: i32, %arg1: memref<1000x2xf32, #tpu.memory_space<vmem>>, %arg2: memref<2x1000x32xf32, #tpu.memory_space<vmem>>, %arg3: memref<1000x32xf32, #tpu.memory_space<vmem>>, %arg4: memref<32x1xf32, #tpu.memory_space<vmem>>, %arg5: memref<1x32xf32, #tpu.memory_space<vmem>>, %arg6: memref<1x1xf32, #tpu.memory_space<vmem>>, %arg7: memref<1000x1xf32, #tpu.memory_space<vmem>>) attributes {dimension_semantics = [#tpu.dimension_semantics<arbitrary>], iteration_bounds = array<i64: 10>, scalar_prefetch = 0 : i64, scratch_operands = 0 : i64, tpu.core_type = #tpu.core_type<tc>, window_params = [{transform_indices = @transform_0, window_bounds = array<i64: 1000, 2>}, {transform_indices = @transform_1, window_bounds = array<i64: 2, 1000, 32>}, {transform_indices = @transform_2, window_bounds = array<i64: 1000, 32>}, {pipeline_mode = #tpu.pipeline_mode<synchronous>, transform_indices = @transform_3, window_bounds = array<i64: 32, 1>}, {pipeline_mode = #tpu.pipeline_mode<synchronous>, transform_indices = @transform_4, window_bounds = array<i64: 1, 32>}, {pipeline_mode = #tpu.pipeline_mode<synchronous>, transform_indices = @transform_5, window_bounds = array<i64: 1, 1>}, {transform_indices = @transform_6, window_bounds = array<i64: 1000, 1>}]} {
    %get3A = arith.constant 0 : index
    %get3A_0 = arith.constant 0 : index
    %get3A_1 = vector.load %arg1[%get3A, %get3A_0] : memref<1000x2xf32, #tpu.memory_space<vmem>>, vector<1000x2xf32>
    %slice3A = vector.extract_strided_slice %get3A_1 {offsets = [0, 0], sizes = [1000, 1], strides = [1, 1]} : vector<1000x2xf32> to vector<1000x1xf32>
    %slice3A_2 = vector.extract_strided_slice %get3A_1 {offsets = [0, 1], sizes = [1000, 1], strides = [1, 1]} : vector<1000x2xf32> to vector<1000x1xf32>
    %add3A = arith.addf %slice3A, %slice3A_2 : vector<1000x1xf32>
    %add3A_3 = arith.constant 1.000000e+00 : f32
    %add3A_4 = vector.broadcast %add3A_3 : f32 to vector<1000x1xf32>
    %add3A_5 = arith.addf %add3A, %add3A_4 : vector<1000x1xf32>
    %rsqrt3A = math.rsqrt %add3A_5 : vector<1000x1xf32>
    %get3A_6 = arith.constant 0 : index
    %get3A_7 = arith.constant 0 : index
    %get3A_8 = arith.constant 0 : index
    %get3A_9 = vector.load %arg2[%get3A_6, %get3A_7, %get3A_8] : memref<2x1000x32xf32, #tpu.memory_space<vmem>>, vector<1x1000x32xf32>
    %get3A_10 = vector.shape_cast %get3A_9 : vector<1x1000x32xf32> to vector<1000x32xf32>
    %get3A_11 = arith.constant 1 : index
    %get3A_12 = arith.constant 0 : index
    %get3A_13 = arith.constant 0 : index
    %get3A_14 = vector.load %arg2[%get3A_11, %get3A_12, %get3A_13] : memref<2x1000x32xf32, #tpu.memory_space<vmem>>, vector<1x1000x32xf32>
    %get3A_15 = vector.shape_cast %get3A_14 : vector<1x1000x32xf32> to vector<1000x32xf32>
    %add3A_16 = arith.addf %get3A_10, %get3A_15 : vector<1000x32xf32>
    %get3A_17 = arith.constant 0 : index
    %get3A_18 = arith.constant 0 : index
    %get3A_19 = vector.load %arg3[%get3A_17, %get3A_18] : memref<1000x32xf32, #tpu.memory_space<vmem>>, vector<1000x32xf32>
    %add3A_20 = arith.addf %add3A_16, %get3A_19 : vector<1000x32xf32>
    %mul3A = vector.broadcast %rsqrt3A : vector<1000x1xf32> to vector<1000x32xf32>
    %mul3A_21 = arith.mulf %mul3A, %add3A_20 : vector<1000x32xf32>
    %get3A_22 = arith.constant 0 : index
    %get3A_23 = arith.constant 0 : index
    %get3A_24 = vector.load %arg5[%get3A_22, %get3A_23] : memref<1x32xf32, #tpu.memory_space<vmem>>, vector<1x32xf32>
    %add3A_25 = vector.broadcast %get3A_24 : vector<1x32xf32> to vector<1000x32xf32>
    %add3A_26 = arith.addf %mul3A_21, %add3A_25 : vector<1000x32xf32>
    %max3A = arith.constant 0.000000e+00 : f32
    %max3A_27 = vector.broadcast %max3A : f32 to vector<1000x32xf32>
    %max3A_28 = arith.maximumf %add3A_26, %max3A_27 : vector<1000x32xf32>
    %get3A_29 = arith.constant 0 : index
    %get3A_30 = arith.constant 0 : index
    %get3A_31 = vector.load %arg4[%get3A_29, %get3A_30] : memref<32x1xf32, #tpu.memory_space<vmem>>, vector<32x1xf32>
    %dot_general3A = arith.constant dense<0.000000e+00> : vector<1000x1xf32>
    %dot_general3A_32 = tpu.matmul %max3A_28, %get3A_31, %dot_general3A {dimension_numbers = #tpu.dot_dimension_numbers<[1], [0], [0], [1], [0, 0, 1, 1], [], []>, transpose_lhs_hint = false} : vector<1000x32xf32>, vector<32x1xf32>, vector<1000x1xf32> -> vector<1000x1xf32>
    %get3A_33 = arith.constant 0 : index
    %get3A_34 = arith.constant 0 : index
    %get3A_35 = vector.load %arg6[%get3A_33, %get3A_34] : memref<1x1xf32, #tpu.memory_space<vmem>>, vector<1x1xf32>
    %add3A_36 = vector.broadcast %get3A_35 : vector<1x1xf32> to vector<1000x1xf32>
    %add3A_37 = arith.addf %dot_general3A_32, %add3A_36 : vector<1000x1xf32>
    %neg3A = arith.constant 0.000000e+00 : f32
    %neg3A_38 = vector.broadcast %neg3A : f32 to vector<1000x1xf32>
    %neg3A_39 = arith.subf %neg3A_38, %add3A_37 : vector<1000x1xf32>
    %exp3A = math.exp %neg3A_39 : vector<1000x1xf32>
    %add3A_40 = arith.constant 1.000000e+00 : f32
    %add3A_41 = vector.broadcast %add3A_40 : f32 to vector<1000x1xf32>
    %add3A_42 = arith.addf %add3A_41, %exp3A : vector<1000x1xf32>
    %div3A = arith.constant 1.000000e+00 : f32
    %div3A_43 = vector.broadcast %div3A : f32 to vector<1000x1xf32>
    %div3A_44 = arith.divf %div3A_43, %add3A_42 : vector<1000x1xf32>
    %swap3A = arith.constant 0 : index
    %swap3A_45 = arith.constant 0 : index
    %swap3A_46 = vector.load %arg7[%swap3A, %swap3A_45] : memref<1000x1xf32, #tpu.memory_space<vmem>>, vector<1000x1xf32>
    tpu.vector_store %arg7[%swap3A, %swap3A_45], %div3A_44 {strides = array<i32>} : memref<1000x1xf32, #tpu.memory_space<vmem>>, vector<1000x1xf32>,
    return
  }
  func.func @transform_0(%arg0: i32) -> (i32, i32) {
    %c0_i32 = arith.constant 0 : i32
    %c0_i32_0 = arith.constant 0 : i32
    return %arg0, %c0_i32 : i32, i32
  }
  func.func @transform_1(%arg0: i32) -> (i32, i32, i32) {
    %c0_i32 = arith.constant 0 : i32
    %c0_i32_0 = arith.constant 0 : i32
    %c0_i32_1 = arith.constant 0 : i32
    return %c0_i32, %arg0, %c0_i32_0 : i32, i32, i32
  }
  func.func @transform_2(%arg0: i32) -> (i32, i32) {
    %c0_i32 = arith.constant 0 : i32
    %c0_i32_0 = arith.constant 0 : i32
    return %arg0, %c0_i32 : i32, i32
  }
  func.func @transform_3(%arg0: i32) -> (i32, i32) {
    %c0_i32 = arith.constant 0 : i32
    %c0_i32_0 = arith.constant 0 : i32
    %c0_i32_1 = arith.constant 0 : i32
    return %c0_i32, %c0_i32_0 : i32, i32
  }
  func.func @transform_4(%arg0: i32) -> (i32, i32) {
    %c0_i32 = arith.constant 0 : i32
    %c0_i32_0 = arith.constant 0 : i32
    %c0_i32_1 = arith.constant 0 : i32
    return %c0_i32, %c0_i32_0 : i32, i32
  }
  func.func @transform_5(%arg0: i32) -> (i32, i32) {
    %c0_i32 = arith.constant 0 : i32
    %c0_i32_0 = arith.constant 0 : i32
    %c0_i32_1 = arith.constant 0 : i32
    return %c0_i32, %c0_i32_0 : i32, i32
  }
  func.func @transform_6(%arg0: i32) -> (i32, i32) {
    %c0_i32 = arith.constant 0 : i32
    %c0_i32_0 = arith.constant 0 : i32
    return %arg0, %c0_i32 : i32, i32
  }
}

</mosaic_0001>

<sc_bundles>
// kernel: kernel.11.cloned.1.call-start
scs
__scs_entry_jumppad:
0x0: {  	(pc) =	sbr.rel $0x88, $3  }
0x1: {  	(tag) =	ssettag $0x0;
	lr =	simm.s32 $0x1  }
0x2: {  	[smem:$0x3F99] =	sst lr;
	_ =	strace $0xD0000000  }
0x3: {  	_ = 	snop  }
0x4: {  	_ = 	snop  }
0x5: {  	_ = 	snop  }
0x6: {  	_ = 	snop  }
0x7: {  	_ = 	snop  }
__scs_overlays_trampoline_lowered:
0x8: {  	[smem:$0x3FA8] =	sst s0  }
0x9: {  	[smem:$0x3FA9] =	sst s1  }
0xa: {  	[smem:$0x3FAA] =	sst s2  }
0xb: {  	[smem:$0x3FAB] =	sst s3  }
0xc: {  	[smem:$0x3FAC] =	sst s4  }
0xd: {  	[smem:$0x3FAD] =	sst s5  }
0xe: {  	[smem:$0x3FAE] =	sst s6  }
0xf: {  	[smem:$0x3FAF] =	sst s7  }
0x10: {  	[smem:$0x3FB0] =	sst s8  }
0x11: {  	[smem:$0x3FB1] =	sst s9;
	s0 =	simm.s32 @!p0 $0x0  }
0x12: {  	s1 =	sld [smem:$0x3F97];
	s0 =	simm.s32 @p0 $0x1  }
0x13: {  	[smem:$0x3FB2] =	sst s0;
	s0 =	simm.s32 @!p1 $0x0  }
0x14: {  	s2 =	sld [smem:$0x3F96];
	s0 =	simm.s32 @p1 $0x1  }
0x15: {  	[smem:$0x3FB3] =	sst s0;
	s0 =	simm.s32 @!p2 $0x0  }
0x16: {  	s3 =	sld [smem:$0x3FDB];
	s0 =	simm.s32 @p2 $0x1  }
0x17: {  	s4 =	simm.s32 $0x1BF5;
	[smem:$0x3FB5] =	sst s0  }
0x18: {  	s0 =	sld [smem:$0x3F98];
	_ =	swait.ge [sflag:s4], $0x0  }
0x19: {  	s7 =	sld [smem:$0x3F99]  }
0x1a: {  	s8 =	sadd.s32 $0xFFFFE003, lr  }
0x1b: {  	s9 =	sadd.s32 $0xFFFFFEF7, lr;
	s5 =	simm.s32 $0xFFFFFFFF;
	p2 =	slt.u32 s8, $0xFFFFF086  }
0x1c: {  	p1 =	slt.u32 s9, $0xF7A;
	s5 =	simm.s32 @!p2 $0x0  }
0x1d: {  	s5 =	simm.s32 @p1 $0x1;
	p0 =	seq.s32 s7, s2  }
0x1e: {  	s7 =	smul.u32 @!p0 $0xF7A, s2;
	p2 =	seq.s32 @!p0 s5, $0x0  }
0x1f: {  	s9 =	smul.u32 $0xF7A, s1;
	s8 =	simm.s32 @!p0 $0x1BF5;
	p2 =	por !p2, p0  }
0x20: {  	[sflag:s8] =	ssyncset.s32 @!p0 $0xFFFFF086;
	s6 =	sadd.s32 @!p0 s3, s7;
	s7 =	simm.s32 @!p0 $0x108  }
0x21: {  	s3 =	sadd.s32 s3, s9;
	s6 =	sadd.s32 @!p0 $0x88, s6;
	s7 =	simm.s32 @p2 $0x1082  }
0x22: {  	[simem:s7], [sflag:s8] =	dma.local @!p0 [hbm:s6], $0xF7A  }
0x23: {  	s9 =	sor.u32 $0xD0000000, s2;
	s6 =	simm.s32 $0x108;
	_ =	swait.ge @!p0 [sflag:s8], $0x0  }
0x24: {  	s3 =	sadd.s32 $0x88, s3;
	s6 =	simm.s32 @!p1 $0x1082;
	[sflag:s4] =	ssyncset.s32 $0xFFFFF086  }
0x25: {  	[simem:s6], [sflag:s4] =	dma.local [hbm:s3], $0xF7A  }
0x26: {  	[smem:$0x3F99] =	sst s1;
	(tag) =	ssettag s2;
	_ =	strace s9  }
0x27: {  	s1 =	sld [smem:$0x3FA9]  }
0x28: {  	s2 =	sld [smem:$0x3FAA]  }
0x29: {  	s4 =	sld [smem:$0x3FAC]  }
0x2a: {  	p0 =	seq.s32 s5, $0x0;
	s5 =	sld [smem:$0x3FAD]  }
0x2b: {  	s6 =	sld [smem:$0x3FAE]  }
0x2c: {  	s7 =	sld [smem:$0x3FAF]  }
0x2d: {  	s3 =	simm.s32 $0x108;
	s8 =	sld [smem:$0x3FB0]  }
0x2e: {  	s3 =	simm.s32 @!p0 $0x1082;
	s9 =	sld [smem:$0x3FB1]  }
0x2f: {  	lr =	sadd.s32 s0, s3;
	s0 =	sld [smem:$0x3FA8]  }
0x30: {  	s3 =	sld [smem:$0x3FAB]  }
0x31: {  	[smem:$0x3FB4] =	sst s10  }
0x32: {  	s10 =	sld [smem:$0x3FB2];
	_ =	sdelay $0x3  }
0x33: {  	p0 =	seq.s32 s10, $0x1;
	s10 =	sld [smem:$0x3FB4];
	_ =	sdelay $0x3  }
0x34: {  	[smem:$0x3FB4] =	sst s10  }
0x35: {  	s10 =	sld [smem:$0x3FB3];
	_ =	sdelay $0x3  }
0x36: {  	p1 =	seq.s32 s10, $0x1;
	s10 =	sld [smem:$0x3FB4];
	_ =	sdelay $0x3  }
0x37: {  	[smem:$0x3FB4] =	sst s10  }
0x38: {  	s10 =	sld [smem:$0x3FB5]  }
0x39: {  	_ = 	snop;
	(pc) =	sbr.ind lr, $3  }
0x3a: {  	_ = 	snop  }
0x3b: {  	_ = 	snop  }
0x3c: {  	p2 =	seq.s32 s10, $0x1;
	s10 =	sld [smem:$0x3FB4]  }
0x3d: {  	_ =	shalt  }
0x3e: {  	_ =	shalt  }
0x3f: {  	_ =	shalt  }
0x40: {  	_ =	shalt  }
0x41: {  	_ =	shalt  }
0x42: {  	_ =	shalt  }
0x43: {  	_ =	shalt  }
0x44: {  	_ =	shalt  }
0x45: {  	_ =	shalt  }
0x46: {  	_ =	shalt  }
0x47: {  	_ =	shalt  }
0x48: {  	_ =	shalt  }
0x49: {  	_ =	shalt  }
0x4a: {  	_ =	shalt  }
0x4b: {  	_ =	shalt  }
0x4c: {  	_ =	shalt  }
0x4d: {  	_ =	shalt  }
0x4e: {  	_ =	shalt  }
0x4f: {  	_ =	shalt  }
0x50: {  	_ =	shalt  }
0x51: {  	_ =	shalt  }
0x52: {  	_ =	shalt  }
0x53: {  	_ =	shalt  }
0x54: {  	_ =	shalt  }
0x55: {  	_ =	shalt  }
0x56: {  	_ =	shalt  }
0x57: {  	_ =	shalt  }
0x58: {  	_ =	shalt  }
0x59: {  	_ =	shalt  }
0x5a: {  	_ =	shalt  }
0x5b: {  	_ =	shalt  }
0x5c: {  	_ =	shalt  }
0x5d: {  	_ =	shalt  }
0x5e: {  	_ =	shalt  }
0x5f: {  	_ =	shalt  }
0x60: {  	_ =	shalt  }
0x61: {  	_ =	shalt  }
0x62: {  	_ =	shalt  }
0x63: {  	_ =	shalt  }
0x64: {  	_ =	shalt  }
0x65: {  	_ =	shalt  }
0x66: {  	_ =	shalt  }
0x67: {  	_ =	shalt  }
0x68: {  	_ =	shalt  }
0x69: {  	_ =	shalt  }
0x6a: {  	_ =	shalt  }
0x6b: {  	_ =	shalt  }
0x6c: {  	_ =	shalt  }
0x6d: {  	_ =	shalt  }
0x6e: {  	_ =	shalt  }
0x6f: {  	_ =	shalt  }
0x70: {  	_ =	shalt  }
0x71: {  	_ =	shalt  }
0x72: {  	_ =	shalt  }
0x73: {  	_ =	shalt  }
0x74: {  	_ =	shalt  }
0x75: {  	_ =	shalt  }
0x76: {  	_ =	shalt  }
0x77: {  	_ =	shalt  }
0x78: {  	_ =	shalt  }
0x79: {  	_ =	shalt  }
0x7a: {  	_ =	shalt  }
0x7b: {  	_ =	shalt  }
0x7c: {  	_ =	shalt  }
0x7d: {  	_ =	shalt  }
0x7e: {  	_ =	shalt  }
0x7f: {  	_ =	shalt  }
0x80: {  	_ =	shalt  }
0x81: {  	_ =	shalt  }
0x82: {  	_ =	shalt  }
0x83: {  	_ =	shalt  }
0x84: {  	_ =	shalt  }
0x85: {  	_ =	shalt  }
0x86: {  	_ =	shalt  }
0x87: {  	_ =	shalt  }
.Lfunc_end0:
.L_simem_size_0:
called_computation.1_lowered:
.L_overlay_start_0:
0x88: {  	s2 =	sld [smem:$0x3FD9]  }
0x89: {  	s3 =	sld [smem:$0x3FFE];
	_ =	sdelay $0x1  }
0x8a: {  	s1 =	srdreg.scid  }
0x8b: {  	s0 =	sand.u32 $0x1, s1  }
0x8c: {  	s16 =	sshll.u32 s0, $0xA;
	s2 =	sadd.s32 s3, s2  }
0x8d: {  	s2 =	sadd.s32 s2, s16  }
0x8e: {  	[smem:$0x3FC0] =	sst s2  }
0x8f: {  	_ = 	snop  }
0x90: {  	(tm) =	ssettm $0x1  }
0x91: {  	s17 =	sld [smem:$0x3FFB];
	_ =	sdelay $0x3  }
0x92: {  	_ =	strace s17  }
0x93: {  	s2 =	sld [smem:$0x3FFC];
	_ =	sdelay $0x3  }
0x94: {  	_ =	strace s2  }
0x95: {  	s2 =	sld [smem:$0x3FFD];
	_ =	sdelay $0x3  }
0x96: {  	_ =	strace s2  }
0x97: {  	_ =	strace $0x8FFFFFFF  }
0x98: {  	s18 =	sld [smem:$0x3FDB];
	_ =	sdelay $0x1  }
0x99: {  	s19 =	simm.s32 $_scs_section_size  }
0x9a: {  	s4 =	simm.s32 $_size__tile_overlayer_lowered;
	s5 =	simm.s32 $_tile_overlayer_lowered  }
0x9b: {  	s22 =	simm.s32 $0x1BFF;
	s21 =	sshll.u32 s5, $0x1;
	s2 =	sadd.s32 s19, s18  }
0x9c: {  	s6 =	simm.s32 $0x0;
	s20 =	sshll.u32 s4, $0x1;
	s4 =	sadd.s32 s21, s2  }
0x9d: {  	[timem:s6], [sflag:s22] =	dma.local [hbm:s4], s20  }
0x9e: {  	_ =	swait.ge [sflag:s22], s20  }
0x9f: {  	s3 =	ssub.s32 $0x0, s20;
	[sflag:s22] =	ssyncset.done $0x0  }
0xa0: {  	[sflag:s22] =	ssyncadd.s32 s3;
	_ =	sdelay $0x1  }
0xa1: {  	s23 =	simm.s32 $0x1B8B  }
0xa2: {  	_ =	swait.ge [sflag:s23], $0x1  }
0xa3: {  	[sflag:s23] =	ssyncset.done $0x0  }
0xa4: {  	s25 =	simm.s32 $0x1B8E;
	s24 =	sld [smem:$0x3FFE];
	[sflag:s23] =	ssyncadd.s32 $0xFFFFFFFF  }
0xa5: {  	s26 =	simm.s32 $execute0_lowered;
	[smem:$0x3FD2] =	sst s25  }
0xa6: {  	s4 =	sshll.u32 s26, $0x1;
	_ =	strace $0x80000049;
	[dreg:$0x1] =	wrdreg $0xFFFFFFFF  }
0xa7: {  	s28 =	simm.s32 $_size_execute0_lowered;
	s2 =	sadd.s32 s2, s4;
	[dreg:$0x0] =	wrdreg $0x0  }
0xa8: {  	s4 =	sshll.u32 s28, $0x1;
	[dreg:$0x2] =	wrdreg s2  }
0xa9: {  	[dreg:$0x3] =	wrdreg s4  }
0xaa: {  	[dreg:$0x4] =	wrdreg $0xC0  }
0xab: {  	_ =	task [dreg:s6], $0x5FFFF  }
0xac: {  	[dreg:$0x1] =	wrdreg $0xFFFFFFFF  }
0xad: {  	[dreg:$0x0] =	wrdreg $0x60  }
0xae: {  	[dreg:$0x2] =	wrdreg s24  }
0xaf: {  	[dreg:$0x3] =	wrdreg $0x150C00  }
0xb0: {  	[dreg:$0x4] =	wrdreg $0x9  }
0xb1: {  	_ =	task.clear_ibuf [dreg:s6], $0x5FFFF;
	_ =	strace $0x90000049  }
0xb2: {  	s29 =	simm.s32 $0x9;
	_ =	strace $0x8000004B  }
0xb3: {  	_ =	swait.ge [sflag:s29], $0x1  }
0xb4: {  	[sflag:s29] =	ssyncadd.s32 $0xFFFFFFFF  }
0xb5: {  	_ =	strace $0x9000004B  }
0xb6: {  	_ =	sfence  }
0xb7: {  	s30 =	sld [smem:$0x0];
	_ =	sdelay $0x2  }
0xb8: {  	s31 =	sshll.u32 s1, $0xD;
	s1 =	sshrl.u32 s1, $0x2  }
0xb9: {  	s3 =	sand.u32 $0x4000, s31;
	s1 =	sadd.s32 s1, s30  }
0xba: {  	s0 =	sor.u32 s3, s0;
	s1 =	sshll.u32 s1, $0x11  }
0xbb: {  	s0 =	sor.u32 s1, s0  }
0xbc: {  	s0 =	sadd.s32 $0x8F2B, s0  }
0xbd: {  	[sflag:s0] =	ssyncadd.remote.s32 $0x1  }
0xbe: {  	_ =	sfence.sel $0xFFFF  }
0xbf: {  	[dreg:$0x0] =	wrdreg $0xFFFFFFFF;
	(pc) =	sbr.abs _section_cstart, $3  }
0xc0: {  	[dreg:$0x1] =	wrdreg $0xFFFFFFFF  }
0xc1: {  	_ =	task.clear_ibuf [dreg:s6], $0x2FFFF;
	_ =	strace $0x9FFFFFFF  }
0xc2: {  	(tm) =	ssettm $0x7FFFFFFF  }
0xc3: {  	_ =	shalt  }
tec
execute0_lowered:
.L_overlay_start_1:
0x0: {  	(tag) =	ssettag $0x1  }
0x1: {  	s0 =	srdreg.scid;
	s9 =	stileid.u32  }
0x2: {  	s1 =	rddreg [dreg:$0x0];
	s0 =	sand.u32 $0x1, s0;
	s6 =	smul.u32 $0x28000, s9  }
0x3: {  	s2 =	rddreg [dreg:$0x1];
	s3 =	sshll.u32 s0, $0x4;
	s7 =	smul.u32 $0xA0000, s0  }
0x4: {  	s0 =	ssub.s32 $0x2, s0;
	s4 =	sor.u32 s9, s3;
	s3 =	simm.s32 $0x0  }
0x5: {  	s9 =	smul.u32 $0xA000, s9;
	s19 =	sshrl.u32 s0, $0x1;
	s6 =	sshrl.u32 s6, $0x2  }
0x6: {  	s5 =	smul.u32 $0x4EC, s4;
	[smem:$0x7FF] =	sst s3;
	s4 =	sadd.s32 $0x15C00, s1  }
0x7: {  	s0 =	ssub.s32 s0, s19;
	_ =	strace $0x8000004A;
	s20 =	sadd.s32 s9, s7  }
0x8: {  	s21 =	sadd.s32 $0x2000, s9;
	s23 =	sadd.s32 s9, s2;
	s11 =	sadd.s32 $0x4000, s9  }
0x9: {  	s12 =	sadd.s32 $0x6000, s9;
	s9 =	sadd.s32 $0x8000, s9;
	s0 =	smax.u32 s0, $0x1  }
0xa: {  	s8 =	sadd.s32 s5, s1;
	s1 =	sadd.s32 $0x29600, s1;
	s5 =	sadd.s32 s6, s2  }
0xb: {  	s6 =	sshrl.u32 s20, $0x3;
	s22 =	sadd.s32 s7, s21;
	s24 =	sadd.s32 s21, s2  }
0xc: {  	s25 =	sadd.s32 s7, s11;
	s26 =	sadd.s32 s7, s12;
	s7 =	sadd.s32 s7, s9  }
0xd: {  	s11 =	sadd.s32 s11, s2;
	s13 =	sadd.s32 s12, s2;
	s14 =	sadd.s32 s9, s2  }
0xe: {  	[dreg:$0xa] =	wrdreg s0;
	s12 =	simm.s32 $0x5;
	s10 =	sadd.s32 $0xBE00, s8  }
0xf: {  	s8 =	sadd.s32 $0x1600, s8;
	s6 =	sadd.s32 s1, s6;
	[dreg:$0x3] =	wrdreg s10  }
0x10: {  	s7 =	sshrl.u32 s7, $0x3;
	s15 =	sadd.s32 $0x800, s5;
	[dreg:$0x4] =	wrdreg s8  }
0x11: {  	s16 =	sadd.s32 $0x1000, s5;
	s17 =	sadd.s32 $0x1800, s5;
	[dreg:$0x5] =	wrdreg s6  }
0x12: {  	s18 =	sadd.s32 $0x2000, s5;
	s19 =	sadd.s32 $0x2800, s5;
	[dreg:$0xb] =	wrdreg s15  }
0x13: {  	s20 =	sadd.s32 $0x3000, s5;
	s21 =	sadd.s32 $0x3800, s5;
	[dreg:$0xc] =	wrdreg s16  }
0x14: {  	s28 =	sadd.s32 $0x4800, s5;
	s29 =	sadd.s32 $0x5000, s5;
	[dreg:$0xd] =	wrdreg s17  }
0x15: {  	s30 =	sadd.s32 $0x5800, s5;
	s31 =	sadd.s32 $0x6000, s5;
	[dreg:$0xe] =	wrdreg s18  }
0x16: {  	s0 =	sadd.s32 $0x7000, s5;
	s9 =	sadd.s32 $0x9000, s5;
	[dreg:$0xf] =	wrdreg s19  }
0x17: {  	s6 =	sshrl.u32 s22, $0x3;
	s10 =	sshrl.u32 s25, $0x3;
	[dreg:$0x10] =	wrdreg s20  }
0x18: {  	[dreg:$0x11] =	wrdreg s21;
	s22 =	sshrl.u32 s23, $0x3;
	s23 =	sshrl.u32 s24, $0x3  }
0x19: {  	s24 =	sshrl.u32 s11, $0x3;
	s25 =	sshrl.u32 s13, $0x3;
	s8 =	sadd.s32 $0x8800, s5  }
0x1a: {  	s11 =	simm.s32 $0x148C0;
	s13 =	simm.s32 $0x2760;
	[dreg:$0x12] =	wrdreg s22  }
0x1b: {  	s15 =	simm.s32 $0x4EC0;
	s16 =	simm.s32 $0xCBC0;
	[dreg:$0x13] =	wrdreg s23  }
0x1c: {  	s17 =	simm.s32 $0x1;
	s18 =	simm.s32 $0x2;
	[dreg:$0x14] =	wrdreg s24  }
0x1d: {  	s19 =	simm.s32 $0x3;
	s6 =	sadd.s32 s1, s6;
	[dreg:$0x15] =	wrdreg s25  }
0x1e: {  	s20 =	simm.s32 $0x4;
	s10 =	sadd.s32 s1, s10;
	[dreg:$0x6] =	wrdreg s6  }
0x1f: {  	s21 =	simm.s32 $0x0;
	[dreg:$0x7] =	wrdreg s10;
	s10 =	sshrl.u32 s26, $0x3  }
0x20: {  	s26 =	sshrl.u32 s14, $0x3;
	s6 =	sadd.s32 $0x7800, s5;
	s14 =	simm.s32 $0x1F4  }
0x21: {  	s10 =	sadd.s32 s1, s10;
	s1 =	sadd.s32 s1, s7;
	[dreg:$0x16] =	wrdreg s26  }
0x22: {  	s26 =	sadd.s32 $0x4000, s5;
	s7 =	sadd.s32 $0x8000, s5;
	[dreg:$0x8] =	wrdreg s10  }
0x23: {  	v0 =	vimm.f32 $0.0e+00;
	[dreg:$0x9] =	wrdreg s1;
	s1 =	sadd.s32 $0x6800, s5;
	s10 =	sadd.s32 $0x9800, s5  }
.LBB2_1:
0x24: {  	s22 =	sand.u32 $0x1F00, s3  }
0x25: {  	s23 =	sand.u32 $0x30, s3;
	s24 =	sshrl.u32 s22, $0x2  }
0x26: {  	s22 =	simm.s32 $0x40;
	s24 =	sor.u32 s23, s24;
	s23 =	simm.s32 $0x0  }
.LBB2_2:
0x27: {  	p0 =	sne.s32 s22, $0x1FC0  }
0x28: {  	[tilespmem:s24+$0x148C0] =	vst v0;
	s23 =	sadd.s32 $0x10, s23;
	s24 =	smov.u32 s22;
	s22 =	sadd.s32 $0x40, s22  }
.Ltmp0:
0x29: {  	(pc) =	sbr.rel @p0 .LBB2_2-.Ltmp0, $4  }
0x2a: {  	_ = 	snop  }
0x2b: {  	s24 =	sand.u32 $0x1F00, s24  }
0x2c: {  	s25 =	sand.u32 $0x30, s23;
	s24 =	sshrl.u32 s24, $0x2  }
0x2d: {  	s24 =	sor.u32 s25, s24  }
0x2e: {  	[tilespmem:s24+$0x148C0] =	vst v0  }
0x2f: {  	[spmem:s5] =	stream.linear.scatter [tilespmem:s11], [sflag:$0x5], $0x800, $0x38;
	[tilespmem:$0x1F0C0] =	vst v63  }
0x30: {  	_ =	swait.ge [sflag:s12], $0x800  }
0x31: {  	[sflag:s12] =	ssyncset.done $0x0  }
0x32: {  	s22 =	rddreg [dreg:$0xb];
	[sflag:s12] =	ssyncadd.s32 $0xFFFFF800  }
0x33: {  	[spmem:s22] =	stream.linear.scatter [tilespmem:s11], [sflag:$0x5], $0x800, $0x38;
	[tilespmem:$0x1F0C0] =	vst v63  }
0x34: {  	_ =	swait.ge [sflag:s12], $0x800  }
0x35: {  	[sflag:s12] =	ssyncset.done $0x0  }
0x36: {  	s23 =	rddreg [dreg:$0xc];
	[sflag:s12] =	ssyncadd.s32 $0xFFFFF800  }
0x37: {  	[spmem:s23] =	stream.linear.scatter [tilespmem:s11], [sflag:$0x5], $0x800, $0x38;
	[tilespmem:$0x1F0C0] =	vst v63  }
0x38: {  	_ =	swait.ge [sflag:s12], $0x800  }
0x39: {  	[sflag:s12] =	ssyncset.done $0x0  }
0x3a: {  	s24 =	rddreg [dreg:$0xd];
	[sflag:s12] =	ssyncadd.s32 $0xFFFFF800  }
0x3b: {  	[spmem:s24] =	stream.linear.scatter [tilespmem:s11], [sflag:$0x5], $0x800, $0x38;
	[tilespmem:$0x1F0C0] =	vst v63  }
0x3c: {  	_ =	swait.ge [sflag:s12], $0x800  }
0x3d: {  	[sflag:s12] =	ssyncset.done $0x0  }
0x3e: {  	s25 =	rddreg [dreg:$0xe];
	[sflag:s12] =	ssyncadd.s32 $0xFFFFF800  }
0x3f: {  	[spmem:s25] =	stream.linear.scatter [tilespmem:s11], [sflag:$0x5], $0x800, $0x38;
	[tilespmem:$0x1F0C0] =	vst v63  }
0x40: {  	_ =	swait.ge [sflag:s12], $0x800  }
0x41: {  	[sflag:s12] =	ssyncset.done $0x0  }
0x42: {  	s23 =	rddreg [dreg:$0xf];
	[sflag:s12] =	ssyncadd.s32 $0xFFFFF800  }
0x43: {  	[spmem:s23] =	stream.linear.scatter [tilespmem:s11], [sflag:$0x5], $0x800, $0x38;
	[tilespmem:$0x1F0C0] =	vst v63  }
0x44: {  	_ =	swait.ge [sflag:s12], $0x800  }
0x45: {  	[sflag:s12] =	ssyncset.done $0x0  }
0x46: {  	s24 =	rddreg [dreg:$0x10];
	[sflag:s12] =	ssyncadd.s32 $0xFFFFF800  }
0x47: {  	[spmem:s24] =	stream.linear.scatter [tilespmem:s11], [sflag:$0x5], $0x800, $0x38;
	[tilespmem:$0x1F0C0] =	vst v63  }
0x48: {  	_ =	swait.ge [sflag:s12], $0x800  }
0x49: {  	[sflag:s12] =	ssyncset.done $0x0  }
0x4a: {  	s25 =	rddreg [dreg:$0x11];
	[sflag:s12] =	ssyncadd.s32 $0xFFFFF800  }
0x4b: {  	[spmem:s25] =	stream.linear.scatter [tilespmem:s11], [sflag:$0x5], $0x800, $0x38;
	[tilespmem:$0x1F0C0] =	vst v63  }
0x4c: {  	_ =	swait.ge [sflag:s12], $0x800  }
0x4d: {  	[sflag:s12] =	ssyncset.done $0x0  }
0x4e: {  	[sflag:s12] =	ssyncadd.s32 $0xFFFFF800  }
0x4f: {  	[spmem:s26] =	stream.linear.scatter [tilespmem:s11], [sflag:$0x5], $0x800, $0x38;
	[tilespmem:$0x1F0C0] =	vst v63  }
0x50: {  	_ =	swait.ge [sflag:s12], $0x800  }
0x51: {  	[sflag:s12] =	ssyncset.done $0x0  }
0x52: {  	[sflag:s12] =	ssyncadd.s32 $0xFFFFF800  }
0x53: {  	[spmem:s28] =	stream.linear.scatter [tilespmem:s11], [sflag:$0x5], $0x800, $0x38;
	[tilespmem:$0x1F0C0] =	vst v63  }
0x54: {  	_ =	swait.ge [sflag:s12], $0x800  }
0x55: {  	[sflag:s12] =	ssyncset.done $0x0  }
0x56: {  	[sflag:s12] =	ssyncadd.s32 $0xFFFFF800  }
0x57: {  	[spmem:s29] =	stream.linear.scatter [tilespmem:s11], [sflag:$0x5], $0x800, $0x38;
	[tilespmem:$0x1F0C0] =	vst v63  }
0x58: {  	_ =	swait.ge [sflag:s12], $0x800  }
0x59: {  	[sflag:s12] =	ssyncset.done $0x0  }
0x5a: {  	[sflag:s12] =	ssyncadd.s32 $0xFFFFF800  }
0x5b: {  	[spmem:s30] =	stream.linear.scatter [tilespmem:s11], [sflag:$0x5], $0x800, $0x38;
	[tilespmem:$0x1F0C0] =	vst v63  }
0x5c: {  	_ =	swait.ge [sflag:s12], $0x800  }
0x5d: {  	[sflag:s12] =	ssyncset.done $0x0  }
0x5e: {  	[sflag:s12] =	ssyncadd.s32 $0xFFFFF800  }
0x5f: {  	[spmem:s31] =	stream.linear.scatter [tilespmem:s11], [sflag:$0x5], $0x800, $0x38;
	[tilespmem:$0x1F0C0] =	vst v63  }
0x60: {  	_ =	swait.ge [sflag:s12], $0x800  }
0x61: {  	[sflag:s12] =	ssyncset.done $0x0  }
0x62: {  	[sflag:s12] =	ssyncadd.s32 $0xFFFFF800  }
0x63: {  	[spmem:s1] =	stream.linear.scatter [tilespmem:s11], [sflag:$0x5], $0x800, $0x38;
	[tilespmem:$0x1F0C0] =	vst v63  }
0x64: {  	_ =	swait.ge [sflag:s12], $0x800  }
0x65: {  	[sflag:s12] =	ssyncset.done $0x0  }
0x66: {  	[sflag:s12] =	ssyncadd.s32 $0xFFFFF800  }
0x67: {  	[spmem:s0] =	stream.linear.scatter [tilespmem:s11], [sflag:$0x5], $0x800, $0x38;
	[tilespmem:$0x1F0C0] =	vst v63  }
0x68: {  	_ =	swait.ge [sflag:s12], $0x800  }
0x69: {  	[sflag:s12] =	ssyncset.done $0x0  }
0x6a: {  	[sflag:s12] =	ssyncadd.s32 $0xFFFFF800  }
0x6b: {  	[spmem:s6] =	stream.linear.scatter [tilespmem:s11], [sflag:$0x5], $0x800, $0x38;
	[tilespmem:$0x1F0C0] =	vst v63  }
0x6c: {  	_ =	swait.ge [sflag:s12], $0x800  }
0x6d: {  	[sflag:s12] =	ssyncset.done $0x0  }
0x6e: {  	[sflag:s12] =	ssyncadd.s32 $0xFFFFF800  }
0x6f: {  	[spmem:s7] =	stream.linear.scatter [tilespmem:s11], [sflag:$0x5], $0x800, $0x38;
	[tilespmem:$0x1F0C0] =	vst v63  }
0x70: {  	_ =	swait.ge [sflag:s12], $0x800  }
0x71: {  	[sflag:s12] =	ssyncset.done $0x0  }
0x72: {  	[sflag:s12] =	ssyncadd.s32 $0xFFFFF800  }
0x73: {  	[spmem:s8] =	stream.linear.scatter [tilespmem:s11], [sflag:$0x5], $0x800, $0x38;
	[tilespmem:$0x1F0C0] =	vst v63  }
0x74: {  	_ =	swait.ge [sflag:s12], $0x800  }
0x75: {  	[sflag:s12] =	ssyncset.done $0x0  }
0x76: {  	[sflag:s12] =	ssyncadd.s32 $0xFFFFF800  }
0x77: {  	[spmem:s9] =	stream.linear.scatter [tilespmem:s11], [sflag:$0x5], $0x800, $0x38;
	[tilespmem:$0x1F0C0] =	vst v63  }
0x78: {  	_ =	swait.ge [sflag:s12], $0x800  }
0x79: {  	[sflag:s12] =	ssyncset.done $0x0  }
0x7a: {  	[sflag:s12] =	ssyncadd.s32 $0xFFFFF800  }
0x7b: {  	[spmem:s10] =	stream.linear.scatter [tilespmem:s11], [sflag:$0x5], $0x800, $0x38;
	[tilespmem:$0x1F0C0] =	vst v63  }
0x7c: {  	_ =	swait.ge [sflag:s12], $0x800  }
0x7d: {  	[sflag:s12] =	ssyncset.done $0x0  }
0x7e: {  	[sflag:s12] =	ssyncadd.s32 $0xFFFFF800  }
0x7f: {  	[bflag:$0x0] =	sbarrier.arrive $0xFFFF  }
0x80: {  	s23 =	rddreg [dreg:$0x3]  }
0x81: {  	[tilespmem:s3], [sflag:$0x5] =	stream.linear.gather [hbm4b:s23+s3], $0x2760, $0x38;
	[tilespmem:$0x1F0C0] =	vst v63  }
0x82: {  	_ =	swait.ge [sflag:s12], $0x2760  }
0x83: {  	[sflag:s12] =	ssyncset.done $0x0  }
0x84: {  	s24 =	rddreg [dreg:$0x4];
	[sflag:s12] =	ssyncadd.s32 $0xFFFFD8A0  }
0x85: {  	[tilespmem:s13], [sflag:$0x5] =	stream.linear.gather [hbm4b:s24+s3], $0x2760, $0x38;
	[tilespmem:$0x1F0C0] =	vst v63  }
0x86: {  	_ =	swait.ge [sflag:s12], $0x2760  }
0x87: {  	[sflag:s12] =	ssyncset.done $0x0  }
0x88: {  	[sflag:s12] =	ssyncadd.s32 $0xFFFFD8A0  }
0x89: {  	[tilespmem:s15], [sflag:$0x1] =	stream.indirect.gather [hbm4b:s4+s14], $0x40, s3, s14, $0xb8;
	[tilespmem:$0x1F0C0] =	vst v63  }
0x8a: {  	s25 =	simm.s32 $0x1F8  }
0x8b: {  	[tilespmem:s16], [sflag:$0x2] =	stream.indirect.gather [hbm4b:s4+s14], $0x40, s25, s14, $0xb8;
	[tilespmem:$0x1F0C0] =	vst v63  }
0x8c: {  	_ =	swait.ge [sflag:s17], $0x7D00  }
0x8d: {  	[sflag:s17] =	ssyncset.done $0x0  }
0x8e: {  	[sflag:s17] =	ssyncadd.s32 $0xFFFF8300  }
0x8f: {  	[spmem:s2] =	stream.indirect.scatter.add.f32 [tilespmem:s15], [sflag:$0x3], $0x40, s13, s14, $0xb8;
	[tilespmem:$0x1F0C0] =	vst v63  }
0x90: {  	_ =	swait.ge [sflag:s18], $0x7D00  }
0x91: {  	[sflag:s18] =	ssyncset.done $0x0  }
0x92: {  	s23 =	simm.s32 $0x2958;
	[sflag:s18] =	ssyncadd.s32 $0xFFFF8300  }
0x93: {  	[spmem:s2] =	stream.indirect.scatter.add.f32 [tilespmem:s16], [sflag:$0x4], $0x40, s23, s14, $0xb8;
	[tilespmem:$0x1F0C0] =	vst v63  }
0x94: {  	_ =	swait.ge [sflag:s19], $0x7D00  }
0x95: {  	[sflag:s19] =	ssyncset.done $0x0  }
0x96: {  	s24 =	simm.s32 $0x3F0;
	[sflag:s19] =	ssyncadd.s32 $0xFFFF8300  }
0x97: {  	[tilespmem:s15], [sflag:$0x1] =	stream.indirect.gather [hbm4b:s4+s14], $0x40, s24, s14, $0xb8;
	[tilespmem:$0x1F0C0] =	vst v63  }
0x98: {  	_ =	swait.ge [sflag:s17], $0x7D00  }
0x99: {  	[sflag:s17] =	ssyncset.done $0x0  }
0x9a: {  	s25 =	simm.s32 $0x2B50;
	[sflag:s17] =	ssyncadd.s32 $0xFFFF8300  }
0x9b: {  	[spmem:s2] =	stream.indirect.scatter.add.f32 [tilespmem:s15], [sflag:$0x3], $0x40, s25, s14, $0xb8;
	[tilespmem:$0x1F0C0] =	vst v63  }
0x9c: {  	_ =	swait.ge [sflag:s20], $0x7D00  }
0x9d: {  	[sflag:s20] =	ssyncset.done $0x0  }
0x9e: {  	s23 =	simm.s32 $0x5E8;
	[sflag:s20] =	ssyncadd.s32 $0xFFFF8300  }
0x9f: {  	[tilespmem:s16], [sflag:$0x2] =	stream.indirect.gather [hbm4b:s4+s14], $0x40, s23, s14, $0xb8;
	[tilespmem:$0x1F0C0] =	vst v63  }
0xa0: {  	_ =	swait.ge [sflag:s18], $0x7D00  }
0xa1: {  	[sflag:s18] =	ssyncset.done $0x0  }
0xa2: {  	s24 =	simm.s32 $0x2D48;
	[sflag:s18] =	ssyncadd.s32 $0xFFFF8300  }
0xa3: {  	[spmem:s2] =	stream.indirect.scatter.add.f32 [tilespmem:s16], [sflag:$0x4], $0x40, s24, s14, $0xb8;
	[tilespmem:$0x1F0C0] =	vst v63  }
0xa4: {  	_ =	swait.ge [sflag:s19], $0x7D00  }
0xa5: {  	[sflag:s19] =	ssyncset.done $0x0  }
0xa6: {  	s25 =	simm.s32 $0x7E0;
	[sflag:s19] =	ssyncadd.s32 $0xFFFF8300  }
0xa7: {  	[tilespmem:s15], [sflag:$0x1] =	stream.indirect.gather [hbm4b:s4+s14], $0x40, s25, s14, $0xb8;
	[tilespmem:$0x1F0C0] =	vst v63  }
0xa8: {  	_ =	swait.ge [sflag:s17], $0x7D00  }
0xa9: {  	[sflag:s17] =	ssyncset.done $0x0  }
0xaa: {  	s23 =	simm.s32 $0x2F40;
	[sflag:s17] =	ssyncadd.s32 $0xFFFF8300  }
0xab: {  	[spmem:s2] =	stream.indirect.scatter.add.f32 [tilespmem:s15], [sflag:$0x3], $0x40, s23, s14, $0xb8;
	[tilespmem:$0x1F0C0] =	vst v63  }
0xac: {  	_ =	swait.ge [sflag:s20], $0x7D00  }
0xad: {  	[sflag:s20] =	ssyncset.done $0x0  }
0xae: {  	s24 =	simm.s32 $0x9D8;
	[sflag:s20] =	ssyncadd.s32 $0xFFFF8300  }
0xaf: {  	[tilespmem:s16], [sflag:$0x2] =	stream.indirect.gather [hbm4b:s4+s14], $0x40, s24, s14, $0xb8;
	[tilespmem:$0x1F0C0] =	vst v63  }
0xb0: {  	_ =	swait.ge [sflag:s18], $0x7D00  }
0xb1: {  	[sflag:s18] =	ssyncset.done $0x0  }
0xb2: {  	s25 =	simm.s32 $0x3138;
	[sflag:s18] =	ssyncadd.s32 $0xFFFF8300  }
0xb3: {  	[spmem:s2] =	stream.indirect.scatter.add.f32 [tilespmem:s16], [sflag:$0x4], $0x40, s25, s14, $0xb8;
	[tilespmem:$0x1F0C0] =	vst v63  }
0xb4: {  	_ =	swait.ge [sflag:s19], $0x7D00  }
0xb5: {  	[sflag:s19] =	ssyncset.done $0x0  }
0xb6: {  	s23 =	simm.s32 $0xBD0;
	[sflag:s19] =	ssyncadd.s32 $0xFFFF8300  }
0xb7: {  	[tilespmem:s15], [sflag:$0x1] =	stream.indirect.gather [hbm4b:s4+s14], $0x40, s23, s14, $0xb8;
	[tilespmem:$0x1F0C0] =	vst v63  }
0xb8: {  	_ =	swait.ge [sflag:s17], $0x7D00  }
0xb9: {  	[sflag:s17] =	ssyncset.done $0x0  }
0xba: {  	s24 =	simm.s32 $0x3330;
	[sflag:s17] =	ssyncadd.s32 $0xFFFF8300  }
0xbb: {  	[spmem:s2] =	stream.indirect.scatter.add.f32 [tilespmem:s15], [sflag:$0x3], $0x40, s24, s14, $0xb8;
	[tilespmem:$0x1F0C0] =	vst v63  }
0xbc: {  	_ =	swait.ge [sflag:s20], $0x7D00  }
0xbd: {  	[sflag:s20] =	ssyncset.done $0x0  }
0xbe: {  	s25 =	simm.s32 $0xDC8;
	[sflag:s20] =	ssyncadd.s32 $0xFFFF8300  }
0xbf: {  	[tilespmem:s16], [sflag:$0x2] =	stream.indirect.gather [hbm4b:s4+s14], $0x40, s25, s14, $0xb8;
	[tilespmem:$0x1F0C0] =	vst v63  }
0xc0: {  	_ =	swait.ge [sflag:s18], $0x7D00  }
0xc1: {  	[sflag:s18] =	ssyncset.done $0x0  }
0xc2: {  	s23 =	simm.s32 $0x3528;
	[sflag:s18] =	ssyncadd.s32 $0xFFFF8300  }
0xc3: {  	[spmem:s2] =	stream.indirect.scatter.add.f32 [tilespmem:s16], [sflag:$0x4], $0x40, s23, s14, $0xb8;
	[tilespmem:$0x1F0C0] =	vst v63  }
0xc4: {  	_ =	swait.ge [sflag:s19], $0x7D00  }
0xc5: {  	[sflag:s19] =	ssyncset.done $0x0  }
0xc6: {  	s24 =	simm.s32 $0xFC0;
	[sflag:s19] =	ssyncadd.s32 $0xFFFF8300  }
0xc7: {  	[tilespmem:s15], [sflag:$0x1] =	stream.indirect.gather [hbm4b:s4+s14], $0x40, s24, s14, $0xb8;
	[tilespmem:$0x1F0C0] =	vst v63  }
0xc8: {  	_ =	swait.ge [sflag:s17], $0x7D00  }
0xc9: {  	[sflag:s17] =	ssyncset.done $0x0  }
0xca: {  	s25 =	simm.s32 $0x3720;
	[sflag:s17] =	ssyncadd.s32 $0xFFFF8300  }
0xcb: {  	[spmem:s2] =	stream.indirect.scatter.add.f32 [tilespmem:s15], [sflag:$0x3], $0x40, s25, s14, $0xb8;
	[tilespmem:$0x1F0C0] =	vst v63  }
0xcc: {  	_ =	swait.ge [sflag:s20], $0x7D00  }
0xcd: {  	[sflag:s20] =	ssyncset.done $0x0  }
0xce: {  	s23 =	simm.s32 $0x11B8;
	[sflag:s20] =	ssyncadd.s32 $0xFFFF8300  }
0xcf: {  	[tilespmem:s16], [sflag:$0x2] =	stream.indirect.gather [hbm4b:s4+s14], $0x40, s23, s14, $0xb8;
	[tilespmem:$0x1F0C0] =	vst v63  }
0xd0: {  	_ =	swait.ge [sflag:s18], $0x7D00  }
0xd1: {  	[sflag:s18] =	ssyncset.done $0x0  }
0xd2: {  	s24 =	simm.s32 $0x3918;
	[sflag:s18] =	ssyncadd.s32 $0xFFFF8300  }
0xd3: {  	[spmem:s2] =	stream.indirect.scatter.add.f32 [tilespmem:s16], [sflag:$0x4], $0x40, s24, s14, $0xb8;
	[tilespmem:$0x1F0C0] =	vst v63  }
0xd4: {  	_ =	swait.ge [sflag:s19], $0x7D00  }
0xd5: {  	[sflag:s19] =	ssyncset.done $0x0  }
0xd6: {  	s25 =	simm.s32 $0x13B0;
	[sflag:s19] =	ssyncadd.s32 $0xFFFF8300  }
0xd7: {  	[tilespmem:s15], [sflag:$0x1] =	stream.indirect.gather [hbm4b:s4+s14], $0x40, s25, s14, $0xb8;
	[tilespmem:$0x1F0C0] =	vst v63  }
0xd8: {  	_ =	swait.ge [sflag:s17], $0x7D00  }
0xd9: {  	[sflag:s17] =	ssyncset.done $0x0  }
0xda: {  	s23 =	simm.s32 $0x3B10;
	[sflag:s17] =	ssyncadd.s32 $0xFFFF8300  }
0xdb: {  	[spmem:s2] =	stream.indirect.scatter.add.f32 [tilespmem:s15], [sflag:$0x3], $0x40, s23, s14, $0xb8;
	[tilespmem:$0x1F0C0] =	vst v63  }
0xdc: {  	_ =	swait.ge [sflag:s20], $0x7D00  }
0xdd: {  	[sflag:s20] =	ssyncset.done $0x0  }
0xde: {  	s24 =	simm.s32 $0x15A8;
	[sflag:s20] =	ssyncadd.s32 $0xFFFF8300  }
0xdf: {  	[tilespmem:s16], [sflag:$0x2] =	stream.indirect.gather [hbm4b:s4+s14], $0x40, s24, s14, $0xb8;
	[tilespmem:$0x1F0C0] =	vst v63  }
0xe0: {  	_ =	swait.ge [sflag:s18], $0x7D00  }
0xe1: {  	[sflag:s18] =	ssyncset.done $0x0  }
0xe2: {  	s25 =	simm.s32 $0x3D08;
	[sflag:s18] =	ssyncadd.s32 $0xFFFF8300  }
0xe3: {  	[spmem:s2] =	stream.indirect.scatter.add.f32 [tilespmem:s16], [sflag:$0x4], $0x40, s25, s14, $0xb8;
	[tilespmem:$0x1F0C0] =	vst v63  }
0xe4: {  	_ =	swait.ge [sflag:s19], $0x7D00  }
0xe5: {  	[sflag:s19] =	ssyncset.done $0x0  }
0xe6: {  	s23 =	simm.s32 $0x17A0;
	[sflag:s19] =	ssyncadd.s32 $0xFFFF8300  }
0xe7: {  	[tilespmem:s15], [sflag:$0x1] =	stream.indirect.gather [hbm4b:s4+s14], $0x40, s23, s14, $0xb8;
	[tilespmem:$0x1F0C0] =	vst v63  }
0xe8: {  	_ =	swait.ge [sflag:s17], $0x7D00  }
0xe9: {  	[sflag:s17] =	ssyncset.done $0x0  }
0xea: {  	s24 =	simm.s32 $0x3F00;
	[sflag:s17] =	ssyncadd.s32 $0xFFFF8300  }
0xeb: {  	[spmem:s2] =	stream.indirect.scatter.add.f32 [tilespmem:s15], [sflag:$0x3], $0x40, s24, s14, $0xb8;
	[tilespmem:$0x1F0C0] =	vst v63  }
0xec: {  	_ =	swait.ge [sflag:s20], $0x7D00  }
0xed: {  	[sflag:s20] =	ssyncset.done $0x0  }
0xee: {  	s25 =	simm.s32 $0x1998;
	[sflag:s20] =	ssyncadd.s32 $0xFFFF8300  }
0xef: {  	[tilespmem:s16], [sflag:$0x2] =	stream.indirect.gather [hbm4b:s4+s14], $0x40, s25, s14, $0xb8;
	[tilespmem:$0x1F0C0] =	vst v63  }
0xf0: {  	_ =	swait.ge [sflag:s18], $0x7D00  }
0xf1: {  	[sflag:s18] =	ssyncset.done $0x0  }
0xf2: {  	s23 =	simm.s32 $0x40F8;
	[sflag:s18] =	ssyncadd.s32 $0xFFFF8300  }
0xf3: {  	[spmem:s2] =	stream.indirect.scatter.add.f32 [tilespmem:s16], [sflag:$0x4], $0x40, s23, s14, $0xb8;
	[tilespmem:$0x1F0C0] =	vst v63  }
0xf4: {  	_ =	swait.ge [sflag:s19], $0x7D00  }
0xf5: {  	[sflag:s19] =	ssyncset.done $0x0  }
0xf6: {  	s24 =	simm.s32 $0x1B90;
	[sflag:s19] =	ssyncadd.s32 $0xFFFF8300  }
0xf7: {  	[tilespmem:s15], [sflag:$0x1] =	stream.indirect.gather [hbm4b:s4+s14], $0x40, s24, s14, $0xb8;
	[tilespmem:$0x1F0C0] =	vst v63  }
0xf8: {  	_ =	swait.ge [sflag:s17], $0x7D00  }
0xf9: {  	[sflag:s17] =	ssyncset.done $0x0  }
0xfa: {  	s25 =	simm.s32 $0x42F0;
	[sflag:s17] =	ssyncadd.s32 $0xFFFF8300  }
0xfb: {  	[spmem:s2] =	stream.indirect.scatter.add.f32 [tilespmem:s15], [sflag:$0x3], $0x40, s25, s14, $0xb8;
	[tilespmem:$0x1F0C0] =	vst v63  }
0xfc: {  	_ =	swait.ge [sflag:s20], $0x7D00  }
0xfd: {  	[sflag:s20] =	ssyncset.done $0x0  }
0xfe: {  	s23 =	simm.s32 $0x1D88;
	[sflag:s20] =	ssyncadd.s32 $0xFFFF8300  }
0xff: {  	[tilespmem:s16], [sflag:$0x2] =	stream.indirect.gather [hbm4b:s4+s14], $0x40, s23, s14, $0xb8;
	[tilespmem:$0x1F0C0] =	vst v63  }
0x100: {  	_ =	swait.ge [sflag:s18], $0x7D00  }
0x101: {  	[sflag:s18] =	ssyncset.done $0x0  }
0x102: {  	s24 =	simm.s32 $0x44E8;
	[sflag:s18] =	ssyncadd.s32 $0xFFFF8300  }
0x103: {  	[spmem:s2] =	stream.indirect.scatter.add.f32 [tilespmem:s16], [sflag:$0x4], $0x40, s24, s14, $0xb8;
	[tilespmem:$0x1F0C0] =	vst v63  }
0x104: {  	_ =	swait.ge [sflag:s19], $0x7D00  }
0x105: {  	[sflag:s19] =	ssyncset.done $0x0  }
0x106: {  	s25 =	simm.s32 $0x1F80;
	[sflag:s19] =	ssyncadd.s32 $0xFFFF8300  }
0x107: {  	[tilespmem:s15], [sflag:$0x1] =	stream.indirect.gather [hbm4b:s4+s14], $0x40, s25, s14, $0xb8;
	[tilespmem:$0x1F0C0] =	vst v63  }
0x108: {  	_ =	swait.ge [sflag:s17], $0x7D00  }
0x109: {  	[sflag:s17] =	ssyncset.done $0x0  }
0x10a: {  	s23 =	simm.s32 $0x46E0;
	[sflag:s17] =	ssyncadd.s32 $0xFFFF8300  }
0x10b: {  	[spmem:s2] =	stream.indirect.scatter.add.f32 [tilespmem:s15], [sflag:$0x3], $0x40, s23, s14, $0xb8;
	[tilespmem:$0x1F0C0] =	vst v63  }
0x10c: {  	_ =	swait.ge [sflag:s20], $0x7D00  }
0x10d: {  	[sflag:s20] =	ssyncset.done $0x0  }
0x10e: {  	s24 =	simm.s32 $0x2178;
	[sflag:s20] =	ssyncadd.s32 $0xFFFF8300  }
0x10f: {  	[tilespmem:s16], [sflag:$0x2] =	stream.indirect.gather [hbm4b:s4+s14], $0x40, s24, s14, $0xb8;
	[tilespmem:$0x1F0C0] =	vst v63  }
0x110: {  	_ =	swait.ge [sflag:s18], $0x7D00  }
0x111: {  	[sflag:s18] =	ssyncset.done $0x0  }
0x112: {  	s25 =	simm.s32 $0x48D8;
	[sflag:s18] =	ssyncadd.s32 $0xFFFF8300  }
0x113: {  	[spmem:s2] =	stream.indirect.scatter.add.f32 [tilespmem:s16], [sflag:$0x4], $0x40, s25, s14, $0xb8;
	[tilespmem:$0x1F0C0] =	vst v63  }
0x114: {  	_ =	swait.ge [sflag:s19], $0x7D00  }
0x115: {  	[sflag:s19] =	ssyncset.done $0x0  }
0x116: {  	s23 =	simm.s32 $0x2370;
	[sflag:s19] =	ssyncadd.s32 $0xFFFF8300  }
0x117: {  	[tilespmem:s15], [sflag:$0x1] =	stream.indirect.gather [hbm4b:s4+s14], $0x40, s23, s14, $0xb8;
	[tilespmem:$0x1F0C0] =	vst v63  }
0x118: {  	_ =	swait.ge [sflag:s17], $0x7D00  }
0x119: {  	[sflag:s17] =	ssyncset.done $0x0  }
0x11a: {  	s24 =	simm.s32 $0x4AD0;
	[sflag:s17] =	ssyncadd.s32 $0xFFFF8300  }
0x11b: {  	[spmem:s2] =	stream.indirect.scatter.add.f32 [tilespmem:s15], [sflag:$0x3], $0x40, s24, s14, $0xb8;
	[tilespmem:$0x1F0C0] =	vst v63  }
0x11c: {  	_ =	swait.ge [sflag:s20], $0x7D00  }
0x11d: {  	[sflag:s20] =	ssyncset.done $0x0  }
0x11e: {  	s25 =	simm.s32 $0x2568;
	[sflag:s20] =	ssyncadd.s32 $0xFFFF8300  }
0x11f: {  	[tilespmem:s16], [sflag:$0x2] =	stream.indirect.gather [hbm4b:s4+s14], $0x40, s25, s14, $0xb8;
	[tilespmem:$0x1F0C0] =	vst v63  }
0x120: {  	_ =	swait.ge [sflag:s18], $0x7D00  }
0x121: {  	[sflag:s18] =	ssyncset.done $0x0  }
0x122: {  	s23 =	simm.s32 $0x4CC8;
	[sflag:s18] =	ssyncadd.s32 $0xFFFF8300  }
0x123: {  	[spmem:s2] =	stream.indirect.scatter.add.f32 [tilespmem:s16], [sflag:$0x4], $0x40, s23, s14, $0xb8;
	[tilespmem:$0x1F0C0] =	vst v63  }
0x124: {  	_ =	swait.ge [sflag:s19], $0x7D00  }
0x125: {  	[sflag:s19] =	ssyncset.done $0x0  }
0x126: {  	[sflag:s19] =	ssyncadd.s32 $0xFFFF8300  }
0x127: {  	_ =	swait.ge [sflag:s20], $0x7D00  }
0x128: {  	[sflag:s20] =	ssyncset.done $0x0  }
0x129: {  	[sflag:s20] =	ssyncadd.s32 $0xFFFF8300  }
0x12a: {  	s24 =	stileid.u32;
	[bflag:$0x0] =	sbarrier.arrive $0xFFFF  }
0x12b: {  	s22 =	sshll.u32 s24, $0x6;
	s23 =	rddreg [dreg:$0x5]  }
0x12c: {  	s22 =	sor.u32 $0x1C05, s22;
	s25 =	rddreg [dreg:$0x12]  }
0x12d: {  	[hbm:s23], [sflag:s22] =	dma.local [spmem:s25], $0x400  }
0x12e: {  	_ =	swait.ge [sflag:s12], $0x400  }
0x12f: {  	[sflag:s12] =	ssyncset.done $0x0;
	s24 =	rddreg [dreg:$0x6]  }
0x130: {  	s25 =	rddreg [dreg:$0x13];
	[sflag:s12] =	ssyncadd.s32 $0xFFFFFC00  }
0x131: {  	[hbm:s24], [sflag:s22] =	dma.local [spmem:s25], $0x400  }
0x132: {  	_ =	swait.ge [sflag:s12], $0x400  }
0x133: {  	[sflag:s12] =	ssyncset.done $0x0;
	s24 =	rddreg [dreg:$0x7]  }
0x134: {  	s25 =	rddreg [dreg:$0x14];
	[sflag:s12] =	ssyncadd.s32 $0xFFFFFC00  }
0x135: {  	[hbm:s24], [sflag:s22] =	dma.local [spmem:s25], $0x400  }
0x136: {  	_ =	swait.ge [sflag:s12], $0x400  }
0x137: {  	[sflag:s12] =	ssyncset.done $0x0;
	s24 =	rddreg [dreg:$0x8]  }
0x138: {  	s25 =	rddreg [dreg:$0x15];
	[sflag:s12] =	ssyncadd.s32 $0xFFFFFC00  }
0x139: {  	[hbm:s24], [sflag:s22] =	dma.local [spmem:s25], $0x400  }
0x13a: {  	_ =	swait.ge [sflag:s12], $0x400  }
0x13b: {  	[sflag:s12] =	ssyncset.done $0x0;
	s24 =	rddreg [dreg:$0x9]  }
0x13c: {  	s25 =	rddreg [dreg:$0x16];
	[sflag:s12] =	ssyncadd.s32 $0xFFFFFC00  }
0x13d: {  	[hbm:s24], [sflag:s22] =	dma.local [spmem:s25], $0x400  }
0x13e: {  	_ =	swait.ge [sflag:s12], $0x400  }
0x13f: {  	s21 =	sadd.s32 $0x1, s21;
	s25 =	rddreg [dreg:$0xa]  }
0x140: {  	p0 =	sne.s32 s21, s25  }
.Ltmp1:
0x141: {  	_ = 	snop;
	(pc) =	sbr.rel @p0 .LBB2_1-.Ltmp1, $3  }
0x142: {  	_ =	sdelay $0x1  }
0x143: {  	[sflag:s12] =	ssyncset.done $0x0  }
0x144: {  	[sflag:s12] =	ssyncadd.s32 $0xFFFFFC00  }
0x145: {  	_ =	sfence.sel $0x180000  }
0x146: {  	[bflag:$0x0] =	sbarrier.arrive $0xFFFF  }
0x147: {  	_ =	strace $0x9000004A  }
0x148: {  	s0 =	stileid.u32;
	[bflag:$0x2] =	sbarrier.arrive $0xFFFF  }
0x149: {  	p0 =	sne.s32 s0, $0x0;
	s0 =	rddreg [dreg:$0x2]  }
0x14a: {  	s0 =	sadd.s32 @!p0 $0x100000, s0  }
0x14b: {  	[sflag:s0] =	ssyncadd.tile.s32 @!p0 $0x1;
	_ =	shalt  }
.Lfunc_end2:
_tile_overlayer_lowered:
.L_overlay_start_2:
0x14c: {  	(tag) =	ssettag $0x2  }
0x14d: {  	s0 =	rddreg [dreg:$0x0];
	s2 =	stileid.u32  }
0x14e: {  	s1 =	rddreg [dreg:$0x1];
	p0 =	sne.s32 s2, $0x0  }
0x14f: {  	s3 =	rddreg [dreg:$0x2];
	[bflag:$0x3] =	sbarrier.arrive $0xFFFF;
	s2 =	simm.s32 @!p0 $0x1C05  }
0x150: {  	[timem:s3], [sflag:s2] =	dma.local @!p0 [hbm:s0], s1  }
0x151: {  	s0 =	simm.s32 @!p0 $0x5  }
0x152: {  	_ =	swait.ge @!p0 [sflag:s0], s1  }
0x153: {  	s1 =	ssub.s32 @!p0 $0x0, s1;
	[sflag:s0] =	ssyncset.done @!p0 $0x0  }
0x154: {  	[sflag:s0] =	ssyncadd.s32 @!p0 s1  }
0x155: {  	[bflag:$0x3] =	sbarrier.arrive $0xFFFF  }
0x156: {  	_ =	shalt  }

// kernel: kernel.14.cloned.1.call-start
scs
__scs_entry_jumppad:
0x0: {  	(pc) =	sbr.rel $0x88, $3  }
0x1: {  	(tag) =	ssettag $0x0;
	lr =	simm.s32 $0x1  }
0x2: {  	[smem:$0x3F99] =	sst lr;
	_ =	strace $0xD0000000  }
0x3: {  	_ = 	snop  }
0x4: {  	_ = 	snop  }
0x5: {  	_ = 	snop  }
0x6: {  	_ = 	snop  }
0x7: {  	_ = 	snop  }
__scs_overlays_trampoline_lowered:
0x8: {  	[smem:$0x3FA8] =	sst s0  }
0x9: {  	[smem:$0x3FA9] =	sst s1  }
0xa: {  	[smem:$0x3FAA] =	sst s2  }
0xb: {  	[smem:$0x3FAB] =	sst s3  }
0xc: {  	[smem:$0x3FAC] =	sst s4  }
0xd: {  	[smem:$0x3FAD] =	sst s5  }
0xe: {  	[smem:$0x3FAE] =	sst s6  }
0xf: {  	[smem:$0x3FAF] =	sst s7  }
0x10: {  	[smem:$0x3FB0] =	sst s8  }
0x11: {  	[smem:$0x3FB1] =	sst s9;
	s0 =	simm.s32 @!p0 $0x0  }
0x12: {  	s1 =	sld [smem:$0x3F97];
	s0 =	simm.s32 @p0 $0x1  }
0x13: {  	[smem:$0x3FB2] =	sst s0;
	s0 =	simm.s32 @!p1 $0x0  }
0x14: {  	s2 =	sld [smem:$0x3F96];
	s0 =	simm.s32 @p1 $0x1  }
0x15: {  	[smem:$0x3FB3] =	sst s0;
	s0 =	simm.s32 @!p2 $0x0  }
0x16: {  	s3 =	sld [smem:$0x3FDB];
	s0 =	simm.s32 @p2 $0x1  }
0x17: {  	s4 =	simm.s32 $0x1BF5;
	[smem:$0x3FB5] =	sst s0  }
0x18: {  	s0 =	sld [smem:$0x3F98];
	_ =	swait.ge [sflag:s4], $0x0  }
0x19: {  	s7 =	sld [smem:$0x3F99]  }
0x1a: {  	s8 =	sadd.s32 $0xFFFFE003, lr  }
0x1b: {  	s9 =	sadd.s32 $0xFFFFFEF7, lr;
	s5 =	simm.s32 $0xFFFFFFFF;
	p2 =	slt.u32 s8, $0xFFFFF086  }
0x1c: {  	p1 =	slt.u32 s9, $0xF7A;
	s5 =	simm.s32 @!p2 $0x0  }
0x1d: {  	s5 =	simm.s32 @p1 $0x1;
	p0 =	seq.s32 s7, s2  }
0x1e: {  	s7 =	smul.u32 @!p0 $0xF7A, s2;
	p2 =	seq.s32 @!p0 s5, $0x0  }
0x1f: {  	s9 =	smul.u32 $0xF7A, s1;
	s8 =	simm.s32 @!p0 $0x1BF5;
	p2 =	por !p2, p0  }
0x20: {  	[sflag:s8] =	ssyncset.s32 @!p0 $0xFFFFF086;
	s6 =	sadd.s32 @!p0 s3, s7;
	s7 =	simm.s32 @!p0 $0x108  }
0x21: {  	s3 =	sadd.s32 s3, s9;
	s6 =	sadd.s32 @!p0 $0x88, s6;
	s7 =	simm.s32 @p2 $0x1082  }
0x22: {  	[simem:s7], [sflag:s8] =	dma.local @!p0 [hbm:s6], $0xF7A  }
0x23: {  	s9 =	sor.u32 $0xD0000000, s2;
	s6 =	simm.s32 $0x108;
	_ =	swait.ge @!p0 [sflag:s8], $0x0  }
0x24: {  	s3 =	sadd.s32 $0x88, s3;
	s6 =	simm.s32 @!p1 $0x1082;
	[sflag:s4] =	ssyncset.s32 $0xFFFFF086  }
0x25: {  	[simem:s6], [sflag:s4] =	dma.local [hbm:s3], $0xF7A  }
0x26: {  	[smem:$0x3F99] =	sst s1;
	(tag) =	ssettag s2;
	_ =	strace s9  }
0x27: {  	s1 =	sld [smem:$0x3FA9]  }
0x28: {  	s2 =	sld [smem:$0x3FAA]  }
0x29: {  	s4 =	sld [smem:$0x3FAC]  }
0x2a: {  	p0 =	seq.s32 s5, $0x0;
	s5 =	sld [smem:$0x3FAD]  }
0x2b: {  	s6 =	sld [smem:$0x3FAE]  }
0x2c: {  	s7 =	sld [smem:$0x3FAF]  }
0x2d: {  	s3 =	simm.s32 $0x108;
	s8 =	sld [smem:$0x3FB0]  }
0x2e: {  	s3 =	simm.s32 @!p0 $0x1082;
	s9 =	sld [smem:$0x3FB1]  }
0x2f: {  	lr =	sadd.s32 s0, s3;
	s0 =	sld [smem:$0x3FA8]  }
0x30: {  	s3 =	sld [smem:$0x3FAB]  }
0x31: {  	[smem:$0x3FB4] =	sst s10  }
0x32: {  	s10 =	sld [smem:$0x3FB2];
	_ =	sdelay $0x3  }
0x33: {  	p0 =	seq.s32 s10, $0x1;
	s10 =	sld [smem:$0x3FB4];
	_ =	sdelay $0x3  }
0x34: {  	[smem:$0x3FB4] =	sst s10  }
0x35: {  	s10 =	sld [smem:$0x3FB3];
	_ =	sdelay $0x3  }
0x36: {  	p1 =	seq.s32 s10, $0x1;
	s10 =	sld [smem:$0x3FB4];
	_ =	sdelay $0x3  }
0x37: {  	[smem:$0x3FB4] =	sst s10  }
0x38: {  	s10 =	sld [smem:$0x3FB5]  }
0x39: {  	_ = 	snop;
	(pc) =	sbr.ind lr, $3  }
0x3a: {  	_ = 	snop  }
0x3b: {  	_ = 	snop  }
0x3c: {  	p2 =	seq.s32 s10, $0x1;
	s10 =	sld [smem:$0x3FB4]  }
0x3d: {  	_ =	shalt  }
0x3e: {  	_ =	shalt  }
0x3f: {  	_ =	shalt  }
0x40: {  	_ =	shalt  }
0x41: {  	_ =	shalt  }
0x42: {  	_ =	shalt  }
0x43: {  	_ =	shalt  }
0x44: {  	_ =	shalt  }
0x45: {  	_ =	shalt  }
0x46: {  	_ =	shalt  }
0x47: {  	_ =	shalt  }
0x48: {  	_ =	shalt  }
0x49: {  	_ =	shalt  }
0x4a: {  	_ =	shalt  }
0x4b: {  	_ =	shalt  }
0x4c: {  	_ =	shalt  }
0x4d: {  	_ =	shalt  }
0x4e: {  	_ =	shalt  }
0x4f: {  	_ =	shalt  }
0x50: {  	_ =	shalt  }
0x51: {  	_ =	shalt  }
0x52: {  	_ =	shalt  }
0x53: {  	_ =	shalt  }
0x54: {  	_ =	shalt  }
0x55: {  	_ =	shalt  }
0x56: {  	_ =	shalt  }
0x57: {  	_ =	shalt  }
0x58: {  	_ =	shalt  }
0x59: {  	_ =	shalt  }
0x5a: {  	_ =	shalt  }
0x5b: {  	_ =	shalt  }
0x5c: {  	_ =	shalt  }
0x5d: {  	_ =	shalt  }
0x5e: {  	_ =	shalt  }
0x5f: {  	_ =	shalt  }
0x60: {  	_ =	shalt  }
0x61: {  	_ =	shalt  }
0x62: {  	_ =	shalt  }
0x63: {  	_ =	shalt  }
0x64: {  	_ =	shalt  }
0x65: {  	_ =	shalt  }
0x66: {  	_ =	shalt  }
0x67: {  	_ =	shalt  }
0x68: {  	_ =	shalt  }
0x69: {  	_ =	shalt  }
0x6a: {  	_ =	shalt  }
0x6b: {  	_ =	shalt  }
0x6c: {  	_ =	shalt  }
0x6d: {  	_ =	shalt  }
0x6e: {  	_ =	shalt  }
0x6f: {  	_ =	shalt  }
0x70: {  	_ =	shalt  }
0x71: {  	_ =	shalt  }
0x72: {  	_ =	shalt  }
0x73: {  	_ =	shalt  }
0x74: {  	_ =	shalt  }
0x75: {  	_ =	shalt  }
0x76: {  	_ =	shalt  }
0x77: {  	_ =	shalt  }
0x78: {  	_ =	shalt  }
0x79: {  	_ =	shalt  }
0x7a: {  	_ =	shalt  }
0x7b: {  	_ =	shalt  }
0x7c: {  	_ =	shalt  }
0x7d: {  	_ =	shalt  }
0x7e: {  	_ =	shalt  }
0x7f: {  	_ =	shalt  }
0x80: {  	_ =	shalt  }
0x81: {  	_ =	shalt  }
0x82: {  	_ =	shalt  }
0x83: {  	_ =	shalt  }
0x84: {  	_ =	shalt  }
0x85: {  	_ =	shalt  }
0x86: {  	_ =	shalt  }
0x87: {  	_ =	shalt  }
.Lfunc_end0:
.L_simem_size_0:
called_computation.2_lowered:
.L_overlay_start_0:
0x88: {  	s2 =	sld [smem:$0x3FD9]  }
0x89: {  	s3 =	sld [smem:$0x3FFE];
	_ =	sdelay $0x1  }
0x8a: {  	s1 =	srdreg.scid  }
0x8b: {  	s0 =	sand.u32 $0x1, s1  }
0x8c: {  	s16 =	sshll.u32 s0, $0xA;
	s2 =	sadd.s32 s3, s2  }
0x8d: {  	s2 =	sadd.s32 s2, s16  }
0x8e: {  	[smem:$0x3FC0] =	sst s2  }
0x8f: {  	_ = 	snop  }
0x90: {  	(tm) =	ssettm $0x1  }
0x91: {  	s17 =	sld [smem:$0x3FFB];
	_ =	sdelay $0x3  }
0x92: {  	_ =	strace s17  }
0x93: {  	s2 =	sld [smem:$0x3FFC];
	_ =	sdelay $0x3  }
0x94: {  	_ =	strace s2  }
0x95: {  	s2 =	sld [smem:$0x3FFD];
	_ =	sdelay $0x3  }
0x96: {  	_ =	strace s2  }
0x97: {  	_ =	strace $0x8FFFFFFF  }
0x98: {  	s18 =	sld [smem:$0x3FDB];
	_ =	sdelay $0x1  }
0x99: {  	s19 =	simm.s32 $_scs_section_size  }
0x9a: {  	s4 =	simm.s32 $_size__tile_overlayer_lowered;
	s5 =	simm.s32 $_tile_overlayer_lowered  }
0x9b: {  	s22 =	simm.s32 $0x1BFF;
	s21 =	sshll.u32 s5, $0x1;
	s2 =	sadd.s32 s19, s18  }
0x9c: {  	s6 =	simm.s32 $0x0;
	s20 =	sshll.u32 s4, $0x1;
	s4 =	sadd.s32 s21, s2  }
0x9d: {  	[timem:s6], [sflag:s22] =	dma.local [hbm:s4], s20  }
0x9e: {  	_ =	swait.ge [sflag:s22], s20  }
0x9f: {  	s3 =	ssub.s32 $0x0, s20;
	[sflag:s22] =	ssyncset.done $0x0  }
0xa0: {  	[sflag:s22] =	ssyncadd.s32 s3;
	_ =	sdelay $0x1  }
0xa1: {  	s23 =	simm.s32 $0x1B8B  }
0xa2: {  	_ =	swait.ge [sflag:s23], $0x1  }
0xa3: {  	[sflag:s23] =	ssyncset.done $0x0  }
0xa4: {  	s25 =	simm.s32 $0x1B8E;
	s24 =	sld [smem:$0x3FFE];
	[sflag:s23] =	ssyncadd.s32 $0xFFFFFFFF  }
0xa5: {  	s26 =	simm.s32 $execute0_lowered;
	[smem:$0x3FD2] =	sst s25  }
0xa6: {  	s4 =	sshll.u32 s26, $0x1;
	_ =	strace $0x8000004C;
	[dreg:$0x1] =	wrdreg $0xFFFFFFFF  }
0xa7: {  	s28 =	simm.s32 $_size_execute0_lowered;
	s2 =	sadd.s32 s2, s4;
	[dreg:$0x0] =	wrdreg $0x0  }
0xa8: {  	s4 =	sshll.u32 s28, $0x1;
	[dreg:$0x2] =	wrdreg s2  }
0xa9: {  	[dreg:$0x3] =	wrdreg s4  }
0xaa: {  	[dreg:$0x4] =	wrdreg $0xC0  }
0xab: {  	_ =	task [dreg:s6], $0x5FFFF  }
0xac: {  	[dreg:$0x1] =	wrdreg $0xFFFFFFFF  }
0xad: {  	[dreg:$0x0] =	wrdreg $0x60  }
0xae: {  	[dreg:$0x2] =	wrdreg s24  }
0xaf: {  	[dreg:$0x3] =	wrdreg $0xCFC00  }
0xb0: {  	[dreg:$0x4] =	wrdreg $0x9  }
0xb1: {  	_ =	task.clear_ibuf [dreg:s6], $0x5FFFF;
	_ =	strace $0x9000004C  }
0xb2: {  	s29 =	simm.s32 $0x9;
	_ =	strace $0x8000004E  }
0xb3: {  	_ =	swait.ge [sflag:s29], $0x1  }
0xb4: {  	[sflag:s29] =	ssyncadd.s32 $0xFFFFFFFF  }
0xb5: {  	_ =	strace $0x9000004E  }
0xb6: {  	_ =	sfence  }
0xb7: {  	s30 =	sld [smem:$0x0];
	_ =	sdelay $0x2  }
0xb8: {  	s31 =	sshll.u32 s1, $0xD;
	s1 =	sshrl.u32 s1, $0x2  }
0xb9: {  	s3 =	sand.u32 $0x4000, s31;
	s1 =	sadd.s32 s1, s30  }
0xba: {  	s0 =	sor.u32 s3, s0;
	s1 =	sshll.u32 s1, $0x11  }
0xbb: {  	s0 =	sor.u32 s1, s0  }
0xbc: {  	s0 =	sadd.s32 $0x8F2B, s0  }
0xbd: {  	[sflag:s0] =	ssyncadd.remote.s32 $0x1  }
0xbe: {  	_ =	sfence.sel $0xFFFF  }
0xbf: {  	[dreg:$0x0] =	wrdreg $0xFFFFFFFF;
	(pc) =	sbr.abs _section_cstart, $3  }
0xc0: {  	[dreg:$0x1] =	wrdreg $0xFFFFFFFF  }
0xc1: {  	_ =	task.clear_ibuf [dreg:s6], $0x2FFFF;
	_ =	strace $0x9FFFFFFF  }
0xc2: {  	(tm) =	ssettm $0x7FFFFFFF  }
0xc3: {  	_ =	shalt  }
tec
execute0_lowered:
.L_overlay_start_1:
0x0: {  	(tag) =	ssettag $0x1  }
0x1: {  	s0 =	srdreg.scid;
	s9 =	stileid.u32  }
0x2: {  	s1 =	rddreg [dreg:$0x0];
	s0 =	sand.u32 $0x1, s0;
	s6 =	smul.u32 $0x14000, s9  }
0x3: {  	s2 =	rddreg [dreg:$0x1];
	s3 =	sshll.u32 s0, $0x4;
	s7 =	smul.u32 $0x50000, s0  }
0x4: {  	s0 =	ssub.s32 $0x2, s0;
	s4 =	sor.u32 s9, s3;
	s3 =	simm.s32 $0x0  }
0x5: {  	s9 =	smul.u32 $0x5000, s9;
	s19 =	sshrl.u32 s0, $0x1;
	s6 =	sshrl.u32 s6, $0x2  }
0x6: {  	s5 =	smul.u32 $0x4EC, s4;
	[smem:$0x7FF] =	sst s3;
	s4 =	sadd.s32 $0x15C00, s1  }
0x7: {  	s0 =	ssub.s32 s0, s19;
	_ =	strace $0x8000004D;
	s20 =	sadd.s32 s9, s7  }
0x8: {  	s21 =	sadd.s32 $0x1000, s9;
	s23 =	sadd.s32 s9, s2;
	s11 =	sadd.s32 $0x2000, s9  }
0x9: {  	s12 =	sadd.s32 $0x3000, s9;
	s9 =	sadd.s32 $0x4000, s9;
	s0 =	smax.u32 s0, $0x1  }
0xa: {  	s8 =	sadd.s32 s5, s1;
	s1 =	sadd.s32 $0x1FA00, s1;
	s5 =	sadd.s32 s6, s2  }
0xb: {  	s6 =	sshrl.u32 s20, $0x3;
	s22 =	sadd.s32 s7, s21;
	s24 =	sadd.s32 s21, s2  }
0xc: {  	s25 =	sadd.s32 s7, s11;
	s26 =	sadd.s32 s7, s12;
	s7 =	sadd.s32 s7, s9  }
0xd: {  	s11 =	sadd.s32 s11, s2;
	s13 =	sadd.s32 s12, s2;
	s14 =	sadd.s32 s9, s2  }
0xe: {  	[dreg:$0xa] =	wrdreg s0;
	s12 =	simm.s32 $0x5;
	s10 =	sadd.s32 $0xBE00, s8  }
0xf: {  	s8 =	sadd.s32 $0x1600, s8;
	s6 =	sadd.s32 s1, s6;
	[dreg:$0x3] =	wrdreg s10  }
0x10: {  	s7 =	sshrl.u32 s7, $0x3;
	s15 =	sadd.s32 $0x400, s5;
	[dreg:$0x4] =	wrdreg s8  }
0x11: {  	s16 =	sadd.s32 $0x800, s5;
	s17 =	sadd.s32 $0xC00, s5;
	[dreg:$0x5] =	wrdreg s6  }
0x12: {  	s18 =	sadd.s32 $0x1000, s5;
	s19 =	sadd.s32 $0x1400, s5;
	[dreg:$0xb] =	wrdreg s15  }
0x13: {  	s20 =	sadd.s32 $0x1800, s5;
	s21 =	sadd.s32 $0x1C00, s5;
	[dreg:$0xc] =	wrdreg s16  }
0x14: {  	s28 =	sadd.s32 $0x2400, s5;
	s29 =	sadd.s32 $0x2800, s5;
	[dreg:$0xd] =	wrdreg s17  }
0x15: {  	s30 =	sadd.s32 $0x2C00, s5;
	s31 =	sadd.s32 $0x3000, s5;
	[dreg:$0xe] =	wrdreg s18  }
0x16: {  	s0 =	sadd.s32 $0x3800, s5;
	s9 =	sadd.s32 $0x4800, s5;
	[dreg:$0xf] =	wrdreg s19  }
0x17: {  	s6 =	sshrl.u32 s22, $0x3;
	s10 =	sshrl.u32 s25, $0x3;
	[dreg:$0x10] =	wrdreg s20  }
0x18: {  	[dreg:$0x11] =	wrdreg s21;
	s22 =	sshrl.u32 s23, $0x3;
	s23 =	sshrl.u32 s24, $0x3  }
0x19: {  	s24 =	sshrl.u32 s11, $0x3;
	s25 =	sshrl.u32 s13, $0x3;
	s8 =	sadd.s32 $0x4400, s5  }
0x1a: {  	s11 =	simm.s32 $0xCBC0;
	s13 =	simm.s32 $0x2760;
	[dreg:$0x12] =	wrdreg s22  }
0x1b: {  	s15 =	simm.s32 $0x4EC0;
	s16 =	simm.s32 $0x8D40;
	[dreg:$0x13] =	wrdreg s23  }
0x1c: {  	s17 =	simm.s32 $0x1;
	s18 =	simm.s32 $0x2;
	[dreg:$0x14] =	wrdreg s24  }
0x1d: {  	s19 =	simm.s32 $0x3;
	s6 =	sadd.s32 s1, s6;
	[dreg:$0x15] =	wrdreg s25  }
0x1e: {  	s20 =	simm.s32 $0x4;
	s10 =	sadd.s32 s1, s10;
	[dreg:$0x6] =	wrdreg s6  }
0x1f: {  	s21 =	simm.s32 $0x0;
	[dreg:$0x7] =	wrdreg s10;
	s10 =	sshrl.u32 s26, $0x3  }
0x20: {  	s26 =	sshrl.u32 s14, $0x3;
	s6 =	sadd.s32 $0x3C00, s5;
	s14 =	simm.s32 $0x1F4  }
0x21: {  	s10 =	sadd.s32 s1, s10;
	s1 =	sadd.s32 s1, s7;
	[dreg:$0x16] =	wrdreg s26  }
0x22: {  	s26 =	sadd.s32 $0x2000, s5;
	s7 =	sadd.s32 $0x4000, s5;
	[dreg:$0x8] =	wrdreg s10  }
0x23: {  	v0 =	vimm.f32 $0.0e+00;
	[dreg:$0x9] =	wrdreg s1;
	s1 =	sadd.s32 $0x3400, s5;
	s10 =	sadd.s32 $0x4C00, s5  }
.LBB2_1:
0x24: {  	s22 =	sand.u32 $0xF80, s3  }
0x25: {  	s23 =	sand.u32 $0x10, s3;
	s24 =	sshrl.u32 s22, $0x2  }
0x26: {  	s22 =	simm.s32 $0x40;
	s24 =	sor.u32 s23, s24;
	s23 =	simm.s32 $0x0  }
.LBB2_2:
0x27: {  	p0 =	sne.s32 s22, $0xFC0  }
0x28: {  	[tilespmem:s24+$0xCBC0] =	vst v0;
	s23 =	sadd.s32 $0x10, s23;
	s24 =	smov.u32 s22;
	s22 =	sadd.s32 $0x40, s22  }
.Ltmp0:
0x29: {  	(pc) =	sbr.rel @p0 .LBB2_2-.Ltmp0, $4  }
0x2a: {  	_ = 	snop  }
0x2b: {  	s24 =	sand.u32 $0xF80, s24  }
0x2c: {  	s25 =	sand.u32 $0x10, s23;
	s24 =	sshrl.u32 s24, $0x2  }
0x2d: {  	s24 =	sor.u32 s25, s24  }
0x2e: {  	[tilespmem:s24+$0xCBC0] =	vst v0  }
0x2f: {  	[spmem:s5] =	stream.linear.scatter [tilespmem:s11], [sflag:$0x5], $0x400, $0x38;
	[tilespmem:$0x11FC0] =	vst v63  }
0x30: {  	_ =	swait.ge [sflag:s12], $0x400  }
0x31: {  	[sflag:s12] =	ssyncset.done $0x0  }
0x32: {  	s22 =	rddreg [dreg:$0xb];
	[sflag:s12] =	ssyncadd.s32 $0xFFFFFC00  }
0x33: {  	[spmem:s22] =	stream.linear.scatter [tilespmem:s11], [sflag:$0x5], $0x400, $0x38;
	[tilespmem:$0x11FC0] =	vst v63  }
0x34: {  	_ =	swait.ge [sflag:s12], $0x400  }
0x35: {  	[sflag:s12] =	ssyncset.done $0x0  }
0x36: {  	s23 =	rddreg [dreg:$0xc];
	[sflag:s12] =	ssyncadd.s32 $0xFFFFFC00  }
0x37: {  	[spmem:s23] =	stream.linear.scatter [tilespmem:s11], [sflag:$0x5], $0x400, $0x38;
	[tilespmem:$0x11FC0] =	vst v63  }
0x38: {  	_ =	swait.ge [sflag:s12], $0x400  }
0x39: {  	[sflag:s12] =	ssyncset.done $0x0  }
0x3a: {  	s24 =	rddreg [dreg:$0xd];
	[sflag:s12] =	ssyncadd.s32 $0xFFFFFC00  }
0x3b: {  	[spmem:s24] =	stream.linear.scatter [tilespmem:s11], [sflag:$0x5], $0x400, $0x38;
	[tilespmem:$0x11FC0] =	vst v63  }
0x3c: {  	_ =	swait.ge [sflag:s12], $0x400  }
0x3d: {  	[sflag:s12] =	ssyncset.done $0x0  }
0x3e: {  	s25 =	rddreg [dreg:$0xe];
	[sflag:s12] =	ssyncadd.s32 $0xFFFFFC00  }
0x3f: {  	[spmem:s25] =	stream.linear.scatter [tilespmem:s11], [sflag:$0x5], $0x400, $0x38;
	[tilespmem:$0x11FC0] =	vst v63  }
0x40: {  	_ =	swait.ge [sflag:s12], $0x400  }
0x41: {  	[sflag:s12] =	ssyncset.done $0x0  }
0x42: {  	s23 =	rddreg [dreg:$0xf];
	[sflag:s12] =	ssyncadd.s32 $0xFFFFFC00  }
0x43: {  	[spmem:s23] =	stream.linear.scatter [tilespmem:s11], [sflag:$0x5], $0x400, $0x38;
	[tilespmem:$0x11FC0] =	vst v63  }
0x44: {  	_ =	swait.ge [sflag:s12], $0x400  }
0x45: {  	[sflag:s12] =	ssyncset.done $0x0  }
0x46: {  	s24 =	rddreg [dreg:$0x10];
	[sflag:s12] =	ssyncadd.s32 $0xFFFFFC00  }
0x47: {  	[spmem:s24] =	stream.linear.scatter [tilespmem:s11], [sflag:$0x5], $0x400, $0x38;
	[tilespmem:$0x11FC0] =	vst v63  }
0x48: {  	_ =	swait.ge [sflag:s12], $0x400  }
0x49: {  	[sflag:s12] =	ssyncset.done $0x0  }
0x4a: {  	s25 =	rddreg [dreg:$0x11];
	[sflag:s12] =	ssyncadd.s32 $0xFFFFFC00  }
0x4b: {  	[spmem:s25] =	stream.linear.scatter [tilespmem:s11], [sflag:$0x5], $0x400, $0x38;
	[tilespmem:$0x11FC0] =	vst v63  }
0x4c: {  	_ =	swait.ge [sflag:s12], $0x400  }
0x4d: {  	[sflag:s12] =	ssyncset.done $0x0  }
0x4e: {  	[sflag:s12] =	ssyncadd.s32 $0xFFFFFC00  }
0x4f: {  	[spmem:s26] =	stream.linear.scatter [tilespmem:s11], [sflag:$0x5], $0x400, $0x38;
	[tilespmem:$0x11FC0] =	vst v63  }
0x50: {  	_ =	swait.ge [sflag:s12], $0x400  }
0x51: {  	[sflag:s12] =	ssyncset.done $0x0  }
0x52: {  	[sflag:s12] =	ssyncadd.s32 $0xFFFFFC00  }
0x53: {  	[spmem:s28] =	stream.linear.scatter [tilespmem:s11], [sflag:$0x5], $0x400, $0x38;
	[tilespmem:$0x11FC0] =	vst v63  }
0x54: {  	_ =	swait.ge [sflag:s12], $0x400  }
0x55: {  	[sflag:s12] =	ssyncset.done $0x0  }
0x56: {  	[sflag:s12] =	ssyncadd.s32 $0xFFFFFC00  }
0x57: {  	[spmem:s29] =	stream.linear.scatter [tilespmem:s11], [sflag:$0x5], $0x400, $0x38;
	[tilespmem:$0x11FC0] =	vst v63  }
0x58: {  	_ =	swait.ge [sflag:s12], $0x400  }
0x59: {  	[sflag:s12] =	ssyncset.done $0x0  }
0x5a: {  	[sflag:s12] =	ssyncadd.s32 $0xFFFFFC00  }
0x5b: {  	[spmem:s30] =	stream.linear.scatter [tilespmem:s11], [sflag:$0x5], $0x400, $0x38;
	[tilespmem:$0x11FC0] =	vst v63  }
0x5c: {  	_ =	swait.ge [sflag:s12], $0x400  }
0x5d: {  	[sflag:s12] =	ssyncset.done $0x0  }
0x5e: {  	[sflag:s12] =	ssyncadd.s32 $0xFFFFFC00  }
0x5f: {  	[spmem:s31] =	stream.linear.scatter [tilespmem:s11], [sflag:$0x5], $0x400, $0x38;
	[tilespmem:$0x11FC0] =	vst v63  }
0x60: {  	_ =	swait.ge [sflag:s12], $0x400  }
0x61: {  	[sflag:s12] =	ssyncset.done $0x0  }
0x62: {  	[sflag:s12] =	ssyncadd.s32 $0xFFFFFC00  }
0x63: {  	[spmem:s1] =	stream.linear.scatter [tilespmem:s11], [sflag:$0x5], $0x400, $0x38;
	[tilespmem:$0x11FC0] =	vst v63  }
0x64: {  	_ =	swait.ge [sflag:s12], $0x400  }
0x65: {  	[sflag:s12] =	ssyncset.done $0x0  }
0x66: {  	[sflag:s12] =	ssyncadd.s32 $0xFFFFFC00  }
0x67: {  	[spmem:s0] =	stream.linear.scatter [tilespmem:s11], [sflag:$0x5], $0x400, $0x38;
	[tilespmem:$0x11FC0] =	vst v63  }
0x68: {  	_ =	swait.ge [sflag:s12], $0x400  }
0x69: {  	[sflag:s12] =	ssyncset.done $0x0  }
0x6a: {  	[sflag:s12] =	ssyncadd.s32 $0xFFFFFC00  }
0x6b: {  	[spmem:s6] =	stream.linear.scatter [tilespmem:s11], [sflag:$0x5], $0x400, $0x38;
	[tilespmem:$0x11FC0] =	vst v63  }
0x6c: {  	_ =	swait.ge [sflag:s12], $0x400  }
0x6d: {  	[sflag:s12] =	ssyncset.done $0x0  }
0x6e: {  	[sflag:s12] =	ssyncadd.s32 $0xFFFFFC00  }
0x6f: {  	[spmem:s7] =	stream.linear.scatter [tilespmem:s11], [sflag:$0x5], $0x400, $0x38;
	[tilespmem:$0x11FC0] =	vst v63  }
0x70: {  	_ =	swait.ge [sflag:s12], $0x400  }
0x71: {  	[sflag:s12] =	ssyncset.done $0x0  }
0x72: {  	[sflag:s12] =	ssyncadd.s32 $0xFFFFFC00  }
0x73: {  	[spmem:s8] =	stream.linear.scatter [tilespmem:s11], [sflag:$0x5], $0x400, $0x38;
	[tilespmem:$0x11FC0] =	vst v63  }
0x74: {  	_ =	swait.ge [sflag:s12], $0x400  }
0x75: {  	[sflag:s12] =	ssyncset.done $0x0  }
0x76: {  	[sflag:s12] =	ssyncadd.s32 $0xFFFFFC00  }
0x77: {  	[spmem:s9] =	stream.linear.scatter [tilespmem:s11], [sflag:$0x5], $0x400, $0x38;
	[tilespmem:$0x11FC0] =	vst v63  }
0x78: {  	_ =	swait.ge [sflag:s12], $0x400  }
0x79: {  	[sflag:s12] =	ssyncset.done $0x0  }
0x7a: {  	[sflag:s12] =	ssyncadd.s32 $0xFFFFFC00  }
0x7b: {  	[spmem:s10] =	stream.linear.scatter [tilespmem:s11], [sflag:$0x5], $0x400, $0x38;
	[tilespmem:$0x11FC0] =	vst v63  }
0x7c: {  	_ =	swait.ge [sflag:s12], $0x400  }
0x7d: {  	[sflag:s12] =	ssyncset.done $0x0  }
0x7e: {  	[sflag:s12] =	ssyncadd.s32 $0xFFFFFC00  }
0x7f: {  	[bflag:$0x0] =	sbarrier.arrive $0xFFFF  }
0x80: {  	s23 =	rddreg [dreg:$0x3]  }
0x81: {  	[tilespmem:s3], [sflag:$0x5] =	stream.linear.gather [hbm4b:s23+s3], $0x2760, $0x38;
	[tilespmem:$0x11FC0] =	vst v63  }
0x82: {  	_ =	swait.ge [sflag:s12], $0x2760  }
0x83: {  	[sflag:s12] =	ssyncset.done $0x0  }
0x84: {  	s24 =	rddreg [dreg:$0x4];
	[sflag:s12] =	ssyncadd.s32 $0xFFFFD8A0  }
0x85: {  	[tilespmem:s13], [sflag:$0x5] =	stream.linear.gather [hbm4b:s24+s3], $0x2760, $0x38;
	[tilespmem:$0x11FC0] =	vst v63  }
0x86: {  	_ =	swait.ge [sflag:s12], $0x2760  }
0x87: {  	[sflag:s12] =	ssyncset.done $0x0  }
0x88: {  	[sflag:s12] =	ssyncadd.s32 $0xFFFFD8A0  }
0x89: {  	[tilespmem:s15], [sflag:$0x1] =	stream.indirect.gather [hbm4b:s4+s14], $0x20, s3, s14, $0xb8;
	[tilespmem:$0x11FC0] =	vst v63  }
0x8a: {  	s25 =	simm.s32 $0x1F8  }
0x8b: {  	[tilespmem:s16], [sflag:$0x2] =	stream.indirect.gather [hbm4b:s4+s14], $0x20, s25, s14, $0xb8;
	[tilespmem:$0x11FC0] =	vst v63  }
0x8c: {  	_ =	swait.ge [sflag:s17], $0x3E80  }
0x8d: {  	[sflag:s17] =	ssyncset.done $0x0  }
0x8e: {  	[sflag:s17] =	ssyncadd.s32 $0xFFFFC180  }
0x8f: {  	[spmem:s2] =	stream.indirect.scatter.add.f32 [tilespmem:s15], [sflag:$0x3], $0x20, s13, s14, $0xb8;
	[tilespmem:$0x11FC0] =	vst v63  }
0x90: {  	_ =	swait.ge [sflag:s18], $0x3E80  }
0x91: {  	[sflag:s18] =	ssyncset.done $0x0  }
0x92: {  	s23 =	simm.s32 $0x2958;
	[sflag:s18] =	ssyncadd.s32 $0xFFFFC180  }
0x93: {  	[spmem:s2] =	stream.indirect.scatter.add.f32 [tilespmem:s16], [sflag:$0x4], $0x20, s23, s14, $0xb8;
	[tilespmem:$0x11FC0] =	vst v63  }
0x94: {  	_ =	swait.ge [sflag:s19], $0x3E80  }
0x95: {  	[sflag:s19] =	ssyncset.done $0x0  }
0x96: {  	s24 =	simm.s32 $0x3F0;
	[sflag:s19] =	ssyncadd.s32 $0xFFFFC180  }
0x97: {  	[tilespmem:s15], [sflag:$0x1] =	stream.indirect.gather [hbm4b:s4+s14], $0x20, s24, s14, $0xb8;
	[tilespmem:$0x11FC0] =	vst v63  }
0x98: {  	_ =	swait.ge [sflag:s17], $0x3E80  }
0x99: {  	[sflag:s17] =	ssyncset.done $0x0  }
0x9a: {  	s25 =	simm.s32 $0x2B50;
	[sflag:s17] =	ssyncadd.s32 $0xFFFFC180  }
0x9b: {  	[spmem:s2] =	stream.indirect.scatter.add.f32 [tilespmem:s15], [sflag:$0x3], $0x20, s25, s14, $0xb8;
	[tilespmem:$0x11FC0] =	vst v63  }
0x9c: {  	_ =	swait.ge [sflag:s20], $0x3E80  }
0x9d: {  	[sflag:s20] =	ssyncset.done $0x0  }
0x9e: {  	s23 =	simm.s32 $0x5E8;
	[sflag:s20] =	ssyncadd.s32 $0xFFFFC180  }
0x9f: {  	[tilespmem:s16], [sflag:$0x2] =	stream.indirect.gather [hbm4b:s4+s14], $0x20, s23, s14, $0xb8;
	[tilespmem:$0x11FC0] =	vst v63  }
0xa0: {  	_ =	swait.ge [sflag:s18], $0x3E80  }
0xa1: {  	[sflag:s18] =	ssyncset.done $0x0  }
0xa2: {  	s24 =	simm.s32 $0x2D48;
	[sflag:s18] =	ssyncadd.s32 $0xFFFFC180  }
0xa3: {  	[spmem:s2] =	stream.indirect.scatter.add.f32 [tilespmem:s16], [sflag:$0x4], $0x20, s24, s14, $0xb8;
	[tilespmem:$0x11FC0] =	vst v63  }
0xa4: {  	_ =	swait.ge [sflag:s19], $0x3E80  }
0xa5: {  	[sflag:s19] =	ssyncset.done $0x0  }
0xa6: {  	s25 =	simm.s32 $0x7E0;
	[sflag:s19] =	ssyncadd.s32 $0xFFFFC180  }
0xa7: {  	[tilespmem:s15], [sflag:$0x1] =	stream.indirect.gather [hbm4b:s4+s14], $0x20, s25, s14, $0xb8;
	[tilespmem:$0x11FC0] =	vst v63  }
0xa8: {  	_ =	swait.ge [sflag:s17], $0x3E80  }
0xa9: {  	[sflag:s17] =	ssyncset.done $0x0  }
0xaa: {  	s23 =	simm.s32 $0x2F40;
	[sflag:s17] =	ssyncadd.s32 $0xFFFFC180  }
0xab: {  	[spmem:s2] =	stream.indirect.scatter.add.f32 [tilespmem:s15], [sflag:$0x3], $0x20, s23, s14, $0xb8;
	[tilespmem:$0x11FC0] =	vst v63  }
0xac: {  	_ =	swait.ge [sflag:s20], $0x3E80  }
0xad: {  	[sflag:s20] =	ssyncset.done $0x0  }
0xae: {  	s24 =	simm.s32 $0x9D8;
	[sflag:s20] =	ssyncadd.s32 $0xFFFFC180  }
0xaf: {  	[tilespmem:s16], [sflag:$0x2] =	stream.indirect.gather [hbm4b:s4+s14], $0x20, s24, s14, $0xb8;
	[tilespmem:$0x11FC0] =	vst v63  }
0xb0: {  	_ =	swait.ge [sflag:s18], $0x3E80  }
0xb1: {  	[sflag:s18] =	ssyncset.done $0x0  }
0xb2: {  	s25 =	simm.s32 $0x3138;
	[sflag:s18] =	ssyncadd.s32 $0xFFFFC180  }
0xb3: {  	[spmem:s2] =	stream.indirect.scatter.add.f32 [tilespmem:s16], [sflag:$0x4], $0x20, s25, s14, $0xb8;
	[tilespmem:$0x11FC0] =	vst v63  }
0xb4: {  	_ =	swait.ge [sflag:s19], $0x3E80  }
0xb5: {  	[sflag:s19] =	ssyncset.done $0x0  }
0xb6: {  	s23 =	simm.s32 $0xBD0;
	[sflag:s19] =	ssyncadd.s32 $0xFFFFC180  }
0xb7: {  	[tilespmem:s15], [sflag:$0x1] =	stream.indirect.gather [hbm4b:s4+s14], $0x20, s23, s14, $0xb8;
	[tilespmem:$0x11FC0] =	vst v63  }
0xb8: {  	_ =	swait.ge [sflag:s17], $0x3E80  }
0xb9: {  	[sflag:s17] =	ssyncset.done $0x0  }
0xba: {  	s24 =	simm.s32 $0x3330;
	[sflag:s17] =	ssyncadd.s32 $0xFFFFC180  }
0xbb: {  	[spmem:s2] =	stream.indirect.scatter.add.f32 [tilespmem:s15], [sflag:$0x3], $0x20, s24, s14, $0xb8;
	[tilespmem:$0x11FC0] =	vst v63  }
0xbc: {  	_ =	swait.ge [sflag:s20], $0x3E80  }
0xbd: {  	[sflag:s20] =	ssyncset.done $0x0  }
0xbe: {  	s25 =	simm.s32 $0xDC8;
	[sflag:s20] =	ssyncadd.s32 $0xFFFFC180  }
0xbf: {  	[tilespmem:s16], [sflag:$0x2] =	stream.indirect.gather [hbm4b:s4+s14], $0x20, s25, s14, $0xb8;
	[tilespmem:$0x11FC0] =	vst v63  }
0xc0: {  	_ =	swait.ge [sflag:s18], $0x3E80  }
0xc1: {  	[sflag:s18] =	ssyncset.done $0x0  }
0xc2: {  	s23 =	simm.s32 $0x3528;
	[sflag:s18] =	ssyncadd.s32 $0xFFFFC180  }
0xc3: {  	[spmem:s2] =	stream.indirect.scatter.add.f32 [tilespmem:s16], [sflag:$0x4], $0x20, s23, s14, $0xb8;
	[tilespmem:$0x11FC0] =	vst v63  }
0xc4: {  	_ =	swait.ge [sflag:s19], $0x3E80  }
0xc5: {  	[sflag:s19] =	ssyncset.done $0x0  }
0xc6: {  	s24 =	simm.s32 $0xFC0;
	[sflag:s19] =	ssyncadd.s32 $0xFFFFC180  }
0xc7: {  	[tilespmem:s15], [sflag:$0x1] =	stream.indirect.gather [hbm4b:s4+s14], $0x20, s24, s14, $0xb8;
	[tilespmem:$0x11FC0] =	vst v63  }
0xc8: {  	_ =	swait.ge [sflag:s17], $0x3E80  }
0xc9: {  	[sflag:s17] =	ssyncset.done $0x0  }
0xca: {  	s25 =	simm.s32 $0x3720;
	[sflag:s17] =	ssyncadd.s32 $0xFFFFC180  }
0xcb: {  	[spmem:s2] =	stream.indirect.scatter.add.f32 [tilespmem:s15], [sflag:$0x3], $0x20, s25, s14, $0xb8;
	[tilespmem:$0x11FC0] =	vst v63  }
0xcc: {  	_ =	swait.ge [sflag:s20], $0x3E80  }
0xcd: {  	[sflag:s20] =	ssyncset.done $0x0  }
0xce: {  	s23 =	simm.s32 $0x11B8;
	[sflag:s20] =	ssyncadd.s32 $0xFFFFC180  }
0xcf: {  	[tilespmem:s16], [sflag:$0x2] =	stream.indirect.gather [hbm4b:s4+s14], $0x20, s23, s14, $0xb8;
	[tilespmem:$0x11FC0] =	vst v63  }
0xd0: {  	_ =	swait.ge [sflag:s18], $0x3E80  }
0xd1: {  	[sflag:s18] =	ssyncset.done $0x0  }
0xd2: {  	s24 =	simm.s32 $0x3918;
	[sflag:s18] =	ssyncadd.s32 $0xFFFFC180  }
0xd3: {  	[spmem:s2] =	stream.indirect.scatter.add.f32 [tilespmem:s16], [sflag:$0x4], $0x20, s24, s14, $0xb8;
	[tilespmem:$0x11FC0] =	vst v63  }
0xd4: {  	_ =	swait.ge [sflag:s19], $0x3E80  }
0xd5: {  	[sflag:s19] =	ssyncset.done $0x0  }
0xd6: {  	s25 =	simm.s32 $0x13B0;
	[sflag:s19] =	ssyncadd.s32 $0xFFFFC180  }
0xd7: {  	[tilespmem:s15], [sflag:$0x1] =	stream.indirect.gather [hbm4b:s4+s14], $0x20, s25, s14, $0xb8;
	[tilespmem:$0x11FC0] =	vst v63  }
0xd8: {  	_ =	swait.ge [sflag:s17], $0x3E80  }
0xd9: {  	[sflag:s17] =	ssyncset.done $0x0  }
0xda: {  	s23 =	simm.s32 $0x3B10;
	[sflag:s17] =	ssyncadd.s32 $0xFFFFC180  }
0xdb: {  	[spmem:s2] =	stream.indirect.scatter.add.f32 [tilespmem:s15], [sflag:$0x3], $0x20, s23, s14, $0xb8;
	[tilespmem:$0x11FC0] =	vst v63  }
0xdc: {  	_ =	swait.ge [sflag:s20], $0x3E80  }
0xdd: {  	[sflag:s20] =	ssyncset.done $0x0  }
0xde: {  	s24 =	simm.s32 $0x15A8;
	[sflag:s20] =	ssyncadd.s32 $0xFFFFC180  }
0xdf: {  	[tilespmem:s16], [sflag:$0x2] =	stream.indirect.gather [hbm4b:s4+s14], $0x20, s24, s14, $0xb8;
	[tilespmem:$0x11FC0] =	vst v63  }
0xe0: {  	_ =	swait.ge [sflag:s18], $0x3E80  }
0xe1: {  	[sflag:s18] =	ssyncset.done $0x0  }
0xe2: {  	s25 =	simm.s32 $0x3D08;
	[sflag:s18] =	ssyncadd.s32 $0xFFFFC180  }
0xe3: {  	[spmem:s2] =	stream.indirect.scatter.add.f32 [tilespmem:s16], [sflag:$0x4], $0x20, s25, s14, $0xb8;
	[tilespmem:$0x11FC0] =	vst v63  }
0xe4: {  	_ =	swait.ge [sflag:s19], $0x3E80  }
0xe5: {  	[sflag:s19] =	ssyncset.done $0x0  }
0xe6: {  	s23 =	simm.s32 $0x17A0;
	[sflag:s19] =	ssyncadd.s32 $0xFFFFC180  }
0xe7: {  	[tilespmem:s15], [sflag:$0x1] =	stream.indirect.gather [hbm4b:s4+s14], $0x20, s23, s14, $0xb8;
	[tilespmem:$0x11FC0] =	vst v63  }
0xe8: {  	_ =	swait.ge [sflag:s17], $0x3E80  }
0xe9: {  	[sflag:s17] =	ssyncset.done $0x0  }
0xea: {  	s24 =	simm.s32 $0x3F00;
	[sflag:s17] =	ssyncadd.s32 $0xFFFFC180  }
0xeb: {  	[spmem:s2] =	stream.indirect.scatter.add.f32 [tilespmem:s15], [sflag:$0x3], $0x20, s24, s14, $0xb8;
	[tilespmem:$0x11FC0] =	vst v63  }
0xec: {  	_ =	swait.ge [sflag:s20], $0x3E80  }
0xed: {  	[sflag:s20] =	ssyncset.done $0x0  }
0xee: {  	s25 =	simm.s32 $0x1998;
	[sflag:s20] =	ssyncadd.s32 $0xFFFFC180  }
0xef: {  	[tilespmem:s16], [sflag:$0x2] =	stream.indirect.gather [hbm4b:s4+s14], $0x20, s25, s14, $0xb8;
	[tilespmem:$0x11FC0] =	vst v63  }
0xf0: {  	_ =	swait.ge [sflag:s18], $0x3E80  }
0xf1: {  	[sflag:s18] =	ssyncset.done $0x0  }
0xf2: {  	s23 =	simm.s32 $0x40F8;
	[sflag:s18] =	ssyncadd.s32 $0xFFFFC180  }
0xf3: {  	[spmem:s2] =	stream.indirect.scatter.add.f32 [tilespmem:s16], [sflag:$0x4], $0x20, s23, s14, $0xb8;
	[tilespmem:$0x11FC0] =	vst v63  }
0xf4: {  	_ =	swait.ge [sflag:s19], $0x3E80  }
0xf5: {  	[sflag:s19] =	ssyncset.done $0x0  }
0xf6: {  	s24 =	simm.s32 $0x1B90;
	[sflag:s19] =	ssyncadd.s32 $0xFFFFC180  }
0xf7: {  	[tilespmem:s15], [sflag:$0x1] =	stream.indirect.gather [hbm4b:s4+s14], $0x20, s24, s14, $0xb8;
	[tilespmem:$0x11FC0] =	vst v63  }
0xf8: {  	_ =	swait.ge [sflag:s17], $0x3E80  }
0xf9: {  	[sflag:s17] =	ssyncset.done $0x0  }
0xfa: {  	s25 =	simm.s32 $0x42F0;
	[sflag:s17] =	ssyncadd.s32 $0xFFFFC180  }
0xfb: {  	[spmem:s2] =	stream.indirect.scatter.add.f32 [tilespmem:s15], [sflag:$0x3], $0x20, s25, s14, $0xb8;
	[tilespmem:$0x11FC0] =	vst v63  }
0xfc: {  	_ =	swait.ge [sflag:s20], $0x3E80  }
0xfd: {  	[sflag:s20] =	ssyncset.done $0x0  }
0xfe: {  	s23 =	simm.s32 $0x1D88;
	[sflag:s20] =	ssyncadd.s32 $0xFFFFC180  }
0xff: {  	[tilespmem:s16], [sflag:$0x2] =	stream.indirect.gather [hbm4b:s4+s14], $0x20, s23, s14, $0xb8;
	[tilespmem:$0x11FC0] =	vst v63  }
0x100: {  	_ =	swait.ge [sflag:s18], $0x3E80  }
0x101: {  	[sflag:s18] =	ssyncset.done $0x0  }
0x102: {  	s24 =	simm.s32 $0x44E8;
	[sflag:s18] =	ssyncadd.s32 $0xFFFFC180  }
0x103: {  	[spmem:s2] =	stream.indirect.scatter.add.f32 [tilespmem:s16], [sflag:$0x4], $0x20, s24, s14, $0xb8;
	[tilespmem:$0x11FC0] =	vst v63  }
0x104: {  	_ =	swait.ge [sflag:s19], $0x3E80  }
0x105: {  	[sflag:s19] =	ssyncset.done $0x0  }
0x106: {  	s25 =	simm.s32 $0x1F80;
	[sflag:s19] =	ssyncadd.s32 $0xFFFFC180  }
0x107: {  	[tilespmem:s15], [sflag:$0x1] =	stream.indirect.gather [hbm4b:s4+s14], $0x20, s25, s14, $0xb8;
	[tilespmem:$0x11FC0] =	vst v63  }
0x108: {  	_ =	swait.ge [sflag:s17], $0x3E80  }
0x109: {  	[sflag:s17] =	ssyncset.done $0x0  }
0x10a: {  	s23 =	simm.s32 $0x46E0;
	[sflag:s17] =	ssyncadd.s32 $0xFFFFC180  }
0x10b: {  	[spmem:s2] =	stream.indirect.scatter.add.f32 [tilespmem:s15], [sflag:$0x3], $0x20, s23, s14, $0xb8;
	[tilespmem:$0x11FC0] =	vst v63  }
0x10c: {  	_ =	swait.ge [sflag:s20], $0x3E80  }
0x10d: {  	[sflag:s20] =	ssyncset.done $0x0  }
0x10e: {  	s24 =	simm.s32 $0x2178;
	[sflag:s20] =	ssyncadd.s32 $0xFFFFC180  }
0x10f: {  	[tilespmem:s16], [sflag:$0x2] =	stream.indirect.gather [hbm4b:s4+s14], $0x20, s24, s14, $0xb8;
	[tilespmem:$0x11FC0] =	vst v63  }
0x110: {  	_ =	swait.ge [sflag:s18], $0x3E80  }
0x111: {  	[sflag:s18] =	ssyncset.done $0x0  }
0x112: {  	s25 =	simm.s32 $0x48D8;
	[sflag:s18] =	ssyncadd.s32 $0xFFFFC180  }
0x113: {  	[spmem:s2] =	stream.indirect.scatter.add.f32 [tilespmem:s16], [sflag:$0x4], $0x20, s25, s14, $0xb8;
	[tilespmem:$0x11FC0] =	vst v63  }
0x114: {  	_ =	swait.ge [sflag:s19], $0x3E80  }
0x115: {  	[sflag:s19] =	ssyncset.done $0x0  }
0x116: {  	s23 =	simm.s32 $0x2370;
	[sflag:s19] =	ssyncadd.s32 $0xFFFFC180  }
0x117: {  	[tilespmem:s15], [sflag:$0x1] =	stream.indirect.gather [hbm4b:s4+s14], $0x20, s23, s14, $0xb8;
	[tilespmem:$0x11FC0] =	vst v63  }
0x118: {  	_ =	swait.ge [sflag:s17], $0x3E80  }
0x119: {  	[sflag:s17] =	ssyncset.done $0x0  }
0x11a: {  	s24 =	simm.s32 $0x4AD0;
	[sflag:s17] =	ssyncadd.s32 $0xFFFFC180  }
0x11b: {  	[spmem:s2] =	stream.indirect.scatter.add.f32 [tilespmem:s15], [sflag:$0x3], $0x20, s24, s14, $0xb8;
	[tilespmem:$0x11FC0] =	vst v63  }
0x11c: {  	_ =	swait.ge [sflag:s20], $0x3E80  }
0x11d: {  	[sflag:s20] =	ssyncset.done $0x0  }
0x11e: {  	s25 =	simm.s32 $0x2568;
	[sflag:s20] =	ssyncadd.s32 $0xFFFFC180  }
0x11f: {  	[tilespmem:s16], [sflag:$0x2] =	stream.indirect.gather [hbm4b:s4+s14], $0x20, s25, s14, $0xb8;
	[tilespmem:$0x11FC0] =	vst v63  }
0x120: {  	_ =	swait.ge [sflag:s18], $0x3E80  }
0x121: {  	[sflag:s18] =	ssyncset.done $0x0  }
0x122: {  	s23 =	simm.s32 $0x4CC8;
	[sflag:s18] =	ssyncadd.s32 $0xFFFFC180  }
0x123: {  	[spmem:s2] =	stream.indirect.scatter.add.f32 [tilespmem:s16], [sflag:$0x4], $0x20, s23, s14, $0xb8;
	[tilespmem:$0x11FC0] =	vst v63  }
0x124: {  	_ =	swait.ge [sflag:s19], $0x3E80  }
0x125: {  	[sflag:s19] =	ssyncset.done $0x0  }
0x126: {  	[sflag:s19] =	ssyncadd.s32 $0xFFFFC180  }
0x127: {  	_ =	swait.ge [sflag:s20], $0x3E80  }
0x128: {  	[sflag:s20] =	ssyncset.done $0x0  }
0x129: {  	[sflag:s20] =	ssyncadd.s32 $0xFFFFC180  }
0x12a: {  	s24 =	stileid.u32;
	[bflag:$0x0] =	sbarrier.arrive $0xFFFF  }
0x12b: {  	s22 =	sshll.u32 s24, $0x6;
	s23 =	rddreg [dreg:$0x5]  }
0x12c: {  	s22 =	sor.u32 $0x1C05, s22;
	s25 =	rddreg [dreg:$0x12]  }
0x12d: {  	[hbm:s23], [sflag:s22] =	dma.local [spmem:s25], $0x200  }
0x12e: {  	_ =	swait.ge [sflag:s12], $0x200  }
0x12f: {  	[sflag:s12] =	ssyncset.done $0x0;
	s24 =	rddreg [dreg:$0x6]  }
0x130: {  	s25 =	rddreg [dreg:$0x13];
	[sflag:s12] =	ssyncadd.s32 $0xFFFFFE00  }
0x131: {  	[hbm:s24], [sflag:s22] =	dma.local [spmem:s25], $0x200  }
0x132: {  	_ =	swait.ge [sflag:s12], $0x200  }
0x133: {  	[sflag:s12] =	ssyncset.done $0x0;
	s24 =	rddreg [dreg:$0x7]  }
0x134: {  	s25 =	rddreg [dreg:$0x14];
	[sflag:s12] =	ssyncadd.s32 $0xFFFFFE00  }
0x135: {  	[hbm:s24], [sflag:s22] =	dma.local [spmem:s25], $0x200  }
0x136: {  	_ =	swait.ge [sflag:s12], $0x200  }
0x137: {  	[sflag:s12] =	ssyncset.done $0x0;
	s24 =	rddreg [dreg:$0x8]  }
0x138: {  	s25 =	rddreg [dreg:$0x15];
	[sflag:s12] =	ssyncadd.s32 $0xFFFFFE00  }
0x139: {  	[hbm:s24], [sflag:s22] =	dma.local [spmem:s25], $0x200  }
0x13a: {  	_ =	swait.ge [sflag:s12], $0x200  }
0x13b: {  	[sflag:s12] =	ssyncset.done $0x0;
	s24 =	rddreg [dreg:$0x9]  }
0x13c: {  	s25 =	rddreg [dreg:$0x16];
	[sflag:s12] =	ssyncadd.s32 $0xFFFFFE00  }
0x13d: {  	[hbm:s24], [sflag:s22] =	dma.local [spmem:s25], $0x200  }
0x13e: {  	_ =	swait.ge [sflag:s12], $0x200  }
0x13f: {  	s21 =	sadd.s32 $0x1, s21;
	s25 =	rddreg [dreg:$0xa]  }
0x140: {  	p0 =	sne.s32 s21, s25  }
.Ltmp1:
0x141: {  	_ = 	snop;
	(pc) =	sbr.rel @p0 .LBB2_1-.Ltmp1, $3  }
0x142: {  	_ =	sdelay $0x1  }
0x143: {  	[sflag:s12] =	ssyncset.done $0x0  }
0x144: {  	[sflag:s12] =	ssyncadd.s32 $0xFFFFFE00  }
0x145: {  	_ =	sfence.sel $0x180000  }
0x146: {  	[bflag:$0x0] =	sbarrier.arrive $0xFFFF  }
0x147: {  	_ =	strace $0x9000004D  }
0x148: {  	s0 =	stileid.u32;
	[bflag:$0x2] =	sbarrier.arrive $0xFFFF  }
0x149: {  	p0 =	sne.s32 s0, $0x0;
	s0 =	rddreg [dreg:$0x2]  }
0x14a: {  	s0 =	sadd.s32 @!p0 $0x100000, s0  }
0x14b: {  	[sflag:s0] =	ssyncadd.tile.s32 @!p0 $0x1;
	_ =	shalt  }
.Lfunc_end2:
_tile_overlayer_lowered:
.L_overlay_start_2:
0x14c: {  	(tag) =	ssettag $0x2  }
0x14d: {  	s0 =	rddreg [dreg:$0x0];
	s2 =	stileid.u32  }
0x14e: {  	s1 =	rddreg [dreg:$0x1];
	p0 =	sne.s32 s2, $0x0  }
0x14f: {  	s3 =	rddreg [dreg:$0x2];
	[bflag:$0x3] =	sbarrier.arrive $0xFFFF;
	s2 =	simm.s32 @!p0 $0x1C05  }
0x150: {  	[timem:s3], [sflag:s2] =	dma.local @!p0 [hbm:s0], s1  }
0x151: {  	s0 =	simm.s32 @!p0 $0x5  }
0x152: {  	_ =	swait.ge @!p0 [sflag:s0], s1  }
0x153: {  	s1 =	ssub.s32 @!p0 $0x0, s1;
	[sflag:s0] =	ssyncset.done @!p0 $0x0  }
0x154: {  	[sflag:s0] =	ssyncadd.s32 @!p0 s1  }
0x155: {  	[bflag:$0x3] =	sbarrier.arrive $0xFFFF  }
0x156: {  	_ =	shalt  }

// kernel: kernel.8.cloned.1.call-start
scs
__scs_entry_jumppad:
0x0: {  	(pc) =	sbr.rel $0x88, $3  }
0x1: {  	(tag) =	ssettag $0x0;
	lr =	simm.s32 $0x1  }
0x2: {  	[smem:$0x3F99] =	sst lr;
	_ =	strace $0xD0000000  }
0x3: {  	_ = 	snop  }
0x4: {  	_ = 	snop  }
0x5: {  	_ = 	snop  }
0x6: {  	_ = 	snop  }
0x7: {  	_ = 	snop  }
__scs_overlays_trampoline_lowered:
0x8: {  	[smem:$0x3FA8] =	sst s0  }
0x9: {  	[smem:$0x3FA9] =	sst s1  }
0xa: {  	[smem:$0x3FAA] =	sst s2  }
0xb: {  	[smem:$0x3FAB] =	sst s3  }
0xc: {  	[smem:$0x3FAC] =	sst s4  }
0xd: {  	[smem:$0x3FAD] =	sst s5  }
0xe: {  	[smem:$0x3FAE] =	sst s6  }
0xf: {  	[smem:$0x3FAF] =	sst s7  }
0x10: {  	[smem:$0x3FB0] =	sst s8  }
0x11: {  	[smem:$0x3FB1] =	sst s9;
	s0 =	simm.s32 @!p0 $0x0  }
0x12: {  	s1 =	sld [smem:$0x3F97];
	s0 =	simm.s32 @p0 $0x1  }
0x13: {  	[smem:$0x3FB2] =	sst s0;
	s0 =	simm.s32 @!p1 $0x0  }
0x14: {  	s2 =	sld [smem:$0x3F96];
	s0 =	simm.s32 @p1 $0x1  }
0x15: {  	[smem:$0x3FB3] =	sst s0;
	s0 =	simm.s32 @!p2 $0x0  }
0x16: {  	s3 =	sld [smem:$0x3FDB];
	s0 =	simm.s32 @p2 $0x1  }
0x17: {  	s4 =	simm.s32 $0x1BF5;
	[smem:$0x3FB5] =	sst s0  }
0x18: {  	s0 =	sld [smem:$0x3F98];
	_ =	swait.ge [sflag:s4], $0x0  }
0x19: {  	s7 =	sld [smem:$0x3F99]  }
0x1a: {  	s8 =	sadd.s32 $0xFFFFE003, lr  }
0x1b: {  	s9 =	sadd.s32 $0xFFFFFEF7, lr;
	s5 =	simm.s32 $0xFFFFFFFF;
	p2 =	slt.u32 s8, $0xFFFFF086  }
0x1c: {  	p1 =	slt.u32 s9, $0xF7A;
	s5 =	simm.s32 @!p2 $0x0  }
0x1d: {  	s5 =	simm.s32 @p1 $0x1;
	p0 =	seq.s32 s7, s2  }
0x1e: {  	s7 =	smul.u32 @!p0 $0xF7A, s2;
	p2 =	seq.s32 @!p0 s5, $0x0  }
0x1f: {  	s9 =	smul.u32 $0xF7A, s1;
	s8 =	simm.s32 @!p0 $0x1BF5;
	p2 =	por !p2, p0  }
0x20: {  	[sflag:s8] =	ssyncset.s32 @!p0 $0xFFFFF086;
	s6 =	sadd.s32 @!p0 s3, s7;
	s7 =	simm.s32 @!p0 $0x108  }
0x21: {  	s3 =	sadd.s32 s3, s9;
	s6 =	sadd.s32 @!p0 $0x88, s6;
	s7 =	simm.s32 @p2 $0x1082  }
0x22: {  	[simem:s7], [sflag:s8] =	dma.local @!p0 [hbm:s6], $0xF7A  }
0x23: {  	s9 =	sor.u32 $0xD0000000, s2;
	s6 =	simm.s32 $0x108;
	_ =	swait.ge @!p0 [sflag:s8], $0x0  }
0x24: {  	s3 =	sadd.s32 $0x88, s3;
	s6 =	simm.s32 @!p1 $0x1082;
	[sflag:s4] =	ssyncset.s32 $0xFFFFF086  }
0x25: {  	[simem:s6], [sflag:s4] =	dma.local [hbm:s3], $0xF7A  }
0x26: {  	[smem:$0x3F99] =	sst s1;
	(tag) =	ssettag s2;
	_ =	strace s9  }
0x27: {  	s1 =	sld [smem:$0x3FA9]  }
0x28: {  	s2 =	sld [smem:$0x3FAA]  }
0x29: {  	s4 =	sld [smem:$0x3FAC]  }
0x2a: {  	p0 =	seq.s32 s5, $0x0;
	s5 =	sld [smem:$0x3FAD]  }
0x2b: {  	s6 =	sld [smem:$0x3FAE]  }
0x2c: {  	s7 =	sld [smem:$0x3FAF]  }
0x2d: {  	s3 =	simm.s32 $0x108;
	s8 =	sld [smem:$0x3FB0]  }
0x2e: {  	s3 =	simm.s32 @!p0 $0x1082;
	s9 =	sld [smem:$0x3FB1]  }
0x2f: {  	lr =	sadd.s32 s0, s3;
	s0 =	sld [smem:$0x3FA8]  }
0x30: {  	s3 =	sld [smem:$0x3FAB]  }
0x31: {  	[smem:$0x3FB4] =	sst s10  }
0x32: {  	s10 =	sld [smem:$0x3FB2];
	_ =	sdelay $0x3  }
0x33: {  	p0 =	seq.s32 s10, $0x1;
	s10 =	sld [smem:$0x3FB4];
	_ =	sdelay $0x3  }
0x34: {  	[smem:$0x3FB4] =	sst s10  }
0x35: {  	s10 =	sld [smem:$0x3FB3];
	_ =	sdelay $0x3  }
0x36: {  	p1 =	seq.s32 s10, $0x1;
	s10 =	sld [smem:$0x3FB4];
	_ =	sdelay $0x3  }
0x37: {  	[smem:$0x3FB4] =	sst s10  }
0x38: {  	s10 =	sld [smem:$0x3FB5]  }
0x39: {  	_ = 	snop;
	(pc) =	sbr.ind lr, $3  }
0x3a: {  	_ = 	snop  }
0x3b: {  	_ = 	snop  }
0x3c: {  	p2 =	seq.s32 s10, $0x1;
	s10 =	sld [smem:$0x3FB4]  }
0x3d: {  	_ =	shalt  }
0x3e: {  	_ =	shalt  }
0x3f: {  	_ =	shalt  }
0x40: {  	_ =	shalt  }
0x41: {  	_ =	shalt  }
0x42: {  	_ =	shalt  }
0x43: {  	_ =	shalt  }
0x44: {  	_ =	shalt  }
0x45: {  	_ =	shalt  }
0x46: {  	_ =	shalt  }
0x47: {  	_ =	shalt  }
0x48: {  	_ =	shalt  }
0x49: {  	_ =	shalt  }
0x4a: {  	_ =	shalt  }
0x4b: {  	_ =	shalt  }
0x4c: {  	_ =	shalt  }
0x4d: {  	_ =	shalt  }
0x4e: {  	_ =	shalt  }
0x4f: {  	_ =	shalt  }
0x50: {  	_ =	shalt  }
0x51: {  	_ =	shalt  }
0x52: {  	_ =	shalt  }
0x53: {  	_ =	shalt  }
0x54: {  	_ =	shalt  }
0x55: {  	_ =	shalt  }
0x56: {  	_ =	shalt  }
0x57: {  	_ =	shalt  }
0x58: {  	_ =	shalt  }
0x59: {  	_ =	shalt  }
0x5a: {  	_ =	shalt  }
0x5b: {  	_ =	shalt  }
0x5c: {  	_ =	shalt  }
0x5d: {  	_ =	shalt  }
0x5e: {  	_ =	shalt  }
0x5f: {  	_ =	shalt  }
0x60: {  	_ =	shalt  }
0x61: {  	_ =	shalt  }
0x62: {  	_ =	shalt  }
0x63: {  	_ =	shalt  }
0x64: {  	_ =	shalt  }
0x65: {  	_ =	shalt  }
0x66: {  	_ =	shalt  }
0x67: {  	_ =	shalt  }
0x68: {  	_ =	shalt  }
0x69: {  	_ =	shalt  }
0x6a: {  	_ =	shalt  }
0x6b: {  	_ =	shalt  }
0x6c: {  	_ =	shalt  }
0x6d: {  	_ =	shalt  }
0x6e: {  	_ =	shalt  }
0x6f: {  	_ =	shalt  }
0x70: {  	_ =	shalt  }
0x71: {  	_ =	shalt  }
0x72: {  	_ =	shalt  }
0x73: {  	_ =	shalt  }
0x74: {  	_ =	shalt  }
0x75: {  	_ =	shalt  }
0x76: {  	_ =	shalt  }
0x77: {  	_ =	shalt  }
0x78: {  	_ =	shalt  }
0x79: {  	_ =	shalt  }
0x7a: {  	_ =	shalt  }
0x7b: {  	_ =	shalt  }
0x7c: {  	_ =	shalt  }
0x7d: {  	_ =	shalt  }
0x7e: {  	_ =	shalt  }
0x7f: {  	_ =	shalt  }
0x80: {  	_ =	shalt  }
0x81: {  	_ =	shalt  }
0x82: {  	_ =	shalt  }
0x83: {  	_ =	shalt  }
0x84: {  	_ =	shalt  }
0x85: {  	_ =	shalt  }
0x86: {  	_ =	shalt  }
0x87: {  	_ =	shalt  }
.Lfunc_end0:
.L_simem_size_0:
called_computation_lowered:
.L_overlay_start_0:
0x88: {  	s2 =	sld [smem:$0x3FD9]  }
0x89: {  	s3 =	sld [smem:$0x3FFE];
	_ =	sdelay $0x1  }
0x8a: {  	s1 =	srdreg.scid  }
0x8b: {  	s0 =	sand.u32 $0x1, s1  }
0x8c: {  	s16 =	sshll.u32 s0, $0xA;
	s2 =	sadd.s32 s3, s2  }
0x8d: {  	s2 =	sadd.s32 s2, s16  }
0x8e: {  	[smem:$0x3FC0] =	sst s2  }
0x8f: {  	_ = 	snop  }
0x90: {  	(tm) =	ssettm $0x1  }
0x91: {  	s17 =	sld [smem:$0x3FFB];
	_ =	sdelay $0x3  }
0x92: {  	_ =	strace s17  }
0x93: {  	s2 =	sld [smem:$0x3FFC];
	_ =	sdelay $0x3  }
0x94: {  	_ =	strace s2  }
0x95: {  	s2 =	sld [smem:$0x3FFD];
	_ =	sdelay $0x3  }
0x96: {  	_ =	strace s2  }
0x97: {  	_ =	strace $0x8FFFFFFF  }
0x98: {  	s18 =	sld [smem:$0x3FDB];
	_ =	sdelay $0x1  }
0x99: {  	s19 =	simm.s32 $_scs_section_size  }
0x9a: {  	s4 =	simm.s32 $_size__tile_overlayer_lowered;
	s5 =	simm.s32 $_tile_overlayer_lowered  }
0x9b: {  	s22 =	simm.s32 $0x1BFF;
	s21 =	sshll.u32 s5, $0x1;
	s2 =	sadd.s32 s19, s18  }
0x9c: {  	s6 =	simm.s32 $0x0;
	s20 =	sshll.u32 s4, $0x1;
	s4 =	sadd.s32 s21, s2  }
0x9d: {  	[timem:s6], [sflag:s22] =	dma.local [hbm:s4], s20  }
0x9e: {  	_ =	swait.ge [sflag:s22], s20  }
0x9f: {  	s3 =	ssub.s32 $0x0, s20;
	[sflag:s22] =	ssyncset.done $0x0  }
0xa0: {  	[sflag:s22] =	ssyncadd.s32 s3;
	_ =	sdelay $0x1  }
0xa1: {  	s23 =	simm.s32 $0x1B8B  }
0xa2: {  	_ =	swait.ge [sflag:s23], $0x1  }
0xa3: {  	[sflag:s23] =	ssyncset.done $0x0  }
0xa4: {  	s25 =	simm.s32 $0x1B8E;
	s24 =	sld [smem:$0x3FFE];
	[sflag:s23] =	ssyncadd.s32 $0xFFFFFFFF  }
0xa5: {  	s26 =	simm.s32 $execute0_lowered;
	[smem:$0x3FD2] =	sst s25  }
0xa6: {  	s4 =	sshll.u32 s26, $0x1;
	_ =	strace $0x80000046;
	[dreg:$0x1] =	wrdreg $0xFFFFFFFF  }
0xa7: {  	s28 =	simm.s32 $_size_execute0_lowered;
	s2 =	sadd.s32 s2, s4;
	[dreg:$0x0] =	wrdreg $0x0  }
0xa8: {  	s4 =	sshll.u32 s28, $0x1;
	[dreg:$0x2] =	wrdreg s2  }
0xa9: {  	[dreg:$0x3] =	wrdreg s4  }
0xaa: {  	[dreg:$0x4] =	wrdreg $0xC0  }
0xab: {  	_ =	task [dreg:s6], $0x5FFFF  }
0xac: {  	[dreg:$0x1] =	wrdreg $0xFFFFFFFF  }
0xad: {  	[dreg:$0x0] =	wrdreg $0x60  }
0xae: {  	[dreg:$0x2] =	wrdreg s24  }
0xaf: {  	[dreg:$0x3] =	wrdreg $0x2BE00  }
0xb0: {  	[dreg:$0x4] =	wrdreg $0x9  }
0xb1: {  	_ =	task.clear_ibuf [dreg:s6], $0x5FFFF;
	_ =	strace $0x90000046  }
0xb2: {  	s29 =	simm.s32 $0x9;
	_ =	strace $0x80000048  }
0xb3: {  	_ =	swait.ge [sflag:s29], $0x1  }
0xb4: {  	[sflag:s29] =	ssyncadd.s32 $0xFFFFFFFF  }
0xb5: {  	_ =	strace $0x90000048  }
0xb6: {  	_ =	sfence  }
0xb7: {  	s30 =	sld [smem:$0x0];
	_ =	sdelay $0x2  }
0xb8: {  	s31 =	sshll.u32 s1, $0xD;
	s1 =	sshrl.u32 s1, $0x2  }
0xb9: {  	s3 =	sand.u32 $0x4000, s31;
	s1 =	sadd.s32 s1, s30  }
0xba: {  	s0 =	sor.u32 s3, s0;
	s1 =	sshll.u32 s1, $0x11  }
0xbb: {  	s0 =	sor.u32 s1, s0  }
0xbc: {  	s0 =	sadd.s32 $0x8F2B, s0  }
0xbd: {  	[sflag:s0] =	ssyncadd.remote.s32 $0x1  }
0xbe: {  	_ =	sfence.sel $0xFFFF  }
0xbf: {  	[dreg:$0x0] =	wrdreg $0xFFFFFFFF;
	(pc) =	sbr.abs _section_cstart, $3  }
0xc0: {  	[dreg:$0x1] =	wrdreg $0xFFFFFFFF  }
0xc1: {  	_ =	task.clear_ibuf [dreg:s6], $0x2FFFF;
	_ =	strace $0x9FFFFFFF  }
0xc2: {  	(tm) =	ssettm $0x7FFFFFFF  }
0xc3: {  	_ =	shalt  }
tec
execute0_lowered:
.L_overlay_start_1:
0x0: {  	(tag) =	ssettag $0x1  }
0x1: {  	s4 =	rddreg [dreg:$0x0];
	s2 =	simm.s32 $0x0  }
0x2: {  	v0 =	vimm.f32 $0.0e+00;
	[smem:$0x7FF] =	sst s2  }
0x3: {  	s1 =	rddreg [dreg:$0x1];
	v1 =	vimm.f32 $1.000000000e+00;
	_ =	strace $0x80000047;
	[tilespmem:$0x2960] =	vst v0  }
0x4: {  	[tilespmem:$0x2950] =	vst v1  }
0x5: {  	[tilespmem:$0x2940] =	vst v1  }
0x6: {  	[tilespmem:$0x2930] =	vst v1  }
0x7: {  	[tilespmem:$0x2920] =	vst v1  }
0x8: {  	[tilespmem:$0x2910] =	vst v1  }
0x9: {  	[tilespmem:$0x2900] =	vst v1  }
0xa: {  	[tilespmem:$0x28F0] =	vst v1  }
0xb: {  	[tilespmem:$0x28E0] =	vst v1  }
0xc: {  	[tilespmem:$0x28D0] =	vst v1  }
0xd: {  	[tilespmem:$0x28C0] =	vst v1  }
0xe: {  	[tilespmem:$0x28B0] =	vst v1  }
0xf: {  	[tilespmem:$0x28A0] =	vst v1  }
0x10: {  	[tilespmem:$0x2890] =	vst v1  }
0x11: {  	[tilespmem:$0x2880] =	vst v1  }
0x12: {  	[tilespmem:$0x2870] =	vst v1  }
0x13: {  	[tilespmem:$0x2860] =	vst v1  }
0x14: {  	[tilespmem:$0x2850] =	vst v1  }
0x15: {  	[tilespmem:$0x2840] =	vst v1  }
0x16: {  	[tilespmem:$0x2830] =	vst v1  }
0x17: {  	[tilespmem:$0x2820] =	vst v1  }
0x18: {  	[tilespmem:$0x2810] =	vst v1  }
0x19: {  	[tilespmem:$0x2800] =	vst v1  }
0x1a: {  	[tilespmem:$0x27F0] =	vst v1  }
0x1b: {  	[tilespmem:$0x27E0] =	vst v1  }
0x1c: {  	[tilespmem:$0x27D0] =	vst v1  }
0x1d: {  	[tilespmem:$0x27C0] =	vst v1  }
0x1e: {  	[tilespmem:$0x27B0] =	vst v1  }
0x1f: {  	[tilespmem:$0x27A0] =	vst v1  }
0x20: {  	[tilespmem:$0x2790] =	vst v1  }
0x21: {  	[tilespmem:$0x2780] =	vst v1  }
0x22: {  	[tilespmem:$0x2770] =	vst v1  }
0x23: {  	[tilespmem:$0x2760] =	vst v1  }
0x24: {  	[tilespmem:$0x2BD0] =	vst v0  }
0x25: {  	[tilespmem:$0x2BC0] =	vst v0  }
0x26: {  	[tilespmem:$0x2BB0] =	vst v0  }
0x27: {  	[tilespmem:$0x2BA0] =	vst v0  }
0x28: {  	[tilespmem:$0x2B90] =	vst v0  }
0x29: {  	[tilespmem:$0x2B80] =	vst v0  }
0x2a: {  	[tilespmem:$0x2B70] =	vst v0  }
0x2b: {  	[tilespmem:$0x2B60] =	vst v0  }
0x2c: {  	[tilespmem:$0x2B50] =	vst v0  }
0x2d: {  	[tilespmem:$0x2B40] =	vst v0  }
0x2e: {  	[tilespmem:$0x2B30] =	vst v0  }
0x2f: {  	[tilespmem:$0x2B20] =	vst v0  }
0x30: {  	[tilespmem:$0x2B10] =	vst v0  }
0x31: {  	[tilespmem:$0x2B00] =	vst v0  }
0x32: {  	[tilespmem:$0x2AF0] =	vst v0  }
0x33: {  	[tilespmem:$0x2AE0] =	vst v0  }
0x34: {  	[tilespmem:$0x2AD0] =	vst v0  }
0x35: {  	[tilespmem:$0x2AC0] =	vst v0  }
0x36: {  	[tilespmem:$0x2AB0] =	vst v0  }
0x37: {  	[tilespmem:$0x2AA0] =	vst v0  }
0x38: {  	[tilespmem:$0x2A90] =	vst v0  }
0x39: {  	[tilespmem:$0x2A80] =	vst v0  }
0x3a: {  	[tilespmem:$0x2A70] =	vst v0  }
0x3b: {  	[tilespmem:$0x2A60] =	vst v0  }
0x3c: {  	[tilespmem:$0x2A50] =	vst v0  }
0x3d: {  	[tilespmem:$0x2A40] =	vst v0  }
0x3e: {  	[tilespmem:$0x2A30] =	vst v0  }
0x3f: {  	[tilespmem:$0x2A20] =	vst v0  }
0x40: {  	[tilespmem:$0x2A10] =	vst v0  }
0x41: {  	s5 =	srdreg.scid;
	[tilespmem:$0x2A00] =	vst v0  }
0x42: {  	s3 =	stileid.u32;
	s28 =	sand.u32 $0x1, s5;
	[tilespmem:$0x29F0] =	vst v0  }
0x43: {  	s6 =	smul.u32 $0x280, s3;
	s5 =	sshll.u32 s28, $0x4;
	[tilespmem:$0x29E0] =	vst v0  }
0x44: {  	s7 =	smul.u32 $0x2800, s28;
	[tilespmem:$0x29D0] =	vst v0;
	s5 =	sor.u32 s3, s5  }
0x45: {  	[tilespmem:$0x29C0] =	vst v0;
	s5 =	smul.u32 $0x4EC, s5  }
0x46: {  	s8 =	simm.s32 $0x2960;
	[tilespmem:$0x29B0] =	vst v0;
	s7 =	sadd.s32 s6, s7  }
0x47: {  	[dreg:$0x5] =	wrdreg s8;
	[tilespmem:$0x29A0] =	vst v0;
	s7 =	sshrl.u32 s7, $0x3;
	s5 =	sadd.s32 s5, s4  }
0x48: {  	[tilespmem:$0x2990] =	vst v0;
	s25 =	rddreg [dreg:$0x5];
	s4 =	sadd.s32 s7, s4;
	s5 =	sadd.s32 $0x1600, s5  }
0x49: {  	[tilespmem:$0x2980] =	vst v0;
	s26 =	sadd.s32 $0xB400, s4;
	[dreg:$0x3] =	wrdreg s5  }
0x4a: {  	[tilespmem:$0x2970] =	vst v0;
	s4 =	sadd.s32 s6, s1;
	[dreg:$0x4] =	wrdreg s26;
	s5 =	simm.s32 $0x1  }
0x4b: {  	[spmem:s4] =	stream.linear.scatter [tilespmem:s25], [sflag:$0x1], $0x280, $0x38;
	[tilespmem:$0x2E60] =	vst v63  }
0x4c: {  	_ =	swait.ge [sflag:s5], $0x280  }
0x4d: {  	[sflag:s5] =	ssyncset.done $0x0  }
0x4e: {  	[sflag:s5] =	ssyncadd.s32 $0xFFFFFD80  }
0x4f: {  	[bflag:$0x0] =	sbarrier.arrive $0xFFFF  }
0x50: {  	s31 =	rddreg [dreg:$0x3]  }
0x51: {  	[tilespmem:s2], [sflag:$0x1] =	stream.linear.gather [hbm4b:s31+s2], $0x2760, $0x38;
	[tilespmem:$0x2E60] =	vst v63  }
0x52: {  	_ =	swait.ge [sflag:s5], $0x2760  }
0x53: {  	[sflag:s5] =	ssyncset.done $0x0  }
0x54: {  	s7 =	simm.s32 $0x2760;
	s6 =	simm.s32 $0x1F4;
	[sflag:s5] =	ssyncadd.s32 $0xFFFFD8A0  }
0x55: {  	[spmem:s1] =	stream.indirect.scatter.add.f32 [tilespmem:s7], [sflag:$0x1], $0x1, s2, s6, $0xb8;
	[tilespmem:$0x2E60] =	vst v63  }
0x56: {  	_ =	swait.ge [sflag:s5], $0x1F4  }
0x57: {  	[sflag:s5] =	ssyncset.done $0x0  }
0x58: {  	s8 =	simm.s32 $0x1F8;
	[sflag:s5] =	ssyncadd.s32 $0xFFFFFE0C  }
0x59: {  	[spmem:s1] =	stream.indirect.scatter.add.f32 [tilespmem:s7], [sflag:$0x1], $0x1, s8, s6, $0xb8;
	[tilespmem:$0x2E60] =	vst v63  }
0x5a: {  	_ =	swait.ge [sflag:s5], $0x1F4  }
0x5b: {  	[sflag:s5] =	ssyncset.done $0x0  }
0x5c: {  	s9 =	simm.s32 $0x3F0;
	[sflag:s5] =	ssyncadd.s32 $0xFFFFFE0C  }
0x5d: {  	[spmem:s1] =	stream.indirect.scatter.add.f32 [tilespmem:s7], [sflag:$0x1], $0x1, s9, s6, $0xb8;
	[tilespmem:$0x2E60] =	vst v63  }
0x5e: {  	_ =	swait.ge [sflag:s5], $0x1F4  }
0x5f: {  	[sflag:s5] =	ssyncset.done $0x0  }
0x60: {  	s10 =	simm.s32 $0x5E8;
	[sflag:s5] =	ssyncadd.s32 $0xFFFFFE0C  }
0x61: {  	[spmem:s1] =	stream.indirect.scatter.add.f32 [tilespmem:s7], [sflag:$0x1], $0x1, s10, s6, $0xb8;
	[tilespmem:$0x2E60] =	vst v63  }
0x62: {  	_ =	swait.ge [sflag:s5], $0x1F4  }
0x63: {  	[sflag:s5] =	ssyncset.done $0x0  }
0x64: {  	s11 =	simm.s32 $0x7E0;
	[sflag:s5] =	ssyncadd.s32 $0xFFFFFE0C  }
0x65: {  	[spmem:s1] =	stream.indirect.scatter.add.f32 [tilespmem:s7], [sflag:$0x1], $0x1, s11, s6, $0xb8;
	[tilespmem:$0x2E60] =	vst v63  }
0x66: {  	_ =	swait.ge [sflag:s5], $0x1F4  }
0x67: {  	[sflag:s5] =	ssyncset.done $0x0  }
0x68: {  	s12 =	simm.s32 $0x9D8;
	[sflag:s5] =	ssyncadd.s32 $0xFFFFFE0C  }
0x69: {  	[spmem:s1] =	stream.indirect.scatter.add.f32 [tilespmem:s7], [sflag:$0x1], $0x1, s12, s6, $0xb8;
	[tilespmem:$0x2E60] =	vst v63  }
0x6a: {  	_ =	swait.ge [sflag:s5], $0x1F4  }
0x6b: {  	[sflag:s5] =	ssyncset.done $0x0  }
0x6c: {  	s13 =	simm.s32 $0xBD0;
	[sflag:s5] =	ssyncadd.s32 $0xFFFFFE0C  }
0x6d: {  	[spmem:s1] =	stream.indirect.scatter.add.f32 [tilespmem:s7], [sflag:$0x1], $0x1, s13, s6, $0xb8;
	[tilespmem:$0x2E60] =	vst v63  }
0x6e: {  	_ =	swait.ge [sflag:s5], $0x1F4  }
0x6f: {  	[sflag:s5] =	ssyncset.done $0x0  }
0x70: {  	s14 =	simm.s32 $0xDC8;
	[sflag:s5] =	ssyncadd.s32 $0xFFFFFE0C  }
0x71: {  	[spmem:s1] =	stream.indirect.scatter.add.f32 [tilespmem:s7], [sflag:$0x1], $0x1, s14, s6, $0xb8;
	[tilespmem:$0x2E60] =	vst v63  }
0x72: {  	_ =	swait.ge [sflag:s5], $0x1F4  }
0x73: {  	[sflag:s5] =	ssyncset.done $0x0  }
0x74: {  	s15 =	simm.s32 $0xFC0;
	[sflag:s5] =	ssyncadd.s32 $0xFFFFFE0C  }
0x75: {  	[spmem:s1] =	stream.indirect.scatter.add.f32 [tilespmem:s7], [sflag:$0x1], $0x1, s15, s6, $0xb8;
	[tilespmem:$0x2E60] =	vst v63  }
0x76: {  	_ =	swait.ge [sflag:s5], $0x1F4  }
0x77: {  	[sflag:s5] =	ssyncset.done $0x0  }
0x78: {  	s16 =	simm.s32 $0x11B8;
	[sflag:s5] =	ssyncadd.s32 $0xFFFFFE0C  }
0x79: {  	[spmem:s1] =	stream.indirect.scatter.add.f32 [tilespmem:s7], [sflag:$0x1], $0x1, s16, s6, $0xb8;
	[tilespmem:$0x2E60] =	vst v63  }
0x7a: {  	_ =	swait.ge [sflag:s5], $0x1F4  }
0x7b: {  	[sflag:s5] =	ssyncset.done $0x0  }
0x7c: {  	s17 =	simm.s32 $0x13B0;
	[sflag:s5] =	ssyncadd.s32 $0xFFFFFE0C  }
0x7d: {  	[spmem:s1] =	stream.indirect.scatter.add.f32 [tilespmem:s7], [sflag:$0x1], $0x1, s17, s6, $0xb8;
	[tilespmem:$0x2E60] =	vst v63  }
0x7e: {  	_ =	swait.ge [sflag:s5], $0x1F4  }
0x7f: {  	[sflag:s5] =	ssyncset.done $0x0  }
0x80: {  	s18 =	simm.s32 $0x15A8;
	[sflag:s5] =	ssyncadd.s32 $0xFFFFFE0C  }
0x81: {  	[spmem:s1] =	stream.indirect.scatter.add.f32 [tilespmem:s7], [sflag:$0x1], $0x1, s18, s6, $0xb8;
	[tilespmem:$0x2E60] =	vst v63  }
0x82: {  	_ =	swait.ge [sflag:s5], $0x1F4  }
0x83: {  	[sflag:s5] =	ssyncset.done $0x0  }
0x84: {  	s19 =	simm.s32 $0x17A0;
	[sflag:s5] =	ssyncadd.s32 $0xFFFFFE0C  }
0x85: {  	[spmem:s1] =	stream.indirect.scatter.add.f32 [tilespmem:s7], [sflag:$0x1], $0x1, s19, s6, $0xb8;
	[tilespmem:$0x2E60] =	vst v63  }
0x86: {  	_ =	swait.ge [sflag:s5], $0x1F4  }
0x87: {  	[sflag:s5] =	ssyncset.done $0x0  }
0x88: {  	s20 =	simm.s32 $0x1998;
	[sflag:s5] =	ssyncadd.s32 $0xFFFFFE0C  }
0x89: {  	[spmem:s1] =	stream.indirect.scatter.add.f32 [tilespmem:s7], [sflag:$0x1], $0x1, s20, s6, $0xb8;
	[tilespmem:$0x2E60] =	vst v63  }
0x8a: {  	_ =	swait.ge [sflag:s5], $0x1F4  }
0x8b: {  	[sflag:s5] =	ssyncset.done $0x0  }
0x8c: {  	s21 =	simm.s32 $0x1B90;
	[sflag:s5] =	ssyncadd.s32 $0xFFFFFE0C  }
0x8d: {  	[spmem:s1] =	stream.indirect.scatter.add.f32 [tilespmem:s7], [sflag:$0x1], $0x1, s21, s6, $0xb8;
	[tilespmem:$0x2E60] =	vst v63  }
0x8e: {  	_ =	swait.ge [sflag:s5], $0x1F4  }
0x8f: {  	[sflag:s5] =	ssyncset.done $0x0  }
0x90: {  	s22 =	simm.s32 $0x1D88;
	[sflag:s5] =	ssyncadd.s32 $0xFFFFFE0C  }
0x91: {  	[spmem:s1] =	stream.indirect.scatter.add.f32 [tilespmem:s7], [sflag:$0x1], $0x1, s22, s6, $0xb8;
	[tilespmem:$0x2E60] =	vst v63  }
0x92: {  	_ =	swait.ge [sflag:s5], $0x1F4  }
0x93: {  	[sflag:s5] =	ssyncset.done $0x0  }
0x94: {  	s23 =	simm.s32 $0x1F80;
	[sflag:s5] =	ssyncadd.s32 $0xFFFFFE0C  }
0x95: {  	[spmem:s1] =	stream.indirect.scatter.add.f32 [tilespmem:s7], [sflag:$0x1], $0x1, s23, s6, $0xb8;
	[tilespmem:$0x2E60] =	vst v63  }
0x96: {  	_ =	swait.ge [sflag:s5], $0x1F4  }
0x97: {  	[sflag:s5] =	ssyncset.done $0x0  }
0x98: {  	s24 =	simm.s32 $0x2178;
	[sflag:s5] =	ssyncadd.s32 $0xFFFFFE0C  }
0x99: {  	[spmem:s1] =	stream.indirect.scatter.add.f32 [tilespmem:s7], [sflag:$0x1], $0x1, s24, s6, $0xb8;
	[tilespmem:$0x2E60] =	vst v63  }
0x9a: {  	_ =	swait.ge [sflag:s5], $0x1F4  }
0x9b: {  	[sflag:s5] =	ssyncset.done $0x0  }
0x9c: {  	s25 =	simm.s32 $0x2370;
	[sflag:s5] =	ssyncadd.s32 $0xFFFFFE0C  }
0x9d: {  	[spmem:s1] =	stream.indirect.scatter.add.f32 [tilespmem:s7], [sflag:$0x1], $0x1, s25, s6, $0xb8;
	[tilespmem:$0x2E60] =	vst v63  }
0x9e: {  	_ =	swait.ge [sflag:s5], $0x1F4  }
0x9f: {  	s28 =	ssub.s32 $0x2, s28;
	[sflag:s5] =	ssyncset.done $0x0  }
0xa0: {  	s29 =	sshrl.u32 s28, $0x1;
	s26 =	simm.s32 $0x2568;
	[sflag:s5] =	ssyncadd.s32 $0xFFFFFE0C  }
0xa1: {  	[spmem:s1] =	stream.indirect.scatter.add.f32 [tilespmem:s7], [sflag:$0x1], $0x1, s26, s6, $0xb8;
	[tilespmem:$0x2E60] =	vst v63  }
0xa2: {  	s0 =	ssub.s32 s28, s29;
	_ =	swait.ge [sflag:s5], $0x1F4  }
0xa3: {  	s0 =	smax.u32 s0, $0x1;
	[sflag:s5] =	ssyncset.done $0x0  }
0xa4: {  	p0 =	sne.s32 s0, $0x1;
	[sflag:s5] =	ssyncadd.s32 $0xFFFFFE0C  }
.Ltmp0:
0xa5: {  	s31 =	sshll.u32 s3, $0x6;
	[bflag:$0x0] =	sbarrier.arrive $0xFFFF;
	(pc) =	sbr.rel @!p0 .LBB2_2-.Ltmp0, $4  }
0xa6: {  	s29 =	sshrl.u32 s4, $0x3;
	s28 =	sor.u32 $0x1C01, s31;
	s30 =	rddreg [dreg:$0x4]  }
0xa7: {  	[hbm:s30], [sflag:s28] =	dma.local [spmem:s29], $0x50  }
0xa8: {  	_ =	swait.ge [sflag:s5], $0x50  }
0xa9: {  	s30 =	sadd.s32 $0xFFFFFFFF, s0;
	[sflag:s5] =	ssyncset.done $0x0  }
.LBB2_1:
0xaa: {  	[sflag:s5] =	ssyncadd.s32 $0xFFFFFFB0  }
0xab: {  	[tilespmem:$0x2960] =	vst v0  }
0xac: {  	[tilespmem:$0x2950] =	vst v1  }
0xad: {  	[tilespmem:$0x2940] =	vst v1  }
0xae: {  	[tilespmem:$0x2930] =	vst v1  }
0xaf: {  	[tilespmem:$0x2920] =	vst v1  }
0xb0: {  	[tilespmem:$0x2910] =	vst v1  }
0xb1: {  	[tilespmem:$0x2900] =	vst v1  }
0xb2: {  	[tilespmem:$0x28F0] =	vst v1  }
0xb3: {  	[tilespmem:$0x28E0] =	vst v1  }
0xb4: {  	[tilespmem:$0x28D0] =	vst v1  }
0xb5: {  	[tilespmem:$0x28C0] =	vst v1  }
0xb6: {  	[tilespmem:$0x28B0] =	vst v1  }
0xb7: {  	[tilespmem:$0x28A0] =	vst v1  }
0xb8: {  	[tilespmem:$0x2890] =	vst v1  }
0xb9: {  	[tilespmem:$0x2880] =	vst v1  }
0xba: {  	[tilespmem:$0x2870] =	vst v1  }
0xbb: {  	[tilespmem:$0x2860] =	vst v1  }
0xbc: {  	[tilespmem:$0x2850] =	vst v1  }
0xbd: {  	[tilespmem:$0x2840] =	vst v1  }
0xbe: {  	[tilespmem:$0x2830] =	vst v1  }
0xbf: {  	[tilespmem:$0x2820] =	vst v1  }
0xc0: {  	[tilespmem:$0x2810] =	vst v1  }
0xc1: {  	[tilespmem:$0x2800] =	vst v1  }
0xc2: {  	[tilespmem:$0x27F0] =	vst v1  }
0xc3: {  	[tilespmem:$0x27E0] =	vst v1  }
0xc4: {  	[tilespmem:$0x27D0] =	vst v1  }
0xc5: {  	[tilespmem:$0x27C0] =	vst v1  }
0xc6: {  	[tilespmem:$0x27B0] =	vst v1  }
0xc7: {  	[tilespmem:$0x27A0] =	vst v1  }
0xc8: {  	[tilespmem:$0x2790] =	vst v1  }
0xc9: {  	[tilespmem:$0x2780] =	vst v1  }
0xca: {  	[tilespmem:$0x2770] =	vst v1  }
0xcb: {  	[tilespmem:$0x2760] =	vst v1  }
0xcc: {  	[tilespmem:$0x2BD0] =	vst v0  }
0xcd: {  	[tilespmem:$0x2BC0] =	vst v0  }
0xce: {  	[tilespmem:$0x2BB0] =	vst v0  }
0xcf: {  	[tilespmem:$0x2BA0] =	vst v0  }
0xd0: {  	[tilespmem:$0x2B90] =	vst v0  }
0xd1: {  	[tilespmem:$0x2B80] =	vst v0  }
0xd2: {  	[tilespmem:$0x2B70] =	vst v0  }
0xd3: {  	[tilespmem:$0x2B60] =	vst v0  }
0xd4: {  	[tilespmem:$0x2B50] =	vst v0  }
0xd5: {  	[tilespmem:$0x2B40] =	vst v0  }
0xd6: {  	[tilespmem:$0x2B30] =	vst v0  }
0xd7: {  	[tilespmem:$0x2B20] =	vst v0  }
0xd8: {  	[tilespmem:$0x2B10] =	vst v0  }
0xd9: {  	[tilespmem:$0x2B00] =	vst v0  }
0xda: {  	[tilespmem:$0x2AF0] =	vst v0  }
0xdb: {  	[tilespmem:$0x2AE0] =	vst v0  }
0xdc: {  	[tilespmem:$0x2AD0] =	vst v0  }
0xdd: {  	[tilespmem:$0x2AC0] =	vst v0  }
0xde: {  	[tilespmem:$0x2AB0] =	vst v0  }
0xdf: {  	[tilespmem:$0x2AA0] =	vst v0  }
0xe0: {  	[tilespmem:$0x2A90] =	vst v0  }
0xe1: {  	[tilespmem:$0x2A80] =	vst v0  }
0xe2: {  	[tilespmem:$0x2A70] =	vst v0  }
0xe3: {  	[tilespmem:$0x2A60] =	vst v0  }
0xe4: {  	[tilespmem:$0x2A50] =	vst v0  }
0xe5: {  	[tilespmem:$0x2A40] =	vst v0  }
0xe6: {  	[tilespmem:$0x2A30] =	vst v0  }
0xe7: {  	[tilespmem:$0x2A20] =	vst v0  }
0xe8: {  	[tilespmem:$0x2A10] =	vst v0  }
0xe9: {  	[tilespmem:$0x2A00] =	vst v0  }
0xea: {  	[tilespmem:$0x29F0] =	vst v0  }
0xeb: {  	[tilespmem:$0x29E0] =	vst v0  }
0xec: {  	[tilespmem:$0x29D0] =	vst v0  }
0xed: {  	[tilespmem:$0x29C0] =	vst v0  }
0xee: {  	[tilespmem:$0x29B0] =	vst v0  }
0xef: {  	[tilespmem:$0x29A0] =	vst v0  }
0xf0: {  	[tilespmem:$0x2990] =	vst v0  }
0xf1: {  	[tilespmem:$0x2980] =	vst v0  }
0xf2: {  	s0 =	rddreg [dreg:$0x5];
	[tilespmem:$0x2970] =	vst v0  }
0xf3: {  	[spmem:s4] =	stream.linear.scatter [tilespmem:s0], [sflag:$0x1], $0x280, $0x38;
	[tilespmem:$0x2E60] =	vst v63  }
0xf4: {  	_ =	swait.ge [sflag:s5], $0x280  }
0xf5: {  	[sflag:s5] =	ssyncset.done $0x0  }
0xf6: {  	[sflag:s5] =	ssyncadd.s32 $0xFFFFFD80  }
0xf7: {  	[bflag:$0x0] =	sbarrier.arrive $0xFFFF  }
0xf8: {  	s31 =	rddreg [dreg:$0x3]  }
0xf9: {  	[tilespmem:s2], [sflag:$0x1] =	stream.linear.gather [hbm4b:s31+s2], $0x2760, $0x38;
	[tilespmem:$0x2E60] =	vst v63  }
0xfa: {  	_ =	swait.ge [sflag:s5], $0x2760  }
0xfb: {  	[sflag:s5] =	ssyncset.done $0x0  }
0xfc: {  	[sflag:s5] =	ssyncadd.s32 $0xFFFFD8A0  }
0xfd: {  	[spmem:s1] =	stream.indirect.scatter.add.f32 [tilespmem:s7], [sflag:$0x1], $0x1, s2, s6, $0xb8;
	[tilespmem:$0x2E60] =	vst v63  }
0xfe: {  	_ =	swait.ge [sflag:s5], $0x1F4  }
0xff: {  	[sflag:s5] =	ssyncset.done $0x0  }
0x100: {  	[sflag:s5] =	ssyncadd.s32 $0xFFFFFE0C  }
0x101: {  	[spmem:s1] =	stream.indirect.scatter.add.f32 [tilespmem:s7], [sflag:$0x1], $0x1, s8, s6, $0xb8;
	[tilespmem:$0x2E60] =	vst v63  }
0x102: {  	_ =	swait.ge [sflag:s5], $0x1F4  }
0x103: {  	[sflag:s5] =	ssyncset.done $0x0  }
0x104: {  	[sflag:s5] =	ssyncadd.s32 $0xFFFFFE0C  }
0x105: {  	[spmem:s1] =	stream.indirect.scatter.add.f32 [tilespmem:s7], [sflag:$0x1], $0x1, s9, s6, $0xb8;
	[tilespmem:$0x2E60] =	vst v63  }
0x106: {  	_ =	swait.ge [sflag:s5], $0x1F4  }
0x107: {  	[sflag:s5] =	ssyncset.done $0x0  }
0x108: {  	[sflag:s5] =	ssyncadd.s32 $0xFFFFFE0C  }
0x109: {  	[spmem:s1] =	stream.indirect.scatter.add.f32 [tilespmem:s7], [sflag:$0x1], $0x1, s10, s6, $0xb8;
	[tilespmem:$0x2E60] =	vst v63  }
0x10a: {  	_ =	swait.ge [sflag:s5], $0x1F4  }
0x10b: {  	[sflag:s5] =	ssyncset.done $0x0  }
0x10c: {  	[sflag:s5] =	ssyncadd.s32 $0xFFFFFE0C  }
0x10d: {  	[spmem:s1] =	stream.indirect.scatter.add.f32 [tilespmem:s7], [sflag:$0x1], $0x1, s11, s6, $0xb8;
	[tilespmem:$0x2E60] =	vst v63  }
0x10e: {  	_ =	swait.ge [sflag:s5], $0x1F4  }
0x10f: {  	[sflag:s5] =	ssyncset.done $0x0  }
0x110: {  	[sflag:s5] =	ssyncadd.s32 $0xFFFFFE0C  }
0x111: {  	[spmem:s1] =	stream.indirect.scatter.add.f32 [tilespmem:s7], [sflag:$0x1], $0x1, s12, s6, $0xb8;
	[tilespmem:$0x2E60] =	vst v63  }
0x112: {  	_ =	swait.ge [sflag:s5], $0x1F4  }
0x113: {  	[sflag:s5] =	ssyncset.done $0x0  }
0x114: {  	[sflag:s5] =	ssyncadd.s32 $0xFFFFFE0C  }
0x115: {  	[spmem:s1] =	stream.indirect.scatter.add.f32 [tilespmem:s7], [sflag:$0x1], $0x1, s13, s6, $0xb8;
	[tilespmem:$0x2E60] =	vst v63  }
0x116: {  	_ =	swait.ge [sflag:s5], $0x1F4  }
0x117: {  	[sflag:s5] =	ssyncset.done $0x0  }
0x118: {  	[sflag:s5] =	ssyncadd.s32 $0xFFFFFE0C  }
0x119: {  	[spmem:s1] =	stream.indirect.scatter.add.f32 [tilespmem:s7], [sflag:$0x1], $0x1, s14, s6, $0xb8;
	[tilespmem:$0x2E60] =	vst v63  }
0x11a: {  	_ =	swait.ge [sflag:s5], $0x1F4  }
0x11b: {  	[sflag:s5] =	ssyncset.done $0x0  }
0x11c: {  	[sflag:s5] =	ssyncadd.s32 $0xFFFFFE0C  }
0x11d: {  	[spmem:s1] =	stream.indirect.scatter.add.f32 [tilespmem:s7], [sflag:$0x1], $0x1, s15, s6, $0xb8;
	[tilespmem:$0x2E60] =	vst v63  }
0x11e: {  	_ =	swait.ge [sflag:s5], $0x1F4  }
0x11f: {  	[sflag:s5] =	ssyncset.done $0x0  }
0x120: {  	[sflag:s5] =	ssyncadd.s32 $0xFFFFFE0C  }
0x121: {  	[spmem:s1] =	stream.indirect.scatter.add.f32 [tilespmem:s7], [sflag:$0x1], $0x1, s16, s6, $0xb8;
	[tilespmem:$0x2E60] =	vst v63  }
0x122: {  	_ =	swait.ge [sflag:s5], $0x1F4  }
0x123: {  	[sflag:s5] =	ssyncset.done $0x0  }
0x124: {  	[sflag:s5] =	ssyncadd.s32 $0xFFFFFE0C  }
0x125: {  	[spmem:s1] =	stream.indirect.scatter.add.f32 [tilespmem:s7], [sflag:$0x1], $0x1, s17, s6, $0xb8;
	[tilespmem:$0x2E60] =	vst v63  }
0x126: {  	_ =	swait.ge [sflag:s5], $0x1F4  }
0x127: {  	[sflag:s5] =	ssyncset.done $0x0  }
0x128: {  	[sflag:s5] =	ssyncadd.s32 $0xFFFFFE0C  }
0x129: {  	[spmem:s1] =	stream.indirect.scatter.add.f32 [tilespmem:s7], [sflag:$0x1], $0x1, s18, s6, $0xb8;
	[tilespmem:$0x2E60] =	vst v63  }
0x12a: {  	_ =	swait.ge [sflag:s5], $0x1F4  }
0x12b: {  	[sflag:s5] =	ssyncset.done $0x0  }
0x12c: {  	[sflag:s5] =	ssyncadd.s32 $0xFFFFFE0C  }
0x12d: {  	[spmem:s1] =	stream.indirect.scatter.add.f32 [tilespmem:s7], [sflag:$0x1], $0x1, s19, s6, $0xb8;
	[tilespmem:$0x2E60] =	vst v63  }
0x12e: {  	_ =	swait.ge [sflag:s5], $0x1F4  }
0x12f: {  	[sflag:s5] =	ssyncset.done $0x0  }
0x130: {  	[sflag:s5] =	ssyncadd.s32 $0xFFFFFE0C  }
0x131: {  	[spmem:s1] =	stream.indirect.scatter.add.f32 [tilespmem:s7], [sflag:$0x1], $0x1, s20, s6, $0xb8;
	[tilespmem:$0x2E60] =	vst v63  }
0x132: {  	_ =	swait.ge [sflag:s5], $0x1F4  }
0x133: {  	[sflag:s5] =	ssyncset.done $0x0  }
0x134: {  	[sflag:s5] =	ssyncadd.s32 $0xFFFFFE0C  }
0x135: {  	[spmem:s1] =	stream.indirect.scatter.add.f32 [tilespmem:s7], [sflag:$0x1], $0x1, s21, s6, $0xb8;
	[tilespmem:$0x2E60] =	vst v63  }
0x136: {  	_ =	swait.ge [sflag:s5], $0x1F4  }
0x137: {  	[sflag:s5] =	ssyncset.done $0x0  }
0x138: {  	[sflag:s5] =	ssyncadd.s32 $0xFFFFFE0C  }
0x139: {  	[spmem:s1] =	stream.indirect.scatter.add.f32 [tilespmem:s7], [sflag:$0x1], $0x1, s22, s6, $0xb8;
	[tilespmem:$0x2E60] =	vst v63  }
0x13a: {  	_ =	swait.ge [sflag:s5], $0x1F4  }
0x13b: {  	[sflag:s5] =	ssyncset.done $0x0  }
0x13c: {  	[sflag:s5] =	ssyncadd.s32 $0xFFFFFE0C  }
0x13d: {  	[spmem:s1] =	stream.indirect.scatter.add.f32 [tilespmem:s7], [sflag:$0x1], $0x1, s23, s6, $0xb8;
	[tilespmem:$0x2E60] =	vst v63  }
0x13e: {  	_ =	swait.ge [sflag:s5], $0x1F4  }
0x13f: {  	[sflag:s5] =	ssyncset.done $0x0  }
0x140: {  	[sflag:s5] =	ssyncadd.s32 $0xFFFFFE0C  }
0x141: {  	[spmem:s1] =	stream.indirect.scatter.add.f32 [tilespmem:s7], [sflag:$0x1], $0x1, s24, s6, $0xb8;
	[tilespmem:$0x2E60] =	vst v63  }
0x142: {  	_ =	swait.ge [sflag:s5], $0x1F4  }
0x143: {  	[sflag:s5] =	ssyncset.done $0x0  }
0x144: {  	[sflag:s5] =	ssyncadd.s32 $0xFFFFFE0C  }
0x145: {  	[spmem:s1] =	stream.indirect.scatter.add.f32 [tilespmem:s7], [sflag:$0x1], $0x1, s25, s6, $0xb8;
	[tilespmem:$0x2E60] =	vst v63  }
0x146: {  	_ =	swait.ge [sflag:s5], $0x1F4  }
0x147: {  	[sflag:s5] =	ssyncset.done $0x0  }
0x148: {  	[sflag:s5] =	ssyncadd.s32 $0xFFFFFE0C  }
0x149: {  	[spmem:s1] =	stream.indirect.scatter.add.f32 [tilespmem:s7], [sflag:$0x1], $0x1, s26, s6, $0xb8;
	[tilespmem:$0x2E60] =	vst v63  }
0x14a: {  	_ =	swait.ge [sflag:s5], $0x1F4  }
0x14b: {  	[sflag:s5] =	ssyncset.done $0x0  }
0x14c: {  	p0 =	sne.s32 s30, $0x1;
	[sflag:s5] =	ssyncadd.s32 $0xFFFFFE0C  }
.Ltmp1:
0x14d: {  	[bflag:$0x0] =	sbarrier.arrive $0xFFFF;
	(pc) =	sbr.rel @p0 .LBB2_1-.Ltmp1, $4  }
0x14e: {  	s31 =	rddreg [dreg:$0x4]  }
0x14f: {  	[hbm:s31], [sflag:s28] =	dma.local [spmem:s29], $0x50  }
0x150: {  	_ =	swait.ge [sflag:s5], $0x50  }
0x151: {  	s30 =	sadd.s32 $0xFFFFFFFF, s30;
	[sflag:s5] =	ssyncset.done $0x0  }
.LBB2_2:
0x152: {  	[sflag:s5] =	ssyncadd.s32 $0xFFFFFFB0  }
0x153: {  	_ =	sfence.sel $0x180000  }
0x154: {  	[bflag:$0x0] =	sbarrier.arrive $0xFFFF  }
0x155: {  	_ =	strace $0x90000047  }
0x156: {  	[bflag:$0x2] =	sbarrier.arrive $0xFFFF  }
0x157: {  	p0 =	sne.s32 s3, $0x0;
	s0 =	rddreg [dreg:$0x2]  }
0x158: {  	s0 =	sadd.s32 @!p0 $0x100000, s0  }
0x159: {  	[sflag:s0] =	ssyncadd.tile.s32 @!p0 $0x1;
	_ =	shalt  }
.Lfunc_end2:
_tile_overlayer_lowered:
.L_overlay_start_2:
0x15a: {  	(tag) =	ssettag $0x2  }
0x15b: {  	s0 =	rddreg [dreg:$0x0];
	s2 =	stileid.u32  }
0x15c: {  	s1 =	rddreg [dreg:$0x1];
	p0 =	sne.s32 s2, $0x0  }
0x15d: {  	s3 =	rddreg [dreg:$0x2];
	[bflag:$0x3] =	sbarrier.arrive $0xFFFF;
	s2 =	simm.s32 @!p0 $0x1C01  }
0x15e: {  	[timem:s3], [sflag:s2] =	dma.local @!p0 [hbm:s0], s1  }
0x15f: {  	s0 =	simm.s32 @!p0 $0x1  }
0x160: {  	_ =	swait.ge @!p0 [sflag:s0], s1  }
0x161: {  	s1 =	ssub.s32 @!p0 $0x0, s1;
	[sflag:s0] =	ssyncset.done @!p0 $0x0  }
0x162: {  	[sflag:s0] =	ssyncadd.s32 @!p0 s1  }
0x163: {  	[bflag:$0x3] =	sbarrier.arrive $0xFFFF  }
0x164: {  	_ =	shalt  }

</sc_bundles>
